<compile_context>
chip_gen: v7x
topology: tpu7x:2x2x1
jax: 0.10.2.dev20260603
libtpu: 0.0.44.dev20260713+nightly
codegen_flags: <defaults>
</compile_context>

<pallas_src>
import functools

import jax
import jax.numpy as jnp
from jax import lax
from jax.experimental import pallas as pl
from jax.experimental.pallas import tpu as pltpu
from jax.experimental.pallas import tpu_sc as plsc

_NUM_CORES = 2
_NUM_SUBCORES = 16
_NUM_WORKERS = _NUM_CORES * _NUM_SUBCORES
_BBLK = 1024
_L = 16


@functools.lru_cache(maxsize=None)
def _gather_call(NB, NS, V, D):
    assert D == 32 and NB % _BBLK == 0
    n_units = NS * (NB // _BBLK)
    units_per_w = n_units // _NUM_WORKERS
    assert units_per_w * _NUM_WORKERS == n_units
    blk_per_s = NB // _BBLK
    DT, DI = D // 8, 8
    BT = _BBLK // 128
    mesh = plsc.VectorSubcoreMesh(core_axis_name="c", subcore_axis_name="s")

    @functools.partial(
        pl.kernel,
        out_type=jax.ShapeDtypeStruct((NS, DT, NB // 128, DI, 128), jnp.float32),
        mesh=mesh,
        scratch_types=[
            pltpu.VMEM((_BBLK,), jnp.int32),
            pltpu.VMEM((_BBLK,), jnp.int32),
            pltpu.VMEM((_BBLK, D), jnp.float32),
            pltpu.VMEM((_BBLK, D), jnp.float32),
            pltpu.VMEM((DT, BT, DI, 129), jnp.float32),
            pltpu.SemaphoreType.DMA,
            pltpu.SemaphoreType.DMA,
        ],
        compiler_params=pltpu.CompilerParams(
            use_tc_tiling_on_sc=False, needs_layout_passes=False
        ),
    )
    def body(
        idx_hbm, table_hbm, out_hbm, idx0, idx1, rows0, rows1, t_v, sem0, sem1
    ):
        wid = lax.axis_index("s") * _NUM_CORES + lax.axis_index("c")
        lanes = lax.iota(jnp.int32, 16)
        dtv = [2 * h + lanes // 8 for h in (0, 1)]
        div = lanes % 8
        bufs = ((idx0, rows0, t_v, sem0), (idx1, rows1, t_v, sem1))

        def start(b, u):
            idx_v, rows_v, _, sem = bufs[b]
            s = u // blk_per_s
            blk = u % blk_per_s
            pltpu.sync_copy(
                idx_hbm.at[pl.ds(s * NB + blk * _BBLK, _BBLK)], idx_v
            )
            pltpu.async_copy(table_hbm.at[idx_v], rows_v, sem)

        def finish(b, u):
            idx_v, rows_v, t_v, sem = bufs[b]
            s = u // blk_per_s
            blk = u % blk_per_s
            pltpu.make_async_copy(table_hbm.at[idx_v], rows_v, sem).wait()

            @plsc.parallel_loop(0, _BBLK, step=8, unroll=4)
            def _rows(r0):
                for rr in range(8):
                    r = r0 + rr
                    btv = jnp.full((16,), r // 128, dtype=jnp.int32)
                    biv = jnp.full((16,), r % 128, dtype=jnp.int32)
                    for h in (0, 1):
                        vec = rows_v[r, pl.ds(16 * h, 16)]
                        plsc.store_scatter(t_v, [dtv[h], btv, div, biv], vec)

            for dt in range(DT):
                pltpu.sync_copy(
                    t_v.at[dt, :, :, pl.ds(0, 128)],
                    out_hbm.at[s, dt, pl.ds(blk * BT, BT)],
                )

        u0 = wid * units_per_w
        start(0, u0)

        @pl.loop(0, units_per_w // 2)
        def _pair(p):
            k = u0 + 2 * p
            start(1, k + 1)
            finish(0, k)

            @pl.when(2 * p + 2 < units_per_w)
            def _prefetch():
                start(0, k + 2)

            finish(1, k + 1)

    return body


def kernel(input, weight):
    NB, NS = input.shape
    V, D = weight.shape
    flat_idx = input.T.reshape(NB * NS)
    a5 = _gather_call(NB, NS, V, D)(flat_idx, weight)
    return a5.transpose(2, 4, 0, 1, 3).reshape(NB, NS, D)

# --- scband reference (transcript-rebuilt; emitter-appended) ---
"""Pipeline reference for scband-embedding-85950885527644 (READ-ONLY COPY).

The authoritative reference and input builder live on the scoring server;
editing this copy changes nothing except your own understanding.
"""

import jax, jax.numpy as jnp
import numpy as np

NUM_EMBEDDINGS = 1000000
EMBEDDING_DIM = 32

def setup_inputs(seed: int = 0) -> dict:
    key = jax.random.key(seed)
    k_idx, k_w = jax.random.split(key)
    input = jax.random.randint(k_idx, (16384, 100), 0, NUM_EMBEDDINGS, dtype=jnp.int64 if jax.config.jax_enable_x64 else jnp.int32)
    weight = jax.random.normal(k_w, (NUM_EMBEDDINGS, EMBEDDING_DIM), dtype=jnp.float32)
    return {"input": input, "weight": weight}

def reference(input, weight):
    # Equivalent of torch: self.weight[input]
    return jnp.take(weight, input, axis=0)

if __name__ == "__main__":
    import jax
    _d = setup_inputs()
    print(jax.jit(kernel)(*tuple(_d.values())))

</pallas_src>

<mosaic_0001>
#map = affine_map<(d0, d1) -> (0)>
#map1 = affine_map<(d0, d1) -> (0, 0)>
#map2 = affine_map<(d0, d1) -> (0, 0, 0, 0, 0)>
module attributes {stable_mosaic.version = 14 : i64} {
  func.func @body(%arg0: i32, %arg1: i32, %arg2: memref<1638400xi32, #tpu.memory_space<hbm>>, %arg3: memref<1000000x32xf32, #tpu.memory_space<hbm>>, %arg4: memref<100x4x128x8x128xf32, #tpu.memory_space<hbm>>, %arg5: memref<1024xi32, #tpu.memory_space<vmem>>, %arg6: memref<1024xi32, #tpu.memory_space<vmem>>, %arg7: memref<1024x32xf32, #tpu.memory_space<vmem>>, %arg8: memref<1024x32xf32, #tpu.memory_space<vmem>>, %arg9: memref<4x8x8x129xf32, #tpu.memory_space<vmem>>, %arg10: memref<!tpu.dma_semaphore, #tpu.memory_space<semaphore_mem>>, %arg11: memref<!tpu.dma_semaphore, #tpu.memory_space<semaphore_mem>>) attributes {dimension_semantics = [#tpu.dimension_semantics<core_parallel>, #tpu.dimension_semantics<subcore_parallel>], iteration_bounds = array<i64: 2, 16>, scalar_prefetch = 0 : i64, scratch_operands = 7 : i64, tpu.core_type = #tpu.core_type<sc_vector_subcore>, window_params = [{transform_indices = #map}, {transform_indices = #map1}, {transform_indices = #map2}]} {
    %mul3A = arith.constant 2 : i32
    %mul3A_0 = arith.muli %arg1, %mul3A : i32
    %add3A = arith.addi %mul3A_0, %arg0 : i32
    %iota3A = tpu.iota {dimensions = array<i32: 0>} : vector<16xi32>
    %jit3A = arith.constant 8 : i32
    %div3A = vector.broadcast %jit3A : i32 to vector<16xi32>
    %div3A_1 = arith.divsi %iota3A, %div3A : vector<16xi32>
    %sign3A = arith.constant 0 : i32
    %sign3A_2 = vector.broadcast %sign3A : i32 to vector<16xi32>
    %sign3A_3 = arith.cmpi sgt, %iota3A, %sign3A_2 : vector<16xi32>
    %sign3A_4 = arith.extui %sign3A_3 : vector<16xi1> to vector<16xi32>
    %sign3A_5 = arith.constant 0 : i32
    %sign3A_6 = vector.broadcast %sign3A_5 : i32 to vector<16xi32>
    %sign3A_7 = arith.cmpi slt, %iota3A, %sign3A_6 : vector<16xi32>
    %sign3A_8 = arith.extui %sign3A_7 : vector<16xi1> to vector<16xi32>
    %sign3A_9 = arith.subi %sign3A_4, %sign3A_8 : vector<16xi32>
    %sign3A_10 = arith.constant 0 : i32
    %sign3A_11 = arith.cmpi sgt, %jit3A, %sign3A_10 : i32
    %sign3A_12 = arith.extui %sign3A_11 : i1 to i32
    %sign3A_13 = arith.constant 0 : i32
    %sign3A_14 = arith.cmpi slt, %jit3A, %sign3A_13 : i32
    %sign3A_15 = arith.extui %sign3A_14 : i1 to i32
    %sign3A_16 = arith.subi %sign3A_12, %sign3A_15 : i32
    %ne3A = vector.broadcast %sign3A_16 : i32 to vector<16xi32>
    %ne3A_17 = arith.cmpi ne, %sign3A_9, %ne3A : vector<16xi32>
    %rem3A = vector.broadcast %jit3A : i32 to vector<16xi32>
    %rem3A_18 = arith.remsi %iota3A, %rem3A : vector<16xi32>
    %ne3A_19 = arith.constant 0 : i32
    %ne3A_20 = vector.broadcast %ne3A_19 : i32 to vector<16xi32>
    %ne3A_21 = arith.cmpi ne, %rem3A_18, %ne3A_20 : vector<16xi32>
    %and3A = arith.andi %ne3A_17, %ne3A_21 : vector<16xi1>
    %sub3A = arith.constant 1 : i32
    %sub3A_22 = vector.broadcast %sub3A : i32 to vector<16xi32>
    %sub3A_23 = arith.subi %div3A_1, %sub3A_22 : vector<16xi32>
    %select_n3A = arith.select %and3A, %sub3A_23, %div3A_1 : vector<16xi1>, vector<16xi32>
    %add3A_24 = arith.constant 0 : i32
    %add3A_25 = vector.broadcast %add3A_24 : i32 to vector<16xi32>
    %add3A_26 = arith.addi %add3A_25, %select_n3A : vector<16xi32>
    %jit3A_27 = arith.constant 8 : i32
    %div3A_28 = vector.broadcast %jit3A_27 : i32 to vector<16xi32>
    %div3A_29 = arith.divsi %iota3A, %div3A_28 : vector<16xi32>
    %sign3A_30 = arith.constant 0 : i32
    %sign3A_31 = vector.broadcast %sign3A_30 : i32 to vector<16xi32>
    %sign3A_32 = arith.cmpi sgt, %iota3A, %sign3A_31 : vector<16xi32>
    %sign3A_33 = arith.extui %sign3A_32 : vector<16xi1> to vector<16xi32>
    %sign3A_34 = arith.constant 0 : i32
    %sign3A_35 = vector.broadcast %sign3A_34 : i32 to vector<16xi32>
    %sign3A_36 = arith.cmpi slt, %iota3A, %sign3A_35 : vector<16xi32>
    %sign3A_37 = arith.extui %sign3A_36 : vector<16xi1> to vector<16xi32>
    %sign3A_38 = arith.subi %sign3A_33, %sign3A_37 : vector<16xi32>
    %sign3A_39 = arith.constant 0 : i32
    %sign3A_40 = arith.cmpi sgt, %jit3A_27, %sign3A_39 : i32
    %sign3A_41 = arith.extui %sign3A_40 : i1 to i32
    %sign3A_42 = arith.constant 0 : i32
    %sign3A_43 = arith.cmpi slt, %jit3A_27, %sign3A_42 : i32
    %sign3A_44 = arith.extui %sign3A_43 : i1 to i32
    %sign3A_45 = arith.subi %sign3A_41, %sign3A_44 : i32
    %ne3A_46 = vector.broadcast %sign3A_45 : i32 to vector<16xi32>
    %ne3A_47 = arith.cmpi ne, %sign3A_38, %ne3A_46 : vector<16xi32>
    %rem3A_48 = vector.broadcast %jit3A_27 : i32 to vector<16xi32>
    %rem3A_49 = arith.remsi %iota3A, %rem3A_48 : vector<16xi32>
    %ne3A_50 = arith.constant 0 : i32
    %ne3A_51 = vector.broadcast %ne3A_50 : i32 to vector<16xi32>
    %ne3A_52 = arith.cmpi ne, %rem3A_49, %ne3A_51 : vector<16xi32>
    %and3A_53 = arith.andi %ne3A_47, %ne3A_52 : vector<16xi1>
    %sub3A_54 = arith.constant 1 : i32
    %sub3A_55 = vector.broadcast %sub3A_54 : i32 to vector<16xi32>
    %sub3A_56 = arith.subi %div3A_29, %sub3A_55 : vector<16xi32>
    %select_n3A_57 = arith.select %and3A_53, %sub3A_56, %div3A_29 : vector<16xi1>, vector<16xi32>
    %add3A_58 = arith.constant 2 : i32
    %add3A_59 = vector.broadcast %add3A_58 : i32 to vector<16xi32>
    %add3A_60 = arith.addi %add3A_59, %select_n3A_57 : vector<16xi32>
    %jit3A_61 = arith.constant 8 : i32
    %eq3A = arith.constant 0 : i32
    %eq3A_62 = arith.cmpi eq, %jit3A_61, %eq3A : i32
    %jit3A_63 = arith.constant 1 : i32
    %select_n3A_64 = arith.select %eq3A_62, %jit3A_63, %jit3A_61 : i32
    %rem3A_65 = vector.broadcast %select_n3A_64 : i32 to vector<16xi32>
    %rem3A_66 = arith.remsi %iota3A, %rem3A_65 : vector<16xi32>
    %ne3A_67 = arith.constant 0 : i32
    %ne3A_68 = vector.broadcast %ne3A_67 : i32 to vector<16xi32>
    %ne3A_69 = arith.cmpi ne, %rem3A_66, %ne3A_68 : vector<16xi32>
    %lt3A = arith.constant 0 : i32
    %lt3A_70 = vector.broadcast %lt3A : i32 to vector<16xi32>
    %lt3A_71 = arith.cmpi slt, %rem3A_66, %lt3A_70 : vector<16xi32>
    %lt3A_72 = arith.constant 0 : i32
    %lt3A_73 = arith.cmpi slt, %select_n3A_64, %lt3A_72 : i32
    %ne3A_74 = vector.broadcast %lt3A_73 : i1 to vector<16xi1>
    %ne3A_75 = vector.broadcast %ne3A_74 : vector<16xi1> to vector<16xi1>
    %ne3A_76 = arith.xori %lt3A_71, %ne3A_75 : vector<16xi1>
    %and3A_77 = arith.andi %ne3A_76, %ne3A_69 : vector<16xi1>
    %add3A_78 = vector.broadcast %select_n3A_64 : i32 to vector<16xi32>
    %add3A_79 = arith.addi %rem3A_66, %add3A_78 : vector<16xi32>
    %select_n3A_80 = arith.select %and3A_77, %add3A_79, %rem3A_66 : vector<16xi1>, vector<16xi32>
    %mul3A_81 = arith.constant 50 : i32
    %mul3A_82 = arith.muli %add3A, %mul3A_81 : i32
    %jit3A_83 = arith.constant 16 : i32
    %div3A_84 = arith.divsi %mul3A_82, %jit3A_83 : i32
    %sign3A_85 = arith.constant 0 : i32
    %sign3A_86 = arith.cmpi sgt, %mul3A_82, %sign3A_85 : i32
    %sign3A_87 = arith.extui %sign3A_86 : i1 to i32
    %sign3A_88 = arith.constant 0 : i32
    %sign3A_89 = arith.cmpi slt, %mul3A_82, %sign3A_88 : i32
    %sign3A_90 = arith.extui %sign3A_89 : i1 to i32
    %sign3A_91 = arith.subi %sign3A_87, %sign3A_90 : i32
    %sign3A_92 = arith.constant 0 : i32
    %sign3A_93 = arith.cmpi sgt, %jit3A_83, %sign3A_92 : i32
    %sign3A_94 = arith.extui %sign3A_93 : i1 to i32
    %sign3A_95 = arith.constant 0 : i32
    %sign3A_96 = arith.cmpi slt, %jit3A_83, %sign3A_95 : i32
    %sign3A_97 = arith.extui %sign3A_96 : i1 to i32
    %sign3A_98 = arith.subi %sign3A_94, %sign3A_97 : i32
    %ne3A_99 = arith.cmpi ne, %sign3A_91, %sign3A_98 : i32
    %rem3A_100 = arith.remsi %mul3A_82, %jit3A_83 : i32
    %ne3A_101 = arith.constant 0 : i32
    %ne3A_102 = arith.cmpi ne, %rem3A_100, %ne3A_101 : i32
    %and3A_103 = arith.andi %ne3A_99, %ne3A_102 : i1
    %sub3A_104 = arith.constant 1 : i32
    %sub3A_105 = arith.subi %div3A_84, %sub3A_104 : i32
    %select_n3A_106 = arith.select %and3A_103, %sub3A_105, %div3A_84 : i32
    %jit3A_107 = arith.constant 16 : i32
    %eq3A_108 = arith.constant 0 : i32
    %eq3A_109 = arith.cmpi eq, %jit3A_107, %eq3A_108 : i32
    %jit3A_110 = arith.constant 1 : i32
    %select_n3A_111 = arith.select %eq3A_109, %jit3A_110, %jit3A_107 : i32
    %rem3A_112 = arith.remsi %mul3A_82, %select_n3A_111 : i32
    %ne3A_113 = arith.constant 0 : i32
    %ne3A_114 = arith.cmpi ne, %rem3A_112, %ne3A_113 : i32
    %lt3A_115 = arith.constant 0 : i32
    %lt3A_116 = arith.cmpi slt, %rem3A_112, %lt3A_115 : i32
    %lt3A_117 = arith.constant 0 : i32
    %lt3A_118 = arith.cmpi slt, %select_n3A_111, %lt3A_117 : i32
    %ne3A_119 = arith.xori %lt3A_116, %lt3A_118 : i1
    %and3A_120 = arith.andi %ne3A_119, %ne3A_114 : i1
    %add3A_121 = arith.addi %rem3A_112, %select_n3A_111 : i32
    %select_n3A_122 = arith.select %and3A_120, %add3A_121, %rem3A_112 : i32
    %mul3A_123 = arith.constant 16384 : i32
    %mul3A_124 = arith.muli %select_n3A_106, %mul3A_123 : i32
    %mul3A_125 = arith.constant 1024 : i32
    %mul3A_126 = arith.muli %select_n3A_122, %mul3A_125 : i32
    %add3A_127 = arith.addi %mul3A_124, %mul3A_126 : i32
    "tpu.region"() ({
      %run_scoped3A = tpu.sem_alloc : memref<!tpu.dma_semaphore, #tpu.memory_space<semaphore_mem>>
      %dma_start3A_134 = tpu.memref_slice %arg2[%add3A_127] : memref<1638400xi32, #tpu.memory_space<hbm>> -> memref<1024xi32, #tpu.memory_space<hbm>>
      %dma_start3A_135 = tpu.memref_slice %arg2[%add3A_127] : memref<1638400xi32, #tpu.memory_space<hbm>> -> memref<1024xi32, #tpu.memory_space<hbm>>
      tpu.enqueue_dma source(%dma_start3A_135 : memref<1024xi32, #tpu.memory_space<hbm>>) target(%arg5 : memref<1024xi32, #tpu.memory_space<vmem>>) target_semaphore(%run_scoped3A : memref<!tpu.dma_semaphore, #tpu.memory_space<semaphore_mem>>)
      %dma_wait3A = tpu.memref_slice %arg2[%add3A_127] : memref<1638400xi32, #tpu.memory_space<hbm>> -> memref<1024xi32, #tpu.memory_space<hbm>>
      %dma_wait3A_136 = tpu.memref_slice %arg2[%add3A_127] : memref<1638400xi32, #tpu.memory_space<hbm>> -> memref<1024xi32, #tpu.memory_space<hbm>>
      tpu.wait_dma2 semaphore(%run_scoped3A : memref<!tpu.dma_semaphore, #tpu.memory_space<semaphore_mem>>) src(%dma_wait3A_136 : memref<1024xi32, #tpu.memory_space<hbm>>) dst(%arg5 : memref<1024xi32, #tpu.memory_space<vmem>>)
      tpu.yield
    }) : () -> ()
    %dma_start3A = arith.constant 0 : i32
    %dma_start3A_128 = arith.constant 0 : i32
    %dma_start3A_129 = tpu.memref_slice %arg3[%dma_start3A, %dma_start3A_128] : memref<1000000x32xf32, #tpu.memory_space<hbm>> -> memref<1000000x32xf32, #tpu.memory_space<hbm>>
    tpu.enqueue_indirect_dma source(%dma_start3A_129 : memref<1000000x32xf32, #tpu.memory_space<hbm>>) target(%arg7 : memref<1024x32xf32, #tpu.memory_space<vmem>>) offsets(%arg5 : memref<1024xi32, #tpu.memory_space<vmem>>) semaphore(%arg10 : memref<!tpu.dma_semaphore, #tpu.memory_space<semaphore_mem>>)
    %scan3A = arith.constant 0 : i32
    %scan3A_130 = arith.constant 25 : i32
    %scan3A_131 = arith.addi %scan3A, %scan3A_130 : i32
    %scan3A_132 = arith.constant 1 : i32
    scf.for %scan3A_134 = %scan3A to %scan3A_131 step %scan3A_132  : i32 {
      %mul3A_135 = arith.constant 1 : i32
      %mul3A_136 = arith.muli %scan3A_134, %mul3A_135 : i32
      %add3A_137 = arith.constant 0 : i32
      %add3A_138 = arith.addi %add3A_137, %mul3A_136 : i32
      %mul3A_139 = arith.constant 2 : i32
      %mul3A_140 = arith.muli %mul3A_139, %add3A_138 : i32
      %add3A_141 = arith.addi %mul3A_82, %mul3A_140 : i32
      %add3A_142 = arith.constant 1 : i32
      %add3A_143 = arith.addi %add3A_141, %add3A_142 : i32
      %jit3A_144 = arith.constant 16 : i32
      %div3A_145 = arith.divsi %add3A_143, %jit3A_144 : i32
      %sign3A_146 = arith.constant 0 : i32
      %sign3A_147 = arith.cmpi sgt, %add3A_143, %sign3A_146 : i32
      %sign3A_148 = arith.extui %sign3A_147 : i1 to i32
      %sign3A_149 = arith.constant 0 : i32
      %sign3A_150 = arith.cmpi slt, %add3A_143, %sign3A_149 : i32
      %sign3A_151 = arith.extui %sign3A_150 : i1 to i32
      %sign3A_152 = arith.subi %sign3A_148, %sign3A_151 : i32
      %sign3A_153 = arith.constant 0 : i32
      %sign3A_154 = arith.cmpi sgt, %jit3A_144, %sign3A_153 : i32
      %sign3A_155 = arith.extui %sign3A_154 : i1 to i32
      %sign3A_156 = arith.constant 0 : i32
      %sign3A_157 = arith.cmpi slt, %jit3A_144, %sign3A_156 : i32
      %sign3A_158 = arith.extui %sign3A_157 : i1 to i32
      %sign3A_159 = arith.subi %sign3A_155, %sign3A_158 : i32
      %ne3A_160 = arith.cmpi ne, %sign3A_152, %sign3A_159 : i32
      %rem3A_161 = arith.remsi %add3A_143, %jit3A_144 : i32
      %ne3A_162 = arith.constant 0 : i32
      %ne3A_163 = arith.cmpi ne, %rem3A_161, %ne3A_162 : i32
      %and3A_164 = arith.andi %ne3A_160, %ne3A_163 : i1
      %sub3A_165 = arith.constant 1 : i32
      %sub3A_166 = arith.subi %div3A_145, %sub3A_165 : i32
      %select_n3A_167 = arith.select %and3A_164, %sub3A_166, %div3A_145 : i32
      %jit3A_168 = arith.constant 16 : i32
      %eq3A_169 = arith.constant 0 : i32
      %eq3A_170 = arith.cmpi eq, %jit3A_168, %eq3A_169 : i32
      %jit3A_171 = arith.constant 1 : i32
      %select_n3A_172 = arith.select %eq3A_170, %jit3A_171, %jit3A_168 : i32
      %rem3A_173 = arith.remsi %add3A_143, %select_n3A_172 : i32
      %ne3A_174 = arith.constant 0 : i32
      %ne3A_175 = arith.cmpi ne, %rem3A_173, %ne3A_174 : i32
      %lt3A_176 = arith.constant 0 : i32
      %lt3A_177 = arith.cmpi slt, %rem3A_173, %lt3A_176 : i32
      %lt3A_178 = arith.constant 0 : i32
      %lt3A_179 = arith.cmpi slt, %select_n3A_172, %lt3A_178 : i32
      %ne3A_180 = arith.xori %lt3A_177, %lt3A_179 : i1
      %and3A_181 = arith.andi %ne3A_180, %ne3A_175 : i1
      %add3A_182 = arith.addi %rem3A_173, %select_n3A_172 : i32
      %select_n3A_183 = arith.select %and3A_181, %add3A_182, %rem3A_173 : i32
      %mul3A_184 = arith.constant 16384 : i32
      %mul3A_185 = arith.muli %select_n3A_167, %mul3A_184 : i32
      %mul3A_186 = arith.constant 1024 : i32
      %mul3A_187 = arith.muli %select_n3A_183, %mul3A_186 : i32
      %add3A_188 = arith.addi %mul3A_185, %mul3A_187 : i32
      "tpu.region"() ({
        %run_scoped3A_322 = tpu.sem_alloc : memref<!tpu.dma_semaphore, #tpu.memory_space<semaphore_mem>>
        %dma_start3A_323 = tpu.memref_slice %arg2[%add3A_188] : memref<1638400xi32, #tpu.memory_space<hbm>> -> memref<1024xi32, #tpu.memory_space<hbm>>
        %dma_start3A_324 = tpu.memref_slice %arg2[%add3A_188] : memref<1638400xi32, #tpu.memory_space<hbm>> -> memref<1024xi32, #tpu.memory_space<hbm>>
        tpu.enqueue_dma source(%dma_start3A_324 : memref<1024xi32, #tpu.memory_space<hbm>>) target(%arg6 : memref<1024xi32, #tpu.memory_space<vmem>>) target_semaphore(%run_scoped3A_322 : memref<!tpu.dma_semaphore, #tpu.memory_space<semaphore_mem>>)
        %dma_wait3A_325 = tpu.memref_slice %arg2[%add3A_188] : memref<1638400xi32, #tpu.memory_space<hbm>> -> memref<1024xi32, #tpu.memory_space<hbm>>
        %dma_wait3A_326 = tpu.memref_slice %arg2[%add3A_188] : memref<1638400xi32, #tpu.memory_space<hbm>> -> memref<1024xi32, #tpu.memory_space<hbm>>
        tpu.wait_dma2 semaphore(%run_scoped3A_322 : memref<!tpu.dma_semaphore, #tpu.memory_space<semaphore_mem>>) src(%dma_wait3A_326 : memref<1024xi32, #tpu.memory_space<hbm>>) dst(%arg6 : memref<1024xi32, #tpu.memory_space<vmem>>)
        tpu.yield
      }) : () -> ()
      %dma_start3A_189 = arith.constant 0 : i32
      %dma_start3A_190 = arith.constant 0 : i32
      %dma_start3A_191 = tpu.memref_slice %arg3[%dma_start3A_189, %dma_start3A_190] : memref<1000000x32xf32, #tpu.memory_space<hbm>> -> memref<1000000x32xf32, #tpu.memory_space<hbm>>
      tpu.enqueue_indirect_dma source(%dma_start3A_191 : memref<1000000x32xf32, #tpu.memory_space<hbm>>) target(%arg8 : memref<1024x32xf32, #tpu.memory_space<vmem>>) offsets(%arg6 : memref<1024xi32, #tpu.memory_space<vmem>>) semaphore(%arg11 : memref<!tpu.dma_semaphore, #tpu.memory_space<semaphore_mem>>)
      %jit3A_192 = arith.constant 16 : i32
      %div3A_193 = arith.divsi %add3A_141, %jit3A_192 : i32
      %sign3A_194 = arith.constant 0 : i32
      %sign3A_195 = arith.cmpi sgt, %add3A_141, %sign3A_194 : i32
      %sign3A_196 = arith.extui %sign3A_195 : i1 to i32
      %sign3A_197 = arith.constant 0 : i32
      %sign3A_198 = arith.cmpi slt, %add3A_141, %sign3A_197 : i32
      %sign3A_199 = arith.extui %sign3A_198 : i1 to i32
      %sign3A_200 = arith.subi %sign3A_196, %sign3A_199 : i32
      %sign3A_201 = arith.constant 0 : i32
      %sign3A_202 = arith.cmpi sgt, %jit3A_192, %sign3A_201 : i32
      %sign3A_203 = arith.extui %sign3A_202 : i1 to i32
      %sign3A_204 = arith.constant 0 : i32
      %sign3A_205 = arith.cmpi slt, %jit3A_192, %sign3A_204 : i32
      %sign3A_206 = arith.extui %sign3A_205 : i1 to i32
      %sign3A_207 = arith.subi %sign3A_203, %sign3A_206 : i32
      %ne3A_208 = arith.cmpi ne, %sign3A_200, %sign3A_207 : i32
      %rem3A_209 = arith.remsi %add3A_141, %jit3A_192 : i32
      %ne3A_210 = arith.constant 0 : i32
      %ne3A_211 = arith.cmpi ne, %rem3A_209, %ne3A_210 : i32
      %and3A_212 = arith.andi %ne3A_208, %ne3A_211 : i1
      %sub3A_213 = arith.constant 1 : i32
      %sub3A_214 = arith.subi %div3A_193, %sub3A_213 : i32
      %select_n3A_215 = arith.select %and3A_212, %sub3A_214, %div3A_193 : i32
      %jit3A_216 = arith.constant 16 : i32
      %eq3A_217 = arith.constant 0 : i32
      %eq3A_218 = arith.cmpi eq, %jit3A_216, %eq3A_217 : i32
      %jit3A_219 = arith.constant 1 : i32
      %select_n3A_220 = arith.select %eq3A_218, %jit3A_219, %jit3A_216 : i32
      %rem3A_221 = arith.remsi %add3A_141, %select_n3A_220 : i32
      %ne3A_222 = arith.constant 0 : i32
      %ne3A_223 = arith.cmpi ne, %rem3A_221, %ne3A_222 : i32
      %lt3A_224 = arith.constant 0 : i32
      %lt3A_225 = arith.cmpi slt, %rem3A_221, %lt3A_224 : i32
      %lt3A_226 = arith.constant 0 : i32
      %lt3A_227 = arith.cmpi slt, %select_n3A_220, %lt3A_226 : i32
      %ne3A_228 = arith.xori %lt3A_225, %lt3A_227 : i1
      %and3A_229 = arith.andi %ne3A_228, %ne3A_223 : i1
      %add3A_230 = arith.addi %rem3A_221, %select_n3A_220 : i32
      %select_n3A_231 = arith.select %and3A_229, %add3A_230, %rem3A_221 : i32
      %dma_wait3A = arith.constant 0 : i32
      %dma_wait3A_232 = arith.constant 0 : i32
      %dma_wait3A_233 = tpu.memref_slice %arg3[%dma_wait3A, %dma_wait3A_232] : memref<1000000x32xf32, #tpu.memory_space<hbm>> -> memref<1000000x32xf32, #tpu.memory_space<hbm>>
      tpu.wait_indirect_dma semaphore(%arg10 : memref<!tpu.dma_semaphore, #tpu.memory_space<semaphore_mem>>) src(%dma_wait3A_233 : memref<1000000x32xf32, #tpu.memory_space<hbm>>) dst(%arg7 : memref<1024x32xf32, #tpu.memory_space<vmem>>)
      %parallel_loop3A = arith.constant 0 : i32
      %parallel_loop3A_234 = arith.constant 1024 : i32
      %parallel_loop3A_235 = arith.constant 8 : i32
      scf.for %parallel_loop3A_322 = %parallel_loop3A to %parallel_loop3A_234 step %parallel_loop3A_235  : i32 {
        %parallel_loop3A_323 = arith.constant 0 : i32
        %parallel_loop3A_324 = arith.addi %parallel_loop3A_322, %parallel_loop3A_323 : i32
        %parallel_loop3A_325 = arith.constant 128 : i32
        %parallel_loop3A_326 = arith.divsi %parallel_loop3A_324, %parallel_loop3A_325 : i32
        %parallel_loop3A_327 = arith.constant 0 : i32
        %parallel_loop3A_328 = arith.cmpi sgt, %parallel_loop3A_324, %parallel_loop3A_327 : i32
        %parallel_loop3A_329 = arith.extui %parallel_loop3A_328 : i1 to i32
        %parallel_loop3A_330 = arith.constant 0 : i32
        %parallel_loop3A_331 = arith.cmpi slt, %parallel_loop3A_324, %parallel_loop3A_330 : i32
        %parallel_loop3A_332 = arith.extui %parallel_loop3A_331 : i1 to i32
        %parallel_loop3A_333 = arith.subi %parallel_loop3A_329, %parallel_loop3A_332 : i32
        %parallel_loop3A_334 = arith.constant 0 : i32
        %parallel_loop3A_335 = arith.cmpi sgt, %parallel_loop3A_325, %parallel_loop3A_334 : i32
        %parallel_loop3A_336 = arith.extui %parallel_loop3A_335 : i1 to i32
        %parallel_loop3A_337 = arith.constant 0 : i32
        %parallel_loop3A_338 = arith.cmpi slt, %parallel_loop3A_325, %parallel_loop3A_337 : i32
        %parallel_loop3A_339 = arith.extui %parallel_loop3A_338 : i1 to i32
        %parallel_loop3A_340 = arith.subi %parallel_loop3A_336, %parallel_loop3A_339 : i32
        %parallel_loop3A_341 = arith.cmpi ne, %parallel_loop3A_333, %parallel_loop3A_340 : i32
        %parallel_loop3A_342 = arith.remsi %parallel_loop3A_324, %parallel_loop3A_325 : i32
        %parallel_loop3A_343 = arith.constant 0 : i32
        %parallel_loop3A_344 = arith.cmpi ne, %parallel_loop3A_342, %parallel_loop3A_343 : i32
        %parallel_loop3A_345 = arith.andi %parallel_loop3A_341, %parallel_loop3A_344 : i1
        %parallel_loop3A_346 = arith.constant 1 : i32
        %parallel_loop3A_347 = arith.subi %parallel_loop3A_326, %parallel_loop3A_346 : i32
        %parallel_loop3A_348 = arith.select %parallel_loop3A_345, %parallel_loop3A_347, %parallel_loop3A_326 : i32
        %parallel_loop3A_349 = vector.broadcast %parallel_loop3A_348 : i32 to vector<16xi32>
        %parallel_loop3A_350 = arith.constant 128 : i32
        %parallel_loop3A_351 = arith.constant 0 : i32
        %parallel_loop3A_352 = arith.cmpi eq, %parallel_loop3A_350, %parallel_loop3A_351 : i32
        %parallel_loop3A_353 = arith.constant 1 : i32
        %parallel_loop3A_354 = arith.select %parallel_loop3A_352, %parallel_loop3A_353, %parallel_loop3A_350 : i32
        %parallel_loop3A_355 = arith.remsi %parallel_loop3A_324, %parallel_loop3A_354 : i32
        %parallel_loop3A_356 = arith.constant 0 : i32
        %parallel_loop3A_357 = arith.cmpi ne, %parallel_loop3A_355, %parallel_loop3A_356 : i32
        %parallel_loop3A_358 = arith.constant 0 : i32
        %parallel_loop3A_359 = arith.cmpi slt, %parallel_loop3A_355, %parallel_loop3A_358 : i32
        %parallel_loop3A_360 = arith.constant 0 : i32
        %parallel_loop3A_361 = arith.cmpi slt, %parallel_loop3A_354, %parallel_loop3A_360 : i32
        %parallel_loop3A_362 = arith.xori %parallel_loop3A_359, %parallel_loop3A_361 : i1
        %parallel_loop3A_363 = arith.andi %parallel_loop3A_362, %parallel_loop3A_357 : i1
        %parallel_loop3A_364 = arith.addi %parallel_loop3A_355, %parallel_loop3A_354 : i32
        %parallel_loop3A_365 = arith.select %parallel_loop3A_363, %parallel_loop3A_364, %parallel_loop3A_355 : i32
        %parallel_loop3A_366 = vector.broadcast %parallel_loop3A_365 : i32 to vector<16xi32>
        %parallel_loop3A_367 = arith.index_cast %parallel_loop3A_324 : i32 to index
        %parallel_loop3A_368 = arith.constant 0 : index
        %parallel_loop3A_369 = tpu.vector_load %arg7[%parallel_loop3A_367, %parallel_loop3A_368] {strides = array<i32>} : memref<1024x32xf32, #tpu.memory_space<vmem>>, vector<16xf32>,
        tpu.vector_store_idx %arg9[%add3A_26, %parallel_loop3A_349, %select_n3A_80, %parallel_loop3A_366], %parallel_loop3A_369 : memref<4x8x8x129xf32, #tpu.memory_space<vmem>>[vector<16xi32>, vector<16xi32>, vector<16xi32>, vector<16xi32>], vector<16xf32>,
        %parallel_loop3A_370 = arith.index_cast %parallel_loop3A_324 : i32 to index
        %parallel_loop3A_371 = arith.constant 16 : index
        %parallel_loop3A_372 = tpu.vector_load %arg7[%parallel_loop3A_370, %parallel_loop3A_371] {strides = array<i32>} : memref<1024x32xf32, #tpu.memory_space<vmem>>, vector<16xf32>,
        tpu.vector_store_idx %arg9[%add3A_60, %parallel_loop3A_349, %select_n3A_80, %parallel_loop3A_366], %parallel_loop3A_372 : memref<4x8x8x129xf32, #tpu.memory_space<vmem>>[vector<16xi32>, vector<16xi32>, vector<16xi32>, vector<16xi32>], vector<16xf32>,
        %parallel_loop3A_373 = arith.constant 1 : i32
        %parallel_loop3A_374 = arith.addi %parallel_loop3A_322, %parallel_loop3A_373 : i32
        %parallel_loop3A_375 = arith.constant 128 : i32
        %parallel_loop3A_376 = arith.divsi %parallel_loop3A_374, %parallel_loop3A_375 : i32
        %parallel_loop3A_377 = arith.constant 0 : i32
        %parallel_loop3A_378 = arith.cmpi sgt, %parallel_loop3A_374, %parallel_loop3A_377 : i32
        %parallel_loop3A_379 = arith.extui %parallel_loop3A_378 : i1 to i32
        %parallel_loop3A_380 = arith.constant 0 : i32
        %parallel_loop3A_381 = arith.cmpi slt, %parallel_loop3A_374, %parallel_loop3A_380 : i32
        %parallel_loop3A_382 = arith.extui %parallel_loop3A_381 : i1 to i32
        %parallel_loop3A_383 = arith.subi %parallel_loop3A_379, %parallel_loop3A_382 : i32
        %parallel_loop3A_384 = arith.constant 0 : i32
        %parallel_loop3A_385 = arith.cmpi sgt, %parallel_loop3A_375, %parallel_loop3A_384 : i32
        %parallel_loop3A_386 = arith.extui %parallel_loop3A_385 : i1 to i32
        %parallel_loop3A_387 = arith.constant 0 : i32
        %parallel_loop3A_388 = arith.cmpi slt, %parallel_loop3A_375, %parallel_loop3A_387 : i32
        %parallel_loop3A_389 = arith.extui %parallel_loop3A_388 : i1 to i32
        %parallel_loop3A_390 = arith.subi %parallel_loop3A_386, %parallel_loop3A_389 : i32
        %parallel_loop3A_391 = arith.cmpi ne, %parallel_loop3A_383, %parallel_loop3A_390 : i32
        %parallel_loop3A_392 = arith.remsi %parallel_loop3A_374, %parallel_loop3A_375 : i32
        %parallel_loop3A_393 = arith.constant 0 : i32
        %parallel_loop3A_394 = arith.cmpi ne, %parallel_loop3A_392, %parallel_loop3A_393 : i32
        %parallel_loop3A_395 = arith.andi %parallel_loop3A_391, %parallel_loop3A_394 : i1
        %parallel_loop3A_396 = arith.constant 1 : i32
        %parallel_loop3A_397 = arith.subi %parallel_loop3A_376, %parallel_loop3A_396 : i32
        %parallel_loop3A_398 = arith.select %parallel_loop3A_395, %parallel_loop3A_397, %parallel_loop3A_376 : i32
        %parallel_loop3A_399 = vector.broadcast %parallel_loop3A_398 : i32 to vector<16xi32>
        %parallel_loop3A_400 = arith.constant 128 : i32
        %parallel_loop3A_401 = arith.constant 0 : i32
        %parallel_loop3A_402 = arith.cmpi eq, %parallel_loop3A_400, %parallel_loop3A_401 : i32
        %parallel_loop3A_403 = arith.constant 1 : i32
        %parallel_loop3A_404 = arith.select %parallel_loop3A_402, %parallel_loop3A_403, %parallel_loop3A_400 : i32
        %parallel_loop3A_405 = arith.remsi %parallel_loop3A_374, %parallel_loop3A_404 : i32
        %parallel_loop3A_406 = arith.constant 0 : i32
        %parallel_loop3A_407 = arith.cmpi ne, %parallel_loop3A_405, %parallel_loop3A_406 : i32
        %parallel_loop3A_408 = arith.constant 0 : i32
        %parallel_loop3A_409 = arith.cmpi slt, %parallel_loop3A_405, %parallel_loop3A_408 : i32
        %parallel_loop3A_410 = arith.constant 0 : i32
        %parallel_loop3A_411 = arith.cmpi slt, %parallel_loop3A_404, %parallel_loop3A_410 : i32
        %parallel_loop3A_412 = arith.xori %parallel_loop3A_409, %parallel_loop3A_411 : i1
        %parallel_loop3A_413 = arith.andi %parallel_loop3A_412, %parallel_loop3A_407 : i1
        %parallel_loop3A_414 = arith.addi %parallel_loop3A_405, %parallel_loop3A_404 : i32
        %parallel_loop3A_415 = arith.select %parallel_loop3A_413, %parallel_loop3A_414, %parallel_loop3A_405 : i32
        %parallel_loop3A_416 = vector.broadcast %parallel_loop3A_415 : i32 to vector<16xi32>
        %parallel_loop3A_417 = arith.index_cast %parallel_loop3A_374 : i32 to index
        %parallel_loop3A_418 = arith.constant 0 : index
        %parallel_loop3A_419 = tpu.vector_load %arg7[%parallel_loop3A_417, %parallel_loop3A_418] {strides = array<i32>} : memref<1024x32xf32, #tpu.memory_space<vmem>>, vector<16xf32>,
        tpu.vector_store_idx %arg9[%add3A_26, %parallel_loop3A_399, %select_n3A_80, %parallel_loop3A_416], %parallel_loop3A_419 : memref<4x8x8x129xf32, #tpu.memory_space<vmem>>[vector<16xi32>, vector<16xi32>, vector<16xi32>, vector<16xi32>], vector<16xf32>,
        %parallel_loop3A_420 = arith.index_cast %parallel_loop3A_374 : i32 to index
        %parallel_loop3A_421 = arith.constant 16 : index
        %parallel_loop3A_422 = tpu.vector_load %arg7[%parallel_loop3A_420, %parallel_loop3A_421] {strides = array<i32>} : memref<1024x32xf32, #tpu.memory_space<vmem>>, vector<16xf32>,
        tpu.vector_store_idx %arg9[%add3A_60, %parallel_loop3A_399, %select_n3A_80, %parallel_loop3A_416], %parallel_loop3A_422 : memref<4x8x8x129xf32, #tpu.memory_space<vmem>>[vector<16xi32>, vector<16xi32>, vector<16xi32>, vector<16xi32>], vector<16xf32>,
        %parallel_loop3A_423 = arith.constant 2 : i32
        %parallel_loop3A_424 = arith.addi %parallel_loop3A_322, %parallel_loop3A_423 : i32
        %parallel_loop3A_425 = arith.constant 128 : i32
        %parallel_loop3A_426 = arith.divsi %parallel_loop3A_424, %parallel_loop3A_425 : i32
        %parallel_loop3A_427 = arith.constant 0 : i32
        %parallel_loop3A_428 = arith.cmpi sgt, %parallel_loop3A_424, %parallel_loop3A_427 : i32
        %parallel_loop3A_429 = arith.extui %parallel_loop3A_428 : i1 to i32
        %parallel_loop3A_430 = arith.constant 0 : i32
        %parallel_loop3A_431 = arith.cmpi slt, %parallel_loop3A_424, %parallel_loop3A_430 : i32
        %parallel_loop3A_432 = arith.extui %parallel_loop3A_431 : i1 to i32
        %parallel_loop3A_433 = arith.subi %parallel_loop3A_429, %parallel_loop3A_432 : i32
        %parallel_loop3A_434 = arith.constant 0 : i32
        %parallel_loop3A_435 = arith.cmpi sgt, %parallel_loop3A_425, %parallel_loop3A_434 : i32
        %parallel_loop3A_436 = arith.extui %parallel_loop3A_435 : i1 to i32
        %parallel_loop3A_437 = arith.constant 0 : i32
        %parallel_loop3A_438 = arith.cmpi slt, %parallel_loop3A_425, %parallel_loop3A_437 : i32
        %parallel_loop3A_439 = arith.extui %parallel_loop3A_438 : i1 to i32
        %parallel_loop3A_440 = arith.subi %parallel_loop3A_436, %parallel_loop3A_439 : i32
        %parallel_loop3A_441 = arith.cmpi ne, %parallel_loop3A_433, %parallel_loop3A_440 : i32
        %parallel_loop3A_442 = arith.remsi %parallel_loop3A_424, %parallel_loop3A_425 : i32
        %parallel_loop3A_443 = arith.constant 0 : i32
        %parallel_loop3A_444 = arith.cmpi ne, %parallel_loop3A_442, %parallel_loop3A_443 : i32
        %parallel_loop3A_445 = arith.andi %parallel_loop3A_441, %parallel_loop3A_444 : i1
        %parallel_loop3A_446 = arith.constant 1 : i32
        %parallel_loop3A_447 = arith.subi %parallel_loop3A_426, %parallel_loop3A_446 : i32
        %parallel_loop3A_448 = arith.select %parallel_loop3A_445, %parallel_loop3A_447, %parallel_loop3A_426 : i32
        %parallel_loop3A_449 = vector.broadcast %parallel_loop3A_448 : i32 to vector<16xi32>
        %parallel_loop3A_450 = arith.constant 128 : i32
        %parallel_loop3A_451 = arith.constant 0 : i32
        %parallel_loop3A_452 = arith.cmpi eq, %parallel_loop3A_450, %parallel_loop3A_451 : i32
        %parallel_loop3A_453 = arith.constant 1 : i32
        %parallel_loop3A_454 = arith.select %parallel_loop3A_452, %parallel_loop3A_453, %parallel_loop3A_450 : i32
        %parallel_loop3A_455 = arith.remsi %parallel_loop3A_424, %parallel_loop3A_454 : i32
        %parallel_loop3A_456 = arith.constant 0 : i32
        %parallel_loop3A_457 = arith.cmpi ne, %parallel_loop3A_455, %parallel_loop3A_456 : i32
        %parallel_loop3A_458 = arith.constant 0 : i32
        %parallel_loop3A_459 = arith.cmpi slt, %parallel_loop3A_455, %parallel_loop3A_458 : i32
        %parallel_loop3A_460 = arith.constant 0 : i32
        %parallel_loop3A_461 = arith.cmpi slt, %parallel_loop3A_454, %parallel_loop3A_460 : i32
        %parallel_loop3A_462 = arith.xori %parallel_loop3A_459, %parallel_loop3A_461 : i1
        %parallel_loop3A_463 = arith.andi %parallel_loop3A_462, %parallel_loop3A_457 : i1
        %parallel_loop3A_464 = arith.addi %parallel_loop3A_455, %parallel_loop3A_454 : i32
        %parallel_loop3A_465 = arith.select %parallel_loop3A_463, %parallel_loop3A_464, %parallel_loop3A_455 : i32
        %parallel_loop3A_466 = vector.broadcast %parallel_loop3A_465 : i32 to vector<16xi32>
        %parallel_loop3A_467 = arith.index_cast %parallel_loop3A_424 : i32 to index
        %parallel_loop3A_468 = arith.constant 0 : index
        %parallel_loop3A_469 = tpu.vector_load %arg7[%parallel_loop3A_467, %parallel_loop3A_468] {strides = array<i32>} : memref<1024x32xf32, #tpu.memory_space<vmem>>, vector<16xf32>,
        tpu.vector_store_idx %arg9[%add3A_26, %parallel_loop3A_449, %select_n3A_80, %parallel_loop3A_466], %parallel_loop3A_469 : memref<4x8x8x129xf32, #tpu.memory_space<vmem>>[vector<16xi32>, vector<16xi32>, vector<16xi32>, vector<16xi32>], vector<16xf32>,
        %parallel_loop3A_470 = arith.index_cast %parallel_loop3A_424 : i32 to index
        %parallel_loop3A_471 = arith.constant 16 : index
        %parallel_loop3A_472 = tpu.vector_load %arg7[%parallel_loop3A_470, %parallel_loop3A_471] {strides = array<i32>} : memref<1024x32xf32, #tpu.memory_space<vmem>>, vector<16xf32>,
        tpu.vector_store_idx %arg9[%add3A_60, %parallel_loop3A_449, %select_n3A_80, %parallel_loop3A_466], %parallel_loop3A_472 : memref<4x8x8x129xf32, #tpu.memory_space<vmem>>[vector<16xi32>, vector<16xi32>, vector<16xi32>, vector<16xi32>], vector<16xf32>,
        %parallel_loop3A_473 = arith.constant 3 : i32
        %parallel_loop3A_474 = arith.addi %parallel_loop3A_322, %parallel_loop3A_473 : i32
        %parallel_loop3A_475 = arith.constant 128 : i32
        %parallel_loop3A_476 = arith.divsi %parallel_loop3A_474, %parallel_loop3A_475 : i32
        %parallel_loop3A_477 = arith.constant 0 : i32
        %parallel_loop3A_478 = arith.cmpi sgt, %parallel_loop3A_474, %parallel_loop3A_477 : i32
        %parallel_loop3A_479 = arith.extui %parallel_loop3A_478 : i1 to i32
        %parallel_loop3A_480 = arith.constant 0 : i32
        %parallel_loop3A_481 = arith.cmpi slt, %parallel_loop3A_474, %parallel_loop3A_480 : i32
        %parallel_loop3A_482 = arith.extui %parallel_loop3A_481 : i1 to i32
        %parallel_loop3A_483 = arith.subi %parallel_loop3A_479, %parallel_loop3A_482 : i32
        %parallel_loop3A_484 = arith.constant 0 : i32
        %parallel_loop3A_485 = arith.cmpi sgt, %parallel_loop3A_475, %parallel_loop3A_484 : i32
        %parallel_loop3A_486 = arith.extui %parallel_loop3A_485 : i1 to i32
        %parallel_loop3A_487 = arith.constant 0 : i32
        %parallel_loop3A_488 = arith.cmpi slt, %parallel_loop3A_475, %parallel_loop3A_487 : i32
        %parallel_loop3A_489 = arith.extui %parallel_loop3A_488 : i1 to i32
        %parallel_loop3A_490 = arith.subi %parallel_loop3A_486, %parallel_loop3A_489 : i32
        %parallel_loop3A_491 = arith.cmpi ne, %parallel_loop3A_483, %parallel_loop3A_490 : i32
        %parallel_loop3A_492 = arith.remsi %parallel_loop3A_474, %parallel_loop3A_475 : i32
        %parallel_loop3A_493 = arith.constant 0 : i32
        %parallel_loop3A_494 = arith.cmpi ne, %parallel_loop3A_492, %parallel_loop3A_493 : i32
        %parallel_loop3A_495 = arith.andi %parallel_loop3A_491, %parallel_loop3A_494 : i1
        %parallel_loop3A_496 = arith.constant 1 : i32
        %parallel_loop3A_497 = arith.subi %parallel_loop3A_476, %parallel_loop3A_496 : i32
        %parallel_loop3A_498 = arith.select %parallel_loop3A_495, %parallel_loop3A_497, %parallel_loop3A_476 : i32
        %parallel_loop3A_499 = vector.broadcast %parallel_loop3A_498 : i32 to vector<16xi32>
        %parallel_loop3A_500 = arith.constant 128 : i32
        %parallel_loop3A_501 = arith.constant 0 : i32
        %parallel_loop3A_502 = arith.cmpi eq, %parallel_loop3A_500, %parallel_loop3A_501 : i32
        %parallel_loop3A_503 = arith.constant 1 : i32
        %parallel_loop3A_504 = arith.select %parallel_loop3A_502, %parallel_loop3A_503, %parallel_loop3A_500 : i32
        %parallel_loop3A_505 = arith.remsi %parallel_loop3A_474, %parallel_loop3A_504 : i32
        %parallel_loop3A_506 = arith.constant 0 : i32
        %parallel_loop3A_507 = arith.cmpi ne, %parallel_loop3A_505, %parallel_loop3A_506 : i32
        %parallel_loop3A_508 = arith.constant 0 : i32
        %parallel_loop3A_509 = arith.cmpi slt, %parallel_loop3A_505, %parallel_loop3A_508 : i32
        %parallel_loop3A_510 = arith.constant 0 : i32
        %parallel_loop3A_511 = arith.cmpi slt, %parallel_loop3A_504, %parallel_loop3A_510 : i32
        %parallel_loop3A_512 = arith.xori %parallel_loop3A_509, %parallel_loop3A_511 : i1
        %parallel_loop3A_513 = arith.andi %parallel_loop3A_512, %parallel_loop3A_507 : i1
        %parallel_loop3A_514 = arith.addi %parallel_loop3A_505, %parallel_loop3A_504 : i32
        %parallel_loop3A_515 = arith.select %parallel_loop3A_513, %parallel_loop3A_514, %parallel_loop3A_505 : i32
        %parallel_loop3A_516 = vector.broadcast %parallel_loop3A_515 : i32 to vector<16xi32>
        %parallel_loop3A_517 = arith.index_cast %parallel_loop3A_474 : i32 to index
        %parallel_loop3A_518 = arith.constant 0 : index
        %parallel_loop3A_519 = tpu.vector_load %arg7[%parallel_loop3A_517, %parallel_loop3A_518] {strides = array<i32>} : memref<1024x32xf32, #tpu.memory_space<vmem>>, vector<16xf32>,
        tpu.vector_store_idx %arg9[%add3A_26, %parallel_loop3A_499, %select_n3A_80, %parallel_loop3A_516], %parallel_loop3A_519 : memref<4x8x8x129xf32, #tpu.memory_space<vmem>>[vector<16xi32>, vector<16xi32>, vector<16xi32>, vector<16xi32>], vector<16xf32>,
        %parallel_loop3A_520 = arith.index_cast %parallel_loop3A_474 : i32 to index
        %parallel_loop3A_521 = arith.constant 16 : index
        %parallel_loop3A_522 = tpu.vector_load %arg7[%parallel_loop3A_520, %parallel_loop3A_521] {strides = array<i32>} : memref<1024x32xf32, #tpu.memory_space<vmem>>, vector<16xf32>,
        tpu.vector_store_idx %arg9[%add3A_60, %parallel_loop3A_499, %select_n3A_80, %parallel_loop3A_516], %parallel_loop3A_522 : memref<4x8x8x129xf32, #tpu.memory_space<vmem>>[vector<16xi32>, vector<16xi32>, vector<16xi32>, vector<16xi32>], vector<16xf32>,
        %parallel_loop3A_523 = arith.constant 4 : i32
        %parallel_loop3A_524 = arith.addi %parallel_loop3A_322, %parallel_loop3A_523 : i32
        %parallel_loop3A_525 = arith.constant 128 : i32
        %parallel_loop3A_526 = arith.divsi %parallel_loop3A_524, %parallel_loop3A_525 : i32
        %parallel_loop3A_527 = arith.constant 0 : i32
        %parallel_loop3A_528 = arith.cmpi sgt, %parallel_loop3A_524, %parallel_loop3A_527 : i32
        %parallel_loop3A_529 = arith.extui %parallel_loop3A_528 : i1 to i32
        %parallel_loop3A_530 = arith.constant 0 : i32
        %parallel_loop3A_531 = arith.cmpi slt, %parallel_loop3A_524, %parallel_loop3A_530 : i32
        %parallel_loop3A_532 = arith.extui %parallel_loop3A_531 : i1 to i32
        %parallel_loop3A_533 = arith.subi %parallel_loop3A_529, %parallel_loop3A_532 : i32
        %parallel_loop3A_534 = arith.constant 0 : i32
        %parallel_loop3A_535 = arith.cmpi sgt, %parallel_loop3A_525, %parallel_loop3A_534 : i32
        %parallel_loop3A_536 = arith.extui %parallel_loop3A_535 : i1 to i32
        %parallel_loop3A_537 = arith.constant 0 : i32
        %parallel_loop3A_538 = arith.cmpi slt, %parallel_loop3A_525, %parallel_loop3A_537 : i32
        %parallel_loop3A_539 = arith.extui %parallel_loop3A_538 : i1 to i32
        %parallel_loop3A_540 = arith.subi %parallel_loop3A_536, %parallel_loop3A_539 : i32
        %parallel_loop3A_541 = arith.cmpi ne, %parallel_loop3A_533, %parallel_loop3A_540 : i32
        %parallel_loop3A_542 = arith.remsi %parallel_loop3A_524, %parallel_loop3A_525 : i32
        %parallel_loop3A_543 = arith.constant 0 : i32
        %parallel_loop3A_544 = arith.cmpi ne, %parallel_loop3A_542, %parallel_loop3A_543 : i32
        %parallel_loop3A_545 = arith.andi %parallel_loop3A_541, %parallel_loop3A_544 : i1
        %parallel_loop3A_546 = arith.constant 1 : i32
        %parallel_loop3A_547 = arith.subi %parallel_loop3A_526, %parallel_loop3A_546 : i32
        %parallel_loop3A_548 = arith.select %parallel_loop3A_545, %parallel_loop3A_547, %parallel_loop3A_526 : i32
        %parallel_loop3A_549 = vector.broadcast %parallel_loop3A_548 : i32 to vector<16xi32>
        %parallel_loop3A_550 = arith.constant 128 : i32
        %parallel_loop3A_551 = arith.constant 0 : i32
        %parallel_loop3A_552 = arith.cmpi eq, %parallel_loop3A_550, %parallel_loop3A_551 : i32
        %parallel_loop3A_553 = arith.constant 1 : i32
        %parallel_loop3A_554 = arith.select %parallel_loop3A_552, %parallel_loop3A_553, %parallel_loop3A_550 : i32
        %parallel_loop3A_555 = arith.remsi %parallel_loop3A_524, %parallel_loop3A_554 : i32
        %parallel_loop3A_556 = arith.constant 0 : i32
        %parallel_loop3A_557 = arith.cmpi ne, %parallel_loop3A_555, %parallel_loop3A_556 : i32
        %parallel_loop3A_558 = arith.constant 0 : i32
        %parallel_loop3A_559 = arith.cmpi slt, %parallel_loop3A_555, %parallel_loop3A_558 : i32
        %parallel_loop3A_560 = arith.constant 0 : i32
        %parallel_loop3A_561 = arith.cmpi slt, %parallel_loop3A_554, %parallel_loop3A_560 : i32
        %parallel_loop3A_562 = arith.xori %parallel_loop3A_559, %parallel_loop3A_561 : i1
        %parallel_loop3A_563 = arith.andi %parallel_loop3A_562, %parallel_loop3A_557 : i1
        %parallel_loop3A_564 = arith.addi %parallel_loop3A_555, %parallel_loop3A_554 : i32
        %parallel_loop3A_565 = arith.select %parallel_loop3A_563, %parallel_loop3A_564, %parallel_loop3A_555 : i32
        %parallel_loop3A_566 = vector.broadcast %parallel_loop3A_565 : i32 to vector<16xi32>
        %parallel_loop3A_567 = arith.index_cast %parallel_loop3A_524 : i32 to index
        %parallel_loop3A_568 = arith.constant 0 : index
        %parallel_loop3A_569 = tpu.vector_load %arg7[%parallel_loop3A_567, %parallel_loop3A_568] {strides = array<i32>} : memref<1024x32xf32, #tpu.memory_space<vmem>>, vector<16xf32>,
        tpu.vector_store_idx %arg9[%add3A_26, %parallel_loop3A_549, %select_n3A_80, %parallel_loop3A_566], %parallel_loop3A_569 : memref<4x8x8x129xf32, #tpu.memory_space<vmem>>[vector<16xi32>, vector<16xi32>, vector<16xi32>, vector<16xi32>], vector<16xf32>,
        %parallel_loop3A_570 = arith.index_cast %parallel_loop3A_524 : i32 to index
        %parallel_loop3A_571 = arith.constant 16 : index
        %parallel_loop3A_572 = tpu.vector_load %arg7[%parallel_loop3A_570, %parallel_loop3A_571] {strides = array<i32>} : memref<1024x32xf32, #tpu.memory_space<vmem>>, vector<16xf32>,
        tpu.vector_store_idx %arg9[%add3A_60, %parallel_loop3A_549, %select_n3A_80, %parallel_loop3A_566], %parallel_loop3A_572 : memref<4x8x8x129xf32, #tpu.memory_space<vmem>>[vector<16xi32>, vector<16xi32>, vector<16xi32>, vector<16xi32>], vector<16xf32>,
        %parallel_loop3A_573 = arith.constant 5 : i32
        %parallel_loop3A_574 = arith.addi %parallel_loop3A_322, %parallel_loop3A_573 : i32
        %parallel_loop3A_575 = arith.constant 128 : i32
        %parallel_loop3A_576 = arith.divsi %parallel_loop3A_574, %parallel_loop3A_575 : i32
        %parallel_loop3A_577 = arith.constant 0 : i32
        %parallel_loop3A_578 = arith.cmpi sgt, %parallel_loop3A_574, %parallel_loop3A_577 : i32
        %parallel_loop3A_579 = arith.extui %parallel_loop3A_578 : i1 to i32
        %parallel_loop3A_580 = arith.constant 0 : i32
        %parallel_loop3A_581 = arith.cmpi slt, %parallel_loop3A_574, %parallel_loop3A_580 : i32
        %parallel_loop3A_582 = arith.extui %parallel_loop3A_581 : i1 to i32
        %parallel_loop3A_583 = arith.subi %parallel_loop3A_579, %parallel_loop3A_582 : i32
        %parallel_loop3A_584 = arith.constant 0 : i32
        %parallel_loop3A_585 = arith.cmpi sgt, %parallel_loop3A_575, %parallel_loop3A_584 : i32
        %parallel_loop3A_586 = arith.extui %parallel_loop3A_585 : i1 to i32
        %parallel_loop3A_587 = arith.constant 0 : i32
        %parallel_loop3A_588 = arith.cmpi slt, %parallel_loop3A_575, %parallel_loop3A_587 : i32
        %parallel_loop3A_589 = arith.extui %parallel_loop3A_588 : i1 to i32
        %parallel_loop3A_590 = arith.subi %parallel_loop3A_586, %parallel_loop3A_589 : i32
        %parallel_loop3A_591 = arith.cmpi ne, %parallel_loop3A_583, %parallel_loop3A_590 : i32
        %parallel_loop3A_592 = arith.remsi %parallel_loop3A_574, %parallel_loop3A_575 : i32
        %parallel_loop3A_593 = arith.constant 0 : i32
        %parallel_loop3A_594 = arith.cmpi ne, %parallel_loop3A_592, %parallel_loop3A_593 : i32
        %parallel_loop3A_595 = arith.andi %parallel_loop3A_591, %parallel_loop3A_594 : i1
        %parallel_loop3A_596 = arith.constant 1 : i32
        %parallel_loop3A_597 = arith.subi %parallel_loop3A_576, %parallel_loop3A_596 : i32
        %parallel_loop3A_598 = arith.select %parallel_loop3A_595, %parallel_loop3A_597, %parallel_loop3A_576 : i32
        %parallel_loop3A_599 = vector.broadcast %parallel_loop3A_598 : i32 to vector<16xi32>
        %parallel_loop3A_600 = arith.constant 128 : i32
        %parallel_loop3A_601 = arith.constant 0 : i32
        %parallel_loop3A_602 = arith.cmpi eq, %parallel_loop3A_600, %parallel_loop3A_601 : i32
        %parallel_loop3A_603 = arith.constant 1 : i32
        %parallel_loop3A_604 = arith.select %parallel_loop3A_602, %parallel_loop3A_603, %parallel_loop3A_600 : i32
        %parallel_loop3A_605 = arith.remsi %parallel_loop3A_574, %parallel_loop3A_604 : i32
        %parallel_loop3A_606 = arith.constant 0 : i32
        %parallel_loop3A_607 = arith.cmpi ne, %parallel_loop3A_605, %parallel_loop3A_606 : i32
        %parallel_loop3A_608 = arith.constant 0 : i32
        %parallel_loop3A_609 = arith.cmpi slt, %parallel_loop3A_605, %parallel_loop3A_608 : i32
        %parallel_loop3A_610 = arith.constant 0 : i32
        %parallel_loop3A_611 = arith.cmpi slt, %parallel_loop3A_604, %parallel_loop3A_610 : i32
        %parallel_loop3A_612 = arith.xori %parallel_loop3A_609, %parallel_loop3A_611 : i1
        %parallel_loop3A_613 = arith.andi %parallel_loop3A_612, %parallel_loop3A_607 : i1
        %parallel_loop3A_614 = arith.addi %parallel_loop3A_605, %parallel_loop3A_604 : i32
        %parallel_loop3A_615 = arith.select %parallel_loop3A_613, %parallel_loop3A_614, %parallel_loop3A_605 : i32
        %parallel_loop3A_616 = vector.broadcast %parallel_loop3A_615 : i32 to vector<16xi32>
        %parallel_loop3A_617 = arith.index_cast %parallel_loop3A_574 : i32 to index
        %parallel_loop3A_618 = arith.constant 0 : index
        %parallel_loop3A_619 = tpu.vector_load %arg7[%parallel_loop3A_617, %parallel_loop3A_618] {strides = array<i32>} : memref<1024x32xf32, #tpu.memory_space<vmem>>, vector<16xf32>,
        tpu.vector_store_idx %arg9[%add3A_26, %parallel_loop3A_599, %select_n3A_80, %parallel_loop3A_616], %parallel_loop3A_619 : memref<4x8x8x129xf32, #tpu.memory_space<vmem>>[vector<16xi32>, vector<16xi32>, vector<16xi32>, vector<16xi32>], vector<16xf32>,
        %parallel_loop3A_620 = arith.index_cast %parallel_loop3A_574 : i32 to index
        %parallel_loop3A_621 = arith.constant 16 : index
        %parallel_loop3A_622 = tpu.vector_load %arg7[%parallel_loop3A_620, %parallel_loop3A_621] {strides = array<i32>} : memref<1024x32xf32, #tpu.memory_space<vmem>>, vector<16xf32>,
        tpu.vector_store_idx %arg9[%add3A_60, %parallel_loop3A_599, %select_n3A_80, %parallel_loop3A_616], %parallel_loop3A_622 : memref<4x8x8x129xf32, #tpu.memory_space<vmem>>[vector<16xi32>, vector<16xi32>, vector<16xi32>, vector<16xi32>], vector<16xf32>,
        %parallel_loop3A_623 = arith.constant 6 : i32
        %parallel_loop3A_624 = arith.addi %parallel_loop3A_322, %parallel_loop3A_623 : i32
        %parallel_loop3A_625 = arith.constant 128 : i32
        %parallel_loop3A_626 = arith.divsi %parallel_loop3A_624, %parallel_loop3A_625 : i32
        %parallel_loop3A_627 = arith.constant 0 : i32
        %parallel_loop3A_628 = arith.cmpi sgt, %parallel_loop3A_624, %parallel_loop3A_627 : i32
        %parallel_loop3A_629 = arith.extui %parallel_loop3A_628 : i1 to i32
        %parallel_loop3A_630 = arith.constant 0 : i32
        %parallel_loop3A_631 = arith.cmpi slt, %parallel_loop3A_624, %parallel_loop3A_630 : i32
        %parallel_loop3A_632 = arith.extui %parallel_loop3A_631 : i1 to i32
        %parallel_loop3A_633 = arith.subi %parallel_loop3A_629, %parallel_loop3A_632 : i32
        %parallel_loop3A_634 = arith.constant 0 : i32
        %parallel_loop3A_635 = arith.cmpi sgt, %parallel_loop3A_625, %parallel_loop3A_634 : i32
        %parallel_loop3A_636 = arith.extui %parallel_loop3A_635 : i1 to i32
        %parallel_loop3A_637 = arith.constant 0 : i32
        %parallel_loop3A_638 = arith.cmpi slt, %parallel_loop3A_625, %parallel_loop3A_637 : i32
        %parallel_loop3A_639 = arith.extui %parallel_loop3A_638 : i1 to i32
        %parallel_loop3A_640 = arith.subi %parallel_loop3A_636, %parallel_loop3A_639 : i32
        %parallel_loop3A_641 = arith.cmpi ne, %parallel_loop3A_633, %parallel_loop3A_640 : i32
        %parallel_loop3A_642 = arith.remsi %parallel_loop3A_624, %parallel_loop3A_625 : i32
        %parallel_loop3A_643 = arith.constant 0 : i32
        %parallel_loop3A_644 = arith.cmpi ne, %parallel_loop3A_642, %parallel_loop3A_643 : i32
        %parallel_loop3A_645 = arith.andi %parallel_loop3A_641, %parallel_loop3A_644 : i1
        %parallel_loop3A_646 = arith.constant 1 : i32
        %parallel_loop3A_647 = arith.subi %parallel_loop3A_626, %parallel_loop3A_646 : i32
        %parallel_loop3A_648 = arith.select %parallel_loop3A_645, %parallel_loop3A_647, %parallel_loop3A_626 : i32
        %parallel_loop3A_649 = vector.broadcast %parallel_loop3A_648 : i32 to vector<16xi32>
        %parallel_loop3A_650 = arith.constant 128 : i32
        %parallel_loop3A_651 = arith.constant 0 : i32
        %parallel_loop3A_652 = arith.cmpi eq, %parallel_loop3A_650, %parallel_loop3A_651 : i32
        %parallel_loop3A_653 = arith.constant 1 : i32
        %parallel_loop3A_654 = arith.select %parallel_loop3A_652, %parallel_loop3A_653, %parallel_loop3A_650 : i32
        %parallel_loop3A_655 = arith.remsi %parallel_loop3A_624, %parallel_loop3A_654 : i32
        %parallel_loop3A_656 = arith.constant 0 : i32
        %parallel_loop3A_657 = arith.cmpi ne, %parallel_loop3A_655, %parallel_loop3A_656 : i32
        %parallel_loop3A_658 = arith.constant 0 : i32
        %parallel_loop3A_659 = arith.cmpi slt, %parallel_loop3A_655, %parallel_loop3A_658 : i32
        %parallel_loop3A_660 = arith.constant 0 : i32
        %parallel_loop3A_661 = arith.cmpi slt, %parallel_loop3A_654, %parallel_loop3A_660 : i32
        %parallel_loop3A_662 = arith.xori %parallel_loop3A_659, %parallel_loop3A_661 : i1
        %parallel_loop3A_663 = arith.andi %parallel_loop3A_662, %parallel_loop3A_657 : i1
        %parallel_loop3A_664 = arith.addi %parallel_loop3A_655, %parallel_loop3A_654 : i32
        %parallel_loop3A_665 = arith.select %parallel_loop3A_663, %parallel_loop3A_664, %parallel_loop3A_655 : i32
        %parallel_loop3A_666 = vector.broadcast %parallel_loop3A_665 : i32 to vector<16xi32>
        %parallel_loop3A_667 = arith.index_cast %parallel_loop3A_624 : i32 to index
        %parallel_loop3A_668 = arith.constant 0 : index
        %parallel_loop3A_669 = tpu.vector_load %arg7[%parallel_loop3A_667, %parallel_loop3A_668] {strides = array<i32>} : memref<1024x32xf32, #tpu.memory_space<vmem>>, vector<16xf32>,
        tpu.vector_store_idx %arg9[%add3A_26, %parallel_loop3A_649, %select_n3A_80, %parallel_loop3A_666], %parallel_loop3A_669 : memref<4x8x8x129xf32, #tpu.memory_space<vmem>>[vector<16xi32>, vector<16xi32>, vector<16xi32>, vector<16xi32>], vector<16xf32>,
        %parallel_loop3A_670 = arith.index_cast %parallel_loop3A_624 : i32 to index
        %parallel_loop3A_671 = arith.constant 16 : index
        %parallel_loop3A_672 = tpu.vector_load %arg7[%parallel_loop3A_670, %parallel_loop3A_671] {strides = array<i32>} : memref<1024x32xf32, #tpu.memory_space<vmem>>, vector<16xf32>,
        tpu.vector_store_idx %arg9[%add3A_60, %parallel_loop3A_649, %select_n3A_80, %parallel_loop3A_666], %parallel_loop3A_672 : memref<4x8x8x129xf32, #tpu.memory_space<vmem>>[vector<16xi32>, vector<16xi32>, vector<16xi32>, vector<16xi32>], vector<16xf32>,
        %parallel_loop3A_673 = arith.constant 7 : i32
        %parallel_loop3A_674 = arith.addi %parallel_loop3A_322, %parallel_loop3A_673 : i32
        %parallel_loop3A_675 = arith.constant 128 : i32
        %parallel_loop3A_676 = arith.divsi %parallel_loop3A_674, %parallel_loop3A_675 : i32
        %parallel_loop3A_677 = arith.constant 0 : i32
        %parallel_loop3A_678 = arith.cmpi sgt, %parallel_loop3A_674, %parallel_loop3A_677 : i32
        %parallel_loop3A_679 = arith.extui %parallel_loop3A_678 : i1 to i32
        %parallel_loop3A_680 = arith.constant 0 : i32
        %parallel_loop3A_681 = arith.cmpi slt, %parallel_loop3A_674, %parallel_loop3A_680 : i32
        %parallel_loop3A_682 = arith.extui %parallel_loop3A_681 : i1 to i32
        %parallel_loop3A_683 = arith.subi %parallel_loop3A_679, %parallel_loop3A_682 : i32
        %parallel_loop3A_684 = arith.constant 0 : i32
        %parallel_loop3A_685 = arith.cmpi sgt, %parallel_loop3A_675, %parallel_loop3A_684 : i32
        %parallel_loop3A_686 = arith.extui %parallel_loop3A_685 : i1 to i32
        %parallel_loop3A_687 = arith.constant 0 : i32
        %parallel_loop3A_688 = arith.cmpi slt, %parallel_loop3A_675, %parallel_loop3A_687 : i32
        %parallel_loop3A_689 = arith.extui %parallel_loop3A_688 : i1 to i32
        %parallel_loop3A_690 = arith.subi %parallel_loop3A_686, %parallel_loop3A_689 : i32
        %parallel_loop3A_691 = arith.cmpi ne, %parallel_loop3A_683, %parallel_loop3A_690 : i32
        %parallel_loop3A_692 = arith.remsi %parallel_loop3A_674, %parallel_loop3A_675 : i32
        %parallel_loop3A_693 = arith.constant 0 : i32
        %parallel_loop3A_694 = arith.cmpi ne, %parallel_loop3A_692, %parallel_loop3A_693 : i32
        %parallel_loop3A_695 = arith.andi %parallel_loop3A_691, %parallel_loop3A_694 : i1
        %parallel_loop3A_696 = arith.constant 1 : i32
        %parallel_loop3A_697 = arith.subi %parallel_loop3A_676, %parallel_loop3A_696 : i32
        %parallel_loop3A_698 = arith.select %parallel_loop3A_695, %parallel_loop3A_697, %parallel_loop3A_676 : i32
        %parallel_loop3A_699 = vector.broadcast %parallel_loop3A_698 : i32 to vector<16xi32>
        %parallel_loop3A_700 = arith.constant 128 : i32
        %parallel_loop3A_701 = arith.constant 0 : i32
        %parallel_loop3A_702 = arith.cmpi eq, %parallel_loop3A_700, %parallel_loop3A_701 : i32
        %parallel_loop3A_703 = arith.constant 1 : i32
        %parallel_loop3A_704 = arith.select %parallel_loop3A_702, %parallel_loop3A_703, %parallel_loop3A_700 : i32
        %parallel_loop3A_705 = arith.remsi %parallel_loop3A_674, %parallel_loop3A_704 : i32
        %parallel_loop3A_706 = arith.constant 0 : i32
        %parallel_loop3A_707 = arith.cmpi ne, %parallel_loop3A_705, %parallel_loop3A_706 : i32
        %parallel_loop3A_708 = arith.constant 0 : i32
        %parallel_loop3A_709 = arith.cmpi slt, %parallel_loop3A_705, %parallel_loop3A_708 : i32
        %parallel_loop3A_710 = arith.constant 0 : i32
        %parallel_loop3A_711 = arith.cmpi slt, %parallel_loop3A_704, %parallel_loop3A_710 : i32
        %parallel_loop3A_712 = arith.xori %parallel_loop3A_709, %parallel_loop3A_711 : i1
        %parallel_loop3A_713 = arith.andi %parallel_loop3A_712, %parallel_loop3A_707 : i1
        %parallel_loop3A_714 = arith.addi %parallel_loop3A_705, %parallel_loop3A_704 : i32
        %parallel_loop3A_715 = arith.select %parallel_loop3A_713, %parallel_loop3A_714, %parallel_loop3A_705 : i32
        %parallel_loop3A_716 = vector.broadcast %parallel_loop3A_715 : i32 to vector<16xi32>
        %parallel_loop3A_717 = arith.index_cast %parallel_loop3A_674 : i32 to index
        %parallel_loop3A_718 = arith.constant 0 : index
        %parallel_loop3A_719 = tpu.vector_load %arg7[%parallel_loop3A_717, %parallel_loop3A_718] {strides = array<i32>} : memref<1024x32xf32, #tpu.memory_space<vmem>>, vector<16xf32>,
        tpu.vector_store_idx %arg9[%add3A_26, %parallel_loop3A_699, %select_n3A_80, %parallel_loop3A_716], %parallel_loop3A_719 : memref<4x8x8x129xf32, #tpu.memory_space<vmem>>[vector<16xi32>, vector<16xi32>, vector<16xi32>, vector<16xi32>], vector<16xf32>,
        %parallel_loop3A_720 = arith.index_cast %parallel_loop3A_674 : i32 to index
        %parallel_loop3A_721 = arith.constant 16 : index
        %parallel_loop3A_722 = tpu.vector_load %arg7[%parallel_loop3A_720, %parallel_loop3A_721] {strides = array<i32>} : memref<1024x32xf32, #tpu.memory_space<vmem>>, vector<16xf32>,
        tpu.vector_store_idx %arg9[%add3A_60, %parallel_loop3A_699, %select_n3A_80, %parallel_loop3A_716], %parallel_loop3A_722 : memref<4x8x8x129xf32, #tpu.memory_space<vmem>>[vector<16xi32>, vector<16xi32>, vector<16xi32>, vector<16xi32>], vector<16xf32>,
      } {sc.loop_unroll_factor = 4 : i64, sc.parallel_access}
      %mul3A_236 = arith.constant 8 : i32
      %mul3A_237 = arith.muli %select_n3A_231, %mul3A_236 : i32
      %run_scoped3A = arith.constant 0 : i32
      %run_scoped3A_238 = arith.constant 0 : i32
      "tpu.region"() ({
        %run_scoped3A_322 = tpu.sem_alloc : memref<!tpu.dma_semaphore, #tpu.memory_space<semaphore_mem>>
        %dma_start3A_323 = arith.constant 0 : i32
        %dma_start3A_324 = arith.constant 0 : i32
        %dma_start3A_325 = arith.constant 0 : i32
        %dma_start3A_326 = tpu.memref_slice %arg9[%run_scoped3A, %dma_start3A_323, %dma_start3A_324, %dma_start3A_325] : memref<4x8x8x129xf32, #tpu.memory_space<vmem>> -> memref<1x8x8x128xf32, #tpu.memory_space<vmem>>
        %dma_start3A_327 = tpu.memref_squeeze %dma_start3A_326 : memref<1x8x8x128xf32, #tpu.memory_space<vmem>> -> memref<8x8x128xf32, #tpu.memory_space<vmem>>
        %dma_start3A_328 = arith.constant 0 : i32
        %dma_start3A_329 = arith.constant 0 : i32
        %dma_start3A_330 = tpu.memref_slice %arg4[%select_n3A_215, %run_scoped3A_238, %mul3A_237, %dma_start3A_328, %dma_start3A_329] : memref<100x4x128x8x128xf32, #tpu.memory_space<hbm>> -> memref<1x1x8x8x128xf32, #tpu.memory_space<hbm>>
        %dma_start3A_331 = tpu.memref_squeeze %dma_start3A_330 : memref<1x1x8x8x128xf32, #tpu.memory_space<hbm>> -> memref<8x8x128xf32, #tpu.memory_space<hbm>>
        %dma_start3A_332 = arith.constant 0 : i32
        %dma_start3A_333 = arith.constant 0 : i32
        %dma_start3A_334 = tpu.memref_slice %arg4[%select_n3A_215, %run_scoped3A_238, %mul3A_237, %dma_start3A_332, %dma_start3A_333] : memref<100x4x128x8x128xf32, #tpu.memory_space<hbm>> -> memref<1x1x8x8x128xf32, #tpu.memory_space<hbm>>
        %dma_start3A_335 = tpu.memref_squeeze %dma_start3A_334 : memref<1x1x8x8x128xf32, #tpu.memory_space<hbm>> -> memref<8x8x128xf32, #tpu.memory_space<hbm>>
        %dma_start3A_336 = arith.constant 0 : i32
        %dma_start3A_337 = arith.constant 0 : i32
        %dma_start3A_338 = arith.constant 0 : i32
        %dma_start3A_339 = tpu.memref_slice %arg9[%run_scoped3A, %dma_start3A_336, %dma_start3A_337, %dma_start3A_338] : memref<4x8x8x129xf32, #tpu.memory_space<vmem>> -> memref<1x8x8x128xf32, #tpu.memory_space<vmem>>
        %dma_start3A_340 = tpu.memref_squeeze %dma_start3A_339 : memref<1x8x8x128xf32, #tpu.memory_space<vmem>> -> memref<8x8x128xf32, #tpu.memory_space<vmem>>
        tpu.enqueue_dma source(%dma_start3A_340 : memref<8x8x128xf32, #tpu.memory_space<vmem>>) target(%dma_start3A_335 : memref<8x8x128xf32, #tpu.memory_space<hbm>>) target_semaphore(%run_scoped3A_322 : memref<!tpu.dma_semaphore, #tpu.memory_space<semaphore_mem>>)
        %dma_wait3A_341 = arith.constant 0 : i32
        %dma_wait3A_342 = arith.constant 0 : i32
        %dma_wait3A_343 = arith.constant 0 : i32
        %dma_wait3A_344 = tpu.memref_slice %arg9[%run_scoped3A, %dma_wait3A_341, %dma_wait3A_342, %dma_wait3A_343] : memref<4x8x8x129xf32, #tpu.memory_space<vmem>> -> memref<1x8x8x128xf32, #tpu.memory_space<vmem>>
        %dma_wait3A_345 = tpu.memref_squeeze %dma_wait3A_344 : memref<1x8x8x128xf32, #tpu.memory_space<vmem>> -> memref<8x8x128xf32, #tpu.memory_space<vmem>>
        %dma_wait3A_346 = arith.constant 0 : i32
        %dma_wait3A_347 = arith.constant 0 : i32
        %dma_wait3A_348 = tpu.memref_slice %arg4[%select_n3A_215, %run_scoped3A_238, %mul3A_237, %dma_wait3A_346, %dma_wait3A_347] : memref<100x4x128x8x128xf32, #tpu.memory_space<hbm>> -> memref<1x1x8x8x128xf32, #tpu.memory_space<hbm>>
        %dma_wait3A_349 = tpu.memref_squeeze %dma_wait3A_348 : memref<1x1x8x8x128xf32, #tpu.memory_space<hbm>> -> memref<8x8x128xf32, #tpu.memory_space<hbm>>
        %dma_wait3A_350 = arith.constant 0 : i32
        %dma_wait3A_351 = arith.constant 0 : i32
        %dma_wait3A_352 = tpu.memref_slice %arg4[%select_n3A_215, %run_scoped3A_238, %mul3A_237, %dma_wait3A_350, %dma_wait3A_351] : memref<100x4x128x8x128xf32, #tpu.memory_space<hbm>> -> memref<1x1x8x8x128xf32, #tpu.memory_space<hbm>>
        %dma_wait3A_353 = tpu.memref_squeeze %dma_wait3A_352 : memref<1x1x8x8x128xf32, #tpu.memory_space<hbm>> -> memref<8x8x128xf32, #tpu.memory_space<hbm>>
        %dma_wait3A_354 = arith.constant 0 : i32
        %dma_wait3A_355 = arith.constant 0 : i32
        %dma_wait3A_356 = arith.constant 0 : i32
        %dma_wait3A_357 = tpu.memref_slice %arg9[%run_scoped3A, %dma_wait3A_354, %dma_wait3A_355, %dma_wait3A_356] : memref<4x8x8x129xf32, #tpu.memory_space<vmem>> -> memref<1x8x8x128xf32, #tpu.memory_space<vmem>>
        %dma_wait3A_358 = tpu.memref_squeeze %dma_wait3A_357 : memref<1x8x8x128xf32, #tpu.memory_space<vmem>> -> memref<8x8x128xf32, #tpu.memory_space<vmem>>
        tpu.wait_dma2 semaphore(%run_scoped3A_322 : memref<!tpu.dma_semaphore, #tpu.memory_space<semaphore_mem>>) src(%dma_wait3A_358 : memref<8x8x128xf32, #tpu.memory_space<vmem>>) dst(%dma_wait3A_353 : memref<8x8x128xf32, #tpu.memory_space<hbm>>)
        tpu.yield
      }) : () -> ()
      %mul3A_239 = arith.constant 8 : i32
      %mul3A_240 = arith.muli %select_n3A_231, %mul3A_239 : i32
      %run_scoped3A_241 = arith.constant 1 : i32
      %run_scoped3A_242 = arith.constant 1 : i32
      "tpu.region"() ({
        %run_scoped3A_322 = tpu.sem_alloc : memref<!tpu.dma_semaphore, #tpu.memory_space<semaphore_mem>>
        %dma_start3A_323 = arith.constant 0 : i32
        %dma_start3A_324 = arith.constant 0 : i32
        %dma_start3A_325 = arith.constant 0 : i32
        %dma_start3A_326 = tpu.memref_slice %arg9[%run_scoped3A_241, %dma_start3A_323, %dma_start3A_324, %dma_start3A_325] : memref<4x8x8x129xf32, #tpu.memory_space<vmem>> -> memref<1x8x8x128xf32, #tpu.memory_space<vmem>>
        %dma_start3A_327 = tpu.memref_squeeze %dma_start3A_326 : memref<1x8x8x128xf32, #tpu.memory_space<vmem>> -> memref<8x8x128xf32, #tpu.memory_space<vmem>>
        %dma_start3A_328 = arith.constant 0 : i32
        %dma_start3A_329 = arith.constant 0 : i32
        %dma_start3A_330 = tpu.memref_slice %arg4[%select_n3A_215, %run_scoped3A_242, %mul3A_240, %dma_start3A_328, %dma_start3A_329] : memref<100x4x128x8x128xf32, #tpu.memory_space<hbm>> -> memref<1x1x8x8x128xf32, #tpu.memory_space<hbm>>
        %dma_start3A_331 = tpu.memref_squeeze %dma_start3A_330 : memref<1x1x8x8x128xf32, #tpu.memory_space<hbm>> -> memref<8x8x128xf32, #tpu.memory_space<hbm>>
        %dma_start3A_332 = arith.constant 0 : i32
        %dma_start3A_333 = arith.constant 0 : i32
        %dma_start3A_334 = tpu.memref_slice %arg4[%select_n3A_215, %run_scoped3A_242, %mul3A_240, %dma_start3A_332, %dma_start3A_333] : memref<100x4x128x8x128xf32, #tpu.memory_space<hbm>> -> memref<1x1x8x8x128xf32, #tpu.memory_space<hbm>>
        %dma_start3A_335 = tpu.memref_squeeze %dma_start3A_334 : memref<1x1x8x8x128xf32, #tpu.memory_space<hbm>> -> memref<8x8x128xf32, #tpu.memory_space<hbm>>
        %dma_start3A_336 = arith.constant 0 : i32
        %dma_start3A_337 = arith.constant 0 : i32
        %dma_start3A_338 = arith.constant 0 : i32
        %dma_start3A_339 = tpu.memref_slice %arg9[%run_scoped3A_241, %dma_start3A_336, %dma_start3A_337, %dma_start3A_338] : memref<4x8x8x129xf32, #tpu.memory_space<vmem>> -> memref<1x8x8x128xf32, #tpu.memory_space<vmem>>
        %dma_start3A_340 = tpu.memref_squeeze %dma_start3A_339 : memref<1x8x8x128xf32, #tpu.memory_space<vmem>> -> memref<8x8x128xf32, #tpu.memory_space<vmem>>
        tpu.enqueue_dma source(%dma_start3A_340 : memref<8x8x128xf32, #tpu.memory_space<vmem>>) target(%dma_start3A_335 : memref<8x8x128xf32, #tpu.memory_space<hbm>>) target_semaphore(%run_scoped3A_322 : memref<!tpu.dma_semaphore, #tpu.memory_space<semaphore_mem>>)
        %dma_wait3A_341 = arith.constant 0 : i32
        %dma_wait3A_342 = arith.constant 0 : i32
        %dma_wait3A_343 = arith.constant 0 : i32
        %dma_wait3A_344 = tpu.memref_slice %arg9[%run_scoped3A_241, %dma_wait3A_341, %dma_wait3A_342, %dma_wait3A_343] : memref<4x8x8x129xf32, #tpu.memory_space<vmem>> -> memref<1x8x8x128xf32, #tpu.memory_space<vmem>>
        %dma_wait3A_345 = tpu.memref_squeeze %dma_wait3A_344 : memref<1x8x8x128xf32, #tpu.memory_space<vmem>> -> memref<8x8x128xf32, #tpu.memory_space<vmem>>
        %dma_wait3A_346 = arith.constant 0 : i32
        %dma_wait3A_347 = arith.constant 0 : i32
        %dma_wait3A_348 = tpu.memref_slice %arg4[%select_n3A_215, %run_scoped3A_242, %mul3A_240, %dma_wait3A_346, %dma_wait3A_347] : memref<100x4x128x8x128xf32, #tpu.memory_space<hbm>> -> memref<1x1x8x8x128xf32, #tpu.memory_space<hbm>>
        %dma_wait3A_349 = tpu.memref_squeeze %dma_wait3A_348 : memref<1x1x8x8x128xf32, #tpu.memory_space<hbm>> -> memref<8x8x128xf32, #tpu.memory_space<hbm>>
        %dma_wait3A_350 = arith.constant 0 : i32
        %dma_wait3A_351 = arith.constant 0 : i32
        %dma_wait3A_352 = tpu.memref_slice %arg4[%select_n3A_215, %run_scoped3A_242, %mul3A_240, %dma_wait3A_350, %dma_wait3A_351] : memref<100x4x128x8x128xf32, #tpu.memory_space<hbm>> -> memref<1x1x8x8x128xf32, #tpu.memory_space<hbm>>
        %dma_wait3A_353 = tpu.memref_squeeze %dma_wait3A_352 : memref<1x1x8x8x128xf32, #tpu.memory_space<hbm>> -> memref<8x8x128xf32, #tpu.memory_space<hbm>>
        %dma_wait3A_354 = arith.constant 0 : i32
        %dma_wait3A_355 = arith.constant 0 : i32
        %dma_wait3A_356 = arith.constant 0 : i32
        %dma_wait3A_357 = tpu.memref_slice %arg9[%run_scoped3A_241, %dma_wait3A_354, %dma_wait3A_355, %dma_wait3A_356] : memref<4x8x8x129xf32, #tpu.memory_space<vmem>> -> memref<1x8x8x128xf32, #tpu.memory_space<vmem>>
        %dma_wait3A_358 = tpu.memref_squeeze %dma_wait3A_357 : memref<1x8x8x128xf32, #tpu.memory_space<vmem>> -> memref<8x8x128xf32, #tpu.memory_space<vmem>>
        tpu.wait_dma2 semaphore(%run_scoped3A_322 : memref<!tpu.dma_semaphore, #tpu.memory_space<semaphore_mem>>) src(%dma_wait3A_358 : memref<8x8x128xf32, #tpu.memory_space<vmem>>) dst(%dma_wait3A_353 : memref<8x8x128xf32, #tpu.memory_space<hbm>>)
        tpu.yield
      }) : () -> ()
      %mul3A_243 = arith.constant 8 : i32
      %mul3A_244 = arith.muli %select_n3A_231, %mul3A_243 : i32
      %run_scoped3A_245 = arith.constant 2 : i32
      %run_scoped3A_246 = arith.constant 2 : i32
      "tpu.region"() ({
        %run_scoped3A_322 = tpu.sem_alloc : memref<!tpu.dma_semaphore, #tpu.memory_space<semaphore_mem>>
        %dma_start3A_323 = arith.constant 0 : i32
        %dma_start3A_324 = arith.constant 0 : i32
        %dma_start3A_325 = arith.constant 0 : i32
        %dma_start3A_326 = tpu.memref_slice %arg9[%run_scoped3A_245, %dma_start3A_323, %dma_start3A_324, %dma_start3A_325] : memref<4x8x8x129xf32, #tpu.memory_space<vmem>> -> memref<1x8x8x128xf32, #tpu.memory_space<vmem>>
        %dma_start3A_327 = tpu.memref_squeeze %dma_start3A_326 : memref<1x8x8x128xf32, #tpu.memory_space<vmem>> -> memref<8x8x128xf32, #tpu.memory_space<vmem>>
        %dma_start3A_328 = arith.constant 0 : i32
        %dma_start3A_329 = arith.constant 0 : i32
        %dma_start3A_330 = tpu.memref_slice %arg4[%select_n3A_215, %run_scoped3A_246, %mul3A_244, %dma_start3A_328, %dma_start3A_329] : memref<100x4x128x8x128xf32, #tpu.memory_space<hbm>> -> memref<1x1x8x8x128xf32, #tpu.memory_space<hbm>>
        %dma_start3A_331 = tpu.memref_squeeze %dma_start3A_330 : memref<1x1x8x8x128xf32, #tpu.memory_space<hbm>> -> memref<8x8x128xf32, #tpu.memory_space<hbm>>
        %dma_start3A_332 = arith.constant 0 : i32
        %dma_start3A_333 = arith.constant 0 : i32
        %dma_start3A_334 = tpu.memref_slice %arg4[%select_n3A_215, %run_scoped3A_246, %mul3A_244, %dma_start3A_332, %dma_start3A_333] : memref<100x4x128x8x128xf32, #tpu.memory_space<hbm>> -> memref<1x1x8x8x128xf32, #tpu.memory_space<hbm>>
        %dma_start3A_335 = tpu.memref_squeeze %dma_start3A_334 : memref<1x1x8x8x128xf32, #tpu.memory_space<hbm>> -> memref<8x8x128xf32, #tpu.memory_space<hbm>>
        %dma_start3A_336 = arith.constant 0 : i32
        %dma_start3A_337 = arith.constant 0 : i32
        %dma_start3A_338 = arith.constant 0 : i32
        %dma_start3A_339 = tpu.memref_slice %arg9[%run_scoped3A_245, %dma_start3A_336, %dma_start3A_337, %dma_start3A_338] : memref<4x8x8x129xf32, #tpu.memory_space<vmem>> -> memref<1x8x8x128xf32, #tpu.memory_space<vmem>>
        %dma_start3A_340 = tpu.memref_squeeze %dma_start3A_339 : memref<1x8x8x128xf32, #tpu.memory_space<vmem>> -> memref<8x8x128xf32, #tpu.memory_space<vmem>>
        tpu.enqueue_dma source(%dma_start3A_340 : memref<8x8x128xf32, #tpu.memory_space<vmem>>) target(%dma_start3A_335 : memref<8x8x128xf32, #tpu.memory_space<hbm>>) target_semaphore(%run_scoped3A_322 : memref<!tpu.dma_semaphore, #tpu.memory_space<semaphore_mem>>)
        %dma_wait3A_341 = arith.constant 0 : i32
        %dma_wait3A_342 = arith.constant 0 : i32
        %dma_wait3A_343 = arith.constant 0 : i32
        %dma_wait3A_344 = tpu.memref_slice %arg9[%run_scoped3A_245, %dma_wait3A_341, %dma_wait3A_342, %dma_wait3A_343] : memref<4x8x8x129xf32, #tpu.memory_space<vmem>> -> memref<1x8x8x128xf32, #tpu.memory_space<vmem>>
        %dma_wait3A_345 = tpu.memref_squeeze %dma_wait3A_344 : memref<1x8x8x128xf32, #tpu.memory_space<vmem>> -> memref<8x8x128xf32, #tpu.memory_space<vmem>>
        %dma_wait3A_346 = arith.constant 0 : i32
        %dma_wait3A_347 = arith.constant 0 : i32
        %dma_wait3A_348 = tpu.memref_slice %arg4[%select_n3A_215, %run_scoped3A_246, %mul3A_244, %dma_wait3A_346, %dma_wait3A_347] : memref<100x4x128x8x128xf32, #tpu.memory_space<hbm>> -> memref<1x1x8x8x128xf32, #tpu.memory_space<hbm>>
        %dma_wait3A_349 = tpu.memref_squeeze %dma_wait3A_348 : memref<1x1x8x8x128xf32, #tpu.memory_space<hbm>> -> memref<8x8x128xf32, #tpu.memory_space<hbm>>
        %dma_wait3A_350 = arith.constant 0 : i32
        %dma_wait3A_351 = arith.constant 0 : i32
        %dma_wait3A_352 = tpu.memref_slice %arg4[%select_n3A_215, %run_scoped3A_246, %mul3A_244, %dma_wait3A_350, %dma_wait3A_351] : memref<100x4x128x8x128xf32, #tpu.memory_space<hbm>> -> memref<1x1x8x8x128xf32, #tpu.memory_space<hbm>>
        %dma_wait3A_353 = tpu.memref_squeeze %dma_wait3A_352 : memref<1x1x8x8x128xf32, #tpu.memory_space<hbm>> -> memref<8x8x128xf32, #tpu.memory_space<hbm>>
        %dma_wait3A_354 = arith.constant 0 : i32
        %dma_wait3A_355 = arith.constant 0 : i32
        %dma_wait3A_356 = arith.constant 0 : i32
        %dma_wait3A_357 = tpu.memref_slice %arg9[%run_scoped3A_245, %dma_wait3A_354, %dma_wait3A_355, %dma_wait3A_356] : memref<4x8x8x129xf32, #tpu.memory_space<vmem>> -> memref<1x8x8x128xf32, #tpu.memory_space<vmem>>
        %dma_wait3A_358 = tpu.memref_squeeze %dma_wait3A_357 : memref<1x8x8x128xf32, #tpu.memory_space<vmem>> -> memref<8x8x128xf32, #tpu.memory_space<vmem>>
        tpu.wait_dma2 semaphore(%run_scoped3A_322 : memref<!tpu.dma_semaphore, #tpu.memory_space<semaphore_mem>>) src(%dma_wait3A_358 : memref<8x8x128xf32, #tpu.memory_space<vmem>>) dst(%dma_wait3A_353 : memref<8x8x128xf32, #tpu.memory_space<hbm>>)
        tpu.yield
      }) : () -> ()
      %mul3A_247 = arith.constant 8 : i32
      %mul3A_248 = arith.muli %select_n3A_231, %mul3A_247 : i32
      %run_scoped3A_249 = arith.constant 3 : i32
      %run_scoped3A_250 = arith.constant 3 : i32
      "tpu.region"() ({
        %run_scoped3A_322 = tpu.sem_alloc : memref<!tpu.dma_semaphore, #tpu.memory_space<semaphore_mem>>
        %dma_start3A_323 = arith.constant 0 : i32
        %dma_start3A_324 = arith.constant 0 : i32
        %dma_start3A_325 = arith.constant 0 : i32
        %dma_start3A_326 = tpu.memref_slice %arg9[%run_scoped3A_249, %dma_start3A_323, %dma_start3A_324, %dma_start3A_325] : memref<4x8x8x129xf32, #tpu.memory_space<vmem>> -> memref<1x8x8x128xf32, #tpu.memory_space<vmem>>
        %dma_start3A_327 = tpu.memref_squeeze %dma_start3A_326 : memref<1x8x8x128xf32, #tpu.memory_space<vmem>> -> memref<8x8x128xf32, #tpu.memory_space<vmem>>
        %dma_start3A_328 = arith.constant 0 : i32
        %dma_start3A_329 = arith.constant 0 : i32
        %dma_start3A_330 = tpu.memref_slice %arg4[%select_n3A_215, %run_scoped3A_250, %mul3A_248, %dma_start3A_328, %dma_start3A_329] : memref<100x4x128x8x128xf32, #tpu.memory_space<hbm>> -> memref<1x1x8x8x128xf32, #tpu.memory_space<hbm>>
        %dma_start3A_331 = tpu.memref_squeeze %dma_start3A_330 : memref<1x1x8x8x128xf32, #tpu.memory_space<hbm>> -> memref<8x8x128xf32, #tpu.memory_space<hbm>>
        %dma_start3A_332 = arith.constant 0 : i32
        %dma_start3A_333 = arith.constant 0 : i32
        %dma_start3A_334 = tpu.memref_slice %arg4[%select_n3A_215, %run_scoped3A_250, %mul3A_248, %dma_start3A_332, %dma_start3A_333] : memref<100x4x128x8x128xf32, #tpu.memory_space<hbm>> -> memref<1x1x8x8x128xf32, #tpu.memory_space<hbm>>
        %dma_start3A_335 = tpu.memref_squeeze %dma_start3A_334 : memref<1x1x8x8x128xf32, #tpu.memory_space<hbm>> -> memref<8x8x128xf32, #tpu.memory_space<hbm>>
        %dma_start3A_336 = arith.constant 0 : i32
        %dma_start3A_337 = arith.constant 0 : i32
        %dma_start3A_338 = arith.constant 0 : i32
        %dma_start3A_339 = tpu.memref_slice %arg9[%run_scoped3A_249, %dma_start3A_336, %dma_start3A_337, %dma_start3A_338] : memref<4x8x8x129xf32, #tpu.memory_space<vmem>> -> memref<1x8x8x128xf32, #tpu.memory_space<vmem>>
        %dma_start3A_340 = tpu.memref_squeeze %dma_start3A_339 : memref<1x8x8x128xf32, #tpu.memory_space<vmem>> -> memref<8x8x128xf32, #tpu.memory_space<vmem>>
        tpu.enqueue_dma source(%dma_start3A_340 : memref<8x8x128xf32, #tpu.memory_space<vmem>>) target(%dma_start3A_335 : memref<8x8x128xf32, #tpu.memory_space<hbm>>) target_semaphore(%run_scoped3A_322 : memref<!tpu.dma_semaphore, #tpu.memory_space<semaphore_mem>>)
        %dma_wait3A_341 = arith.constant 0 : i32
        %dma_wait3A_342 = arith.constant 0 : i32
        %dma_wait3A_343 = arith.constant 0 : i32
        %dma_wait3A_344 = tpu.memref_slice %arg9[%run_scoped3A_249, %dma_wait3A_341, %dma_wait3A_342, %dma_wait3A_343] : memref<4x8x8x129xf32, #tpu.memory_space<vmem>> -> memref<1x8x8x128xf32, #tpu.memory_space<vmem>>
        %dma_wait3A_345 = tpu.memref_squeeze %dma_wait3A_344 : memref<1x8x8x128xf32, #tpu.memory_space<vmem>> -> memref<8x8x128xf32, #tpu.memory_space<vmem>>
        %dma_wait3A_346 = arith.constant 0 : i32
        %dma_wait3A_347 = arith.constant 0 : i32
        %dma_wait3A_348 = tpu.memref_slice %arg4[%select_n3A_215, %run_scoped3A_250, %mul3A_248, %dma_wait3A_346, %dma_wait3A_347] : memref<100x4x128x8x128xf32, #tpu.memory_space<hbm>> -> memref<1x1x8x8x128xf32, #tpu.memory_space<hbm>>
        %dma_wait3A_349 = tpu.memref_squeeze %dma_wait3A_348 : memref<1x1x8x8x128xf32, #tpu.memory_space<hbm>> -> memref<8x8x128xf32, #tpu.memory_space<hbm>>
        %dma_wait3A_350 = arith.constant 0 : i32
        %dma_wait3A_351 = arith.constant 0 : i32
        %dma_wait3A_352 = tpu.memref_slice %arg4[%select_n3A_215, %run_scoped3A_250, %mul3A_248, %dma_wait3A_350, %dma_wait3A_351] : memref<100x4x128x8x128xf32, #tpu.memory_space<hbm>> -> memref<1x1x8x8x128xf32, #tpu.memory_space<hbm>>
        %dma_wait3A_353 = tpu.memref_squeeze %dma_wait3A_352 : memref<1x1x8x8x128xf32, #tpu.memory_space<hbm>> -> memref<8x8x128xf32, #tpu.memory_space<hbm>>
        %dma_wait3A_354 = arith.constant 0 : i32
        %dma_wait3A_355 = arith.constant 0 : i32
        %dma_wait3A_356 = arith.constant 0 : i32
        %dma_wait3A_357 = tpu.memref_slice %arg9[%run_scoped3A_249, %dma_wait3A_354, %dma_wait3A_355, %dma_wait3A_356] : memref<4x8x8x129xf32, #tpu.memory_space<vmem>> -> memref<1x8x8x128xf32, #tpu.memory_space<vmem>>
        %dma_wait3A_358 = tpu.memref_squeeze %dma_wait3A_357 : memref<1x8x8x128xf32, #tpu.memory_space<vmem>> -> memref<8x8x128xf32, #tpu.memory_space<vmem>>
        tpu.wait_dma2 semaphore(%run_scoped3A_322 : memref<!tpu.dma_semaphore, #tpu.memory_space<semaphore_mem>>) src(%dma_wait3A_358 : memref<8x8x128xf32, #tpu.memory_space<vmem>>) dst(%dma_wait3A_353 : memref<8x8x128xf32, #tpu.memory_space<hbm>>)
        tpu.yield
      }) : () -> ()
      %mul3A_251 = arith.constant 2 : i32
      %mul3A_252 = arith.muli %mul3A_251, %add3A_138 : i32
      %add3A_253 = arith.constant 2 : i32
      %add3A_254 = arith.addi %mul3A_252, %add3A_253 : i32
      %lt3A_255 = arith.constant 50 : i32
      %lt3A_256 = arith.cmpi slt, %add3A_254, %lt3A_255 : i32
      %convert_element_type3A = arith.extui %lt3A_256 : i1 to i32
      %cond3A = arith.constant 0 : i32
      %cond3A_257 = arith.cmpi ne, %convert_element_type3A, %cond3A : i32
      scf.if %cond3A_257 {
        %add3A_322 = arith.constant 2 : i32
        %add3A_323 = arith.addi %add3A_141, %add3A_322 : i32
        %jit3A_324 = arith.constant 16 : i32
        %div3A_325 = arith.divsi %add3A_323, %jit3A_324 : i32
        %sign3A_326 = arith.constant 0 : i32
        %sign3A_327 = arith.cmpi sgt, %add3A_323, %sign3A_326 : i32
        %sign3A_328 = arith.extui %sign3A_327 : i1 to i32
        %sign3A_329 = arith.constant 0 : i32
        %sign3A_330 = arith.cmpi slt, %add3A_323, %sign3A_329 : i32
        %sign3A_331 = arith.extui %sign3A_330 : i1 to i32
        %sign3A_332 = arith.subi %sign3A_328, %sign3A_331 : i32
        %sign3A_333 = arith.constant 0 : i32
        %sign3A_334 = arith.cmpi sgt, %jit3A_324, %sign3A_333 : i32
        %sign3A_335 = arith.extui %sign3A_334 : i1 to i32
        %sign3A_336 = arith.constant 0 : i32
        %sign3A_337 = arith.cmpi slt, %jit3A_324, %sign3A_336 : i32
        %sign3A_338 = arith.extui %sign3A_337 : i1 to i32
        %sign3A_339 = arith.subi %sign3A_335, %sign3A_338 : i32
        %ne3A_340 = arith.cmpi ne, %sign3A_332, %sign3A_339 : i32
        %rem3A_341 = arith.remsi %add3A_323, %jit3A_324 : i32
        %ne3A_342 = arith.constant 0 : i32
        %ne3A_343 = arith.cmpi ne, %rem3A_341, %ne3A_342 : i32
        %and3A_344 = arith.andi %ne3A_340, %ne3A_343 : i1
        %sub3A_345 = arith.constant 1 : i32
        %sub3A_346 = arith.subi %div3A_325, %sub3A_345 : i32
        %select_n3A_347 = arith.select %and3A_344, %sub3A_346, %div3A_325 : i32
        %jit3A_348 = arith.constant 16 : i32
        %eq3A_349 = arith.constant 0 : i32
        %eq3A_350 = arith.cmpi eq, %jit3A_348, %eq3A_349 : i32
        %jit3A_351 = arith.constant 1 : i32
        %select_n3A_352 = arith.select %eq3A_350, %jit3A_351, %jit3A_348 : i32
        %rem3A_353 = arith.remsi %add3A_323, %select_n3A_352 : i32
        %ne3A_354 = arith.constant 0 : i32
        %ne3A_355 = arith.cmpi ne, %rem3A_353, %ne3A_354 : i32
        %lt3A_356 = arith.constant 0 : i32
        %lt3A_357 = arith.cmpi slt, %rem3A_353, %lt3A_356 : i32
        %lt3A_358 = arith.constant 0 : i32
        %lt3A_359 = arith.cmpi slt, %select_n3A_352, %lt3A_358 : i32
        %ne3A_360 = arith.xori %lt3A_357, %lt3A_359 : i1
        %and3A_361 = arith.andi %ne3A_360, %ne3A_355 : i1
        %add3A_362 = arith.addi %rem3A_353, %select_n3A_352 : i32
        %select_n3A_363 = arith.select %and3A_361, %add3A_362, %rem3A_353 : i32
        %mul3A_364 = arith.constant 16384 : i32
        %mul3A_365 = arith.muli %select_n3A_347, %mul3A_364 : i32
        %mul3A_366 = arith.constant 1024 : i32
        %mul3A_367 = arith.muli %select_n3A_363, %mul3A_366 : i32
        %add3A_368 = arith.addi %mul3A_365, %mul3A_367 : i32
        "tpu.region"() ({
          %run_scoped3A_372 = tpu.sem_alloc : memref<!tpu.dma_semaphore, #tpu.memory_space<semaphore_mem>>
          %dma_start3A_373 = tpu.memref_slice %arg2[%add3A_368] : memref<1638400xi32, #tpu.memory_space<hbm>> -> memref<1024xi32, #tpu.memory_space<hbm>>
          %dma_start3A_374 = tpu.memref_slice %arg2[%add3A_368] : memref<1638400xi32, #tpu.memory_space<hbm>> -> memref<1024xi32, #tpu.memory_space<hbm>>
          tpu.enqueue_dma source(%dma_start3A_374 : memref<1024xi32, #tpu.memory_space<hbm>>) target(%arg5 : memref<1024xi32, #tpu.memory_space<vmem>>) target_semaphore(%run_scoped3A_372 : memref<!tpu.dma_semaphore, #tpu.memory_space<semaphore_mem>>)
          %dma_wait3A_375 = tpu.memref_slice %arg2[%add3A_368] : memref<1638400xi32, #tpu.memory_space<hbm>> -> memref<1024xi32, #tpu.memory_space<hbm>>
          %dma_wait3A_376 = tpu.memref_slice %arg2[%add3A_368] : memref<1638400xi32, #tpu.memory_space<hbm>> -> memref<1024xi32, #tpu.memory_space<hbm>>
          tpu.wait_dma2 semaphore(%run_scoped3A_372 : memref<!tpu.dma_semaphore, #tpu.memory_space<semaphore_mem>>) src(%dma_wait3A_376 : memref<1024xi32, #tpu.memory_space<hbm>>) dst(%arg5 : memref<1024xi32, #tpu.memory_space<vmem>>)
          tpu.yield
        }) : () -> ()
        %dma_start3A_369 = arith.constant 0 : i32
        %dma_start3A_370 = arith.constant 0 : i32
        %dma_start3A_371 = tpu.memref_slice %arg3[%dma_start3A_369, %dma_start3A_370] : memref<1000000x32xf32, #tpu.memory_space<hbm>> -> memref<1000000x32xf32, #tpu.memory_space<hbm>>
        tpu.enqueue_indirect_dma source(%dma_start3A_371 : memref<1000000x32xf32, #tpu.memory_space<hbm>>) target(%arg7 : memref<1024x32xf32, #tpu.memory_space<vmem>>) offsets(%arg5 : memref<1024xi32, #tpu.memory_space<vmem>>) semaphore(%arg10 : memref<!tpu.dma_semaphore, #tpu.memory_space<semaphore_mem>>)
      } else {
      }
      %add3A_258 = arith.constant 1 : i32
      %add3A_259 = arith.addi %add3A_141, %add3A_258 : i32
      %jit3A_260 = arith.constant 16 : i32
      %div3A_261 = arith.divsi %add3A_259, %jit3A_260 : i32
      %sign3A_262 = arith.constant 0 : i32
      %sign3A_263 = arith.cmpi sgt, %add3A_259, %sign3A_262 : i32
      %sign3A_264 = arith.extui %sign3A_263 : i1 to i32
      %sign3A_265 = arith.constant 0 : i32
      %sign3A_266 = arith.cmpi slt, %add3A_259, %sign3A_265 : i32
      %sign3A_267 = arith.extui %sign3A_266 : i1 to i32
      %sign3A_268 = arith.subi %sign3A_264, %sign3A_267 : i32
      %sign3A_269 = arith.constant 0 : i32
      %sign3A_270 = arith.cmpi sgt, %jit3A_260, %sign3A_269 : i32
      %sign3A_271 = arith.extui %sign3A_270 : i1 to i32
      %sign3A_272 = arith.constant 0 : i32
      %sign3A_273 = arith.cmpi slt, %jit3A_260, %sign3A_272 : i32
      %sign3A_274 = arith.extui %sign3A_273 : i1 to i32
      %sign3A_275 = arith.subi %sign3A_271, %sign3A_274 : i32
      %ne3A_276 = arith.cmpi ne, %sign3A_268, %sign3A_275 : i32
      %rem3A_277 = arith.remsi %add3A_259, %jit3A_260 : i32
      %ne3A_278 = arith.constant 0 : i32
      %ne3A_279 = arith.cmpi ne, %rem3A_277, %ne3A_278 : i32
      %and3A_280 = arith.andi %ne3A_276, %ne3A_279 : i1
      %sub3A_281 = arith.constant 1 : i32
      %sub3A_282 = arith.subi %div3A_261, %sub3A_281 : i32
      %select_n3A_283 = arith.select %and3A_280, %sub3A_282, %div3A_261 : i32
      %jit3A_284 = arith.constant 16 : i32
      %eq3A_285 = arith.constant 0 : i32
      %eq3A_286 = arith.cmpi eq, %jit3A_284, %eq3A_285 : i32
      %jit3A_287 = arith.constant 1 : i32
      %select_n3A_288 = arith.select %eq3A_286, %jit3A_287, %jit3A_284 : i32
      %rem3A_289 = arith.remsi %add3A_259, %select_n3A_288 : i32
      %ne3A_290 = arith.constant 0 : i32
      %ne3A_291 = arith.cmpi ne, %rem3A_289, %ne3A_290 : i32
      %lt3A_292 = arith.constant 0 : i32
      %lt3A_293 = arith.cmpi slt, %rem3A_289, %lt3A_292 : i32
      %lt3A_294 = arith.constant 0 : i32
      %lt3A_295 = arith.cmpi slt, %select_n3A_288, %lt3A_294 : i32
      %ne3A_296 = arith.xori %lt3A_293, %lt3A_295 : i1
      %and3A_297 = arith.andi %ne3A_296, %ne3A_291 : i1
      %add3A_298 = arith.addi %rem3A_289, %select_n3A_288 : i32
      %select_n3A_299 = arith.select %and3A_297, %add3A_298, %rem3A_289 : i32
      %dma_wait3A_300 = arith.constant 0 : i32
      %dma_wait3A_301 = arith.constant 0 : i32
      %dma_wait3A_302 = tpu.memref_slice %arg3[%dma_wait3A_300, %dma_wait3A_301] : memref<1000000x32xf32, #tpu.memory_space<hbm>> -> memref<1000000x32xf32, #tpu.memory_space<hbm>>
      tpu.wait_indirect_dma semaphore(%arg11 : memref<!tpu.dma_semaphore, #tpu.memory_space<semaphore_mem>>) src(%dma_wait3A_302 : memref<1000000x32xf32, #tpu.memory_space<hbm>>) dst(%arg8 : memref<1024x32xf32, #tpu.memory_space<vmem>>)
      %parallel_loop3A_303 = arith.constant 0 : i32
      %parallel_loop3A_304 = arith.constant 1024 : i32
      %parallel_loop3A_305 = arith.constant 8 : i32
      scf.for %parallel_loop3A_322 = %parallel_loop3A_303 to %parallel_loop3A_304 step %parallel_loop3A_305  : i32 {
        %parallel_loop3A_323 = arith.constant 0 : i32
        %parallel_loop3A_324 = arith.addi %parallel_loop3A_322, %parallel_loop3A_323 : i32
        %parallel_loop3A_325 = arith.constant 128 : i32
        %parallel_loop3A_326 = arith.divsi %parallel_loop3A_324, %parallel_loop3A_325 : i32
        %parallel_loop3A_327 = arith.constant 0 : i32
        %parallel_loop3A_328 = arith.cmpi sgt, %parallel_loop3A_324, %parallel_loop3A_327 : i32
        %parallel_loop3A_329 = arith.extui %parallel_loop3A_328 : i1 to i32
        %parallel_loop3A_330 = arith.constant 0 : i32
        %parallel_loop3A_331 = arith.cmpi slt, %parallel_loop3A_324, %parallel_loop3A_330 : i32
        %parallel_loop3A_332 = arith.extui %parallel_loop3A_331 : i1 to i32
        %parallel_loop3A_333 = arith.subi %parallel_loop3A_329, %parallel_loop3A_332 : i32
        %parallel_loop3A_334 = arith.constant 0 : i32
        %parallel_loop3A_335 = arith.cmpi sgt, %parallel_loop3A_325, %parallel_loop3A_334 : i32
        %parallel_loop3A_336 = arith.extui %parallel_loop3A_335 : i1 to i32
        %parallel_loop3A_337 = arith.constant 0 : i32
        %parallel_loop3A_338 = arith.cmpi slt, %parallel_loop3A_325, %parallel_loop3A_337 : i32
        %parallel_loop3A_339 = arith.extui %parallel_loop3A_338 : i1 to i32
        %parallel_loop3A_340 = arith.subi %parallel_loop3A_336, %parallel_loop3A_339 : i32
        %parallel_loop3A_341 = arith.cmpi ne, %parallel_loop3A_333, %parallel_loop3A_340 : i32
        %parallel_loop3A_342 = arith.remsi %parallel_loop3A_324, %parallel_loop3A_325 : i32
        %parallel_loop3A_343 = arith.constant 0 : i32
        %parallel_loop3A_344 = arith.cmpi ne, %parallel_loop3A_342, %parallel_loop3A_343 : i32
        %parallel_loop3A_345 = arith.andi %parallel_loop3A_341, %parallel_loop3A_344 : i1
        %parallel_loop3A_346 = arith.constant 1 : i32
        %parallel_loop3A_347 = arith.subi %parallel_loop3A_326, %parallel_loop3A_346 : i32
        %parallel_loop3A_348 = arith.select %parallel_loop3A_345, %parallel_loop3A_347, %parallel_loop3A_326 : i32
        %parallel_loop3A_349 = vector.broadcast %parallel_loop3A_348 : i32 to vector<16xi32>
        %parallel_loop3A_350 = arith.constant 128 : i32
        %parallel_loop3A_351 = arith.constant 0 : i32
        %parallel_loop3A_352 = arith.cmpi eq, %parallel_loop3A_350, %parallel_loop3A_351 : i32
        %parallel_loop3A_353 = arith.constant 1 : i32
        %parallel_loop3A_354 = arith.select %parallel_loop3A_352, %parallel_loop3A_353, %parallel_loop3A_350 : i32
        %parallel_loop3A_355 = arith.remsi %parallel_loop3A_324, %parallel_loop3A_354 : i32
        %parallel_loop3A_356 = arith.constant 0 : i32
        %parallel_loop3A_357 = arith.cmpi ne, %parallel_loop3A_355, %parallel_loop3A_356 : i32
        %parallel_loop3A_358 = arith.constant 0 : i32
        %parallel_loop3A_359 = arith.cmpi slt, %parallel_loop3A_355, %parallel_loop3A_358 : i32
        %parallel_loop3A_360 = arith.constant 0 : i32
        %parallel_loop3A_361 = arith.cmpi slt, %parallel_loop3A_354, %parallel_loop3A_360 : i32
        %parallel_loop3A_362 = arith.xori %parallel_loop3A_359, %parallel_loop3A_361 : i1
        %parallel_loop3A_363 = arith.andi %parallel_loop3A_362, %parallel_loop3A_357 : i1
        %parallel_loop3A_364 = arith.addi %parallel_loop3A_355, %parallel_loop3A_354 : i32
        %parallel_loop3A_365 = arith.select %parallel_loop3A_363, %parallel_loop3A_364, %parallel_loop3A_355 : i32
        %parallel_loop3A_366 = vector.broadcast %parallel_loop3A_365 : i32 to vector<16xi32>
        %parallel_loop3A_367 = arith.index_cast %parallel_loop3A_324 : i32 to index
        %parallel_loop3A_368 = arith.constant 0 : index
        %parallel_loop3A_369 = tpu.vector_load %arg8[%parallel_loop3A_367, %parallel_loop3A_368] {strides = array<i32>} : memref<1024x32xf32, #tpu.memory_space<vmem>>, vector<16xf32>,
        tpu.vector_store_idx %arg9[%add3A_26, %parallel_loop3A_349, %select_n3A_80, %parallel_loop3A_366], %parallel_loop3A_369 : memref<4x8x8x129xf32, #tpu.memory_space<vmem>>[vector<16xi32>, vector<16xi32>, vector<16xi32>, vector<16xi32>], vector<16xf32>,
        %parallel_loop3A_370 = arith.index_cast %parallel_loop3A_324 : i32 to index
        %parallel_loop3A_371 = arith.constant 16 : index
        %parallel_loop3A_372 = tpu.vector_load %arg8[%parallel_loop3A_370, %parallel_loop3A_371] {strides = array<i32>} : memref<1024x32xf32, #tpu.memory_space<vmem>>, vector<16xf32>,
        tpu.vector_store_idx %arg9[%add3A_60, %parallel_loop3A_349, %select_n3A_80, %parallel_loop3A_366], %parallel_loop3A_372 : memref<4x8x8x129xf32, #tpu.memory_space<vmem>>[vector<16xi32>, vector<16xi32>, vector<16xi32>, vector<16xi32>], vector<16xf32>,
        %parallel_loop3A_373 = arith.constant 1 : i32
        %parallel_loop3A_374 = arith.addi %parallel_loop3A_322, %parallel_loop3A_373 : i32
        %parallel_loop3A_375 = arith.constant 128 : i32
        %parallel_loop3A_376 = arith.divsi %parallel_loop3A_374, %parallel_loop3A_375 : i32
        %parallel_loop3A_377 = arith.constant 0 : i32
        %parallel_loop3A_378 = arith.cmpi sgt, %parallel_loop3A_374, %parallel_loop3A_377 : i32
        %parallel_loop3A_379 = arith.extui %parallel_loop3A_378 : i1 to i32
        %parallel_loop3A_380 = arith.constant 0 : i32
        %parallel_loop3A_381 = arith.cmpi slt, %parallel_loop3A_374, %parallel_loop3A_380 : i32
        %parallel_loop3A_382 = arith.extui %parallel_loop3A_381 : i1 to i32
        %parallel_loop3A_383 = arith.subi %parallel_loop3A_379, %parallel_loop3A_382 : i32
        %parallel_loop3A_384 = arith.constant 0 : i32
        %parallel_loop3A_385 = arith.cmpi sgt, %parallel_loop3A_375, %parallel_loop3A_384 : i32
        %parallel_loop3A_386 = arith.extui %parallel_loop3A_385 : i1 to i32
        %parallel_loop3A_387 = arith.constant 0 : i32
        %parallel_loop3A_388 = arith.cmpi slt, %parallel_loop3A_375, %parallel_loop3A_387 : i32
        %parallel_loop3A_389 = arith.extui %parallel_loop3A_388 : i1 to i32
        %parallel_loop3A_390 = arith.subi %parallel_loop3A_386, %parallel_loop3A_389 : i32
        %parallel_loop3A_391 = arith.cmpi ne, %parallel_loop3A_383, %parallel_loop3A_390 : i32
        %parallel_loop3A_392 = arith.remsi %parallel_loop3A_374, %parallel_loop3A_375 : i32
        %parallel_loop3A_393 = arith.constant 0 : i32
        %parallel_loop3A_394 = arith.cmpi ne, %parallel_loop3A_392, %parallel_loop3A_393 : i32
        %parallel_loop3A_395 = arith.andi %parallel_loop3A_391, %parallel_loop3A_394 : i1
        %parallel_loop3A_396 = arith.constant 1 : i32
        %parallel_loop3A_397 = arith.subi %parallel_loop3A_376, %parallel_loop3A_396 : i32
        %parallel_loop3A_398 = arith.select %parallel_loop3A_395, %parallel_loop3A_397, %parallel_loop3A_376 : i32
        %parallel_loop3A_399 = vector.broadcast %parallel_loop3A_398 : i32 to vector<16xi32>
        %parallel_loop3A_400 = arith.constant 128 : i32
        %parallel_loop3A_401 = arith.constant 0 : i32
        %parallel_loop3A_402 = arith.cmpi eq, %parallel_loop3A_400, %parallel_loop3A_401 : i32
        %parallel_loop3A_403 = arith.constant 1 : i32
        %parallel_loop3A_404 = arith.select %parallel_loop3A_402, %parallel_loop3A_403, %parallel_loop3A_400 : i32
        %parallel_loop3A_405 = arith.remsi %parallel_loop3A_374, %parallel_loop3A_404 : i32
        %parallel_loop3A_406 = arith.constant 0 : i32
        %parallel_loop3A_407 = arith.cmpi ne, %parallel_loop3A_405, %parallel_loop3A_406 : i32
        %parallel_loop3A_408 = arith.constant 0 : i32
        %parallel_loop3A_409 = arith.cmpi slt, %parallel_loop3A_405, %parallel_loop3A_408 : i32
        %parallel_loop3A_410 = arith.constant 0 : i32
        %parallel_loop3A_411 = arith.cmpi slt, %parallel_loop3A_404, %parallel_loop3A_410 : i32
        %parallel_loop3A_412 = arith.xori %parallel_loop3A_409, %parallel_loop3A_411 : i1
        %parallel_loop3A_413 = arith.andi %parallel_loop3A_412, %parallel_loop3A_407 : i1
        %parallel_loop3A_414 = arith.addi %parallel_loop3A_405, %parallel_loop3A_404 : i32
        %parallel_loop3A_415 = arith.select %parallel_loop3A_413, %parallel_loop3A_414, %parallel_loop3A_405 : i32
        %parallel_loop3A_416 = vector.broadcast %parallel_loop3A_415 : i32 to vector<16xi32>
        %parallel_loop3A_417 = arith.index_cast %parallel_loop3A_374 : i32 to index
        %parallel_loop3A_418 = arith.constant 0 : index
        %parallel_loop3A_419 = tpu.vector_load %arg8[%parallel_loop3A_417, %parallel_loop3A_418] {strides = array<i32>} : memref<1024x32xf32, #tpu.memory_space<vmem>>, vector<16xf32>,
        tpu.vector_store_idx %arg9[%add3A_26, %parallel_loop3A_399, %select_n3A_80, %parallel_loop3A_416], %parallel_loop3A_419 : memref<4x8x8x129xf32, #tpu.memory_space<vmem>>[vector<16xi32>, vector<16xi32>, vector<16xi32>, vector<16xi32>], vector<16xf32>,
        %parallel_loop3A_420 = arith.index_cast %parallel_loop3A_374 : i32 to index
        %parallel_loop3A_421 = arith.constant 16 : index
        %parallel_loop3A_422 = tpu.vector_load %arg8[%parallel_loop3A_420, %parallel_loop3A_421] {strides = array<i32>} : memref<1024x32xf32, #tpu.memory_space<vmem>>, vector<16xf32>,
        tpu.vector_store_idx %arg9[%add3A_60, %parallel_loop3A_399, %select_n3A_80, %parallel_loop3A_416], %parallel_loop3A_422 : memref<4x8x8x129xf32, #tpu.memory_space<vmem>>[vector<16xi32>, vector<16xi32>, vector<16xi32>, vector<16xi32>], vector<16xf32>,
        %parallel_loop3A_423 = arith.constant 2 : i32
        %parallel_loop3A_424 = arith.addi %parallel_loop3A_322, %parallel_loop3A_423 : i32
        %parallel_loop3A_425 = arith.constant 128 : i32
        %parallel_loop3A_426 = arith.divsi %parallel_loop3A_424, %parallel_loop3A_425 : i32
        %parallel_loop3A_427 = arith.constant 0 : i32
        %parallel_loop3A_428 = arith.cmpi sgt, %parallel_loop3A_424, %parallel_loop3A_427 : i32
        %parallel_loop3A_429 = arith.extui %parallel_loop3A_428 : i1 to i32
        %parallel_loop3A_430 = arith.constant 0 : i32
        %parallel_loop3A_431 = arith.cmpi slt, %parallel_loop3A_424, %parallel_loop3A_430 : i32
        %parallel_loop3A_432 = arith.extui %parallel_loop3A_431 : i1 to i32
        %parallel_loop3A_433 = arith.subi %parallel_loop3A_429, %parallel_loop3A_432 : i32
        %parallel_loop3A_434 = arith.constant 0 : i32
        %parallel_loop3A_435 = arith.cmpi sgt, %parallel_loop3A_425, %parallel_loop3A_434 : i32
        %parallel_loop3A_436 = arith.extui %parallel_loop3A_435 : i1 to i32
        %parallel_loop3A_437 = arith.constant 0 : i32
        %parallel_loop3A_438 = arith.cmpi slt, %parallel_loop3A_425, %parallel_loop3A_437 : i32
        %parallel_loop3A_439 = arith.extui %parallel_loop3A_438 : i1 to i32
        %parallel_loop3A_440 = arith.subi %parallel_loop3A_436, %parallel_loop3A_439 : i32
        %parallel_loop3A_441 = arith.cmpi ne, %parallel_loop3A_433, %parallel_loop3A_440 : i32
        %parallel_loop3A_442 = arith.remsi %parallel_loop3A_424, %parallel_loop3A_425 : i32
        %parallel_loop3A_443 = arith.constant 0 : i32
        %parallel_loop3A_444 = arith.cmpi ne, %parallel_loop3A_442, %parallel_loop3A_443 : i32
        %parallel_loop3A_445 = arith.andi %parallel_loop3A_441, %parallel_loop3A_444 : i1
        %parallel_loop3A_446 = arith.constant 1 : i32
        %parallel_loop3A_447 = arith.subi %parallel_loop3A_426, %parallel_loop3A_446 : i32
        %parallel_loop3A_448 = arith.select %parallel_loop3A_445, %parallel_loop3A_447, %parallel_loop3A_426 : i32
        %parallel_loop3A_449 = vector.broadcast %parallel_loop3A_448 : i32 to vector<16xi32>
        %parallel_loop3A_450 = arith.constant 128 : i32
        %parallel_loop3A_451 = arith.constant 0 : i32
        %parallel_loop3A_452 = arith.cmpi eq, %parallel_loop3A_450, %parallel_loop3A_451 : i32
        %parallel_loop3A_453 = arith.constant 1 : i32
        %parallel_loop3A_454 = arith.select %parallel_loop3A_452, %parallel_loop3A_453, %parallel_loop3A_450 : i32
        %parallel_loop3A_455 = arith.remsi %parallel_loop3A_424, %parallel_loop3A_454 : i32
        %parallel_loop3A_456 = arith.constant 0 : i32
        %parallel_loop3A_457 = arith.cmpi ne, %parallel_loop3A_455, %parallel_loop3A_456 : i32
        %parallel_loop3A_458 = arith.constant 0 : i32
        %parallel_loop3A_459 = arith.cmpi slt, %parallel_loop3A_455, %parallel_loop3A_458 : i32
        %parallel_loop3A_460 = arith.constant 0 : i32
        %parallel_loop3A_461 = arith.cmpi slt, %parallel_loop3A_454, %parallel_loop3A_460 : i32
        %parallel_loop3A_462 = arith.xori %parallel_loop3A_459, %parallel_loop3A_461 : i1
        %parallel_loop3A_463 = arith.andi %parallel_loop3A_462, %parallel_loop3A_457 : i1
        %parallel_loop3A_464 = arith.addi %parallel_loop3A_455, %parallel_loop3A_454 : i32
        %parallel_loop3A_465 = arith.select %parallel_loop3A_463, %parallel_loop3A_464, %parallel_loop3A_455 : i32
        %parallel_loop3A_466 = vector.broadcast %parallel_loop3A_465 : i32 to vector<16xi32>
        %parallel_loop3A_467 = arith.index_cast %parallel_loop3A_424 : i32 to index
        %parallel_loop3A_468 = arith.constant 0 : index
        %parallel_loop3A_469 = tpu.vector_load %arg8[%parallel_loop3A_467, %parallel_loop3A_468] {strides = array<i32>} : memref<1024x32xf32, #tpu.memory_space<vmem>>, vector<16xf32>,
        tpu.vector_store_idx %arg9[%add3A_26, %parallel_loop3A_449, %select_n3A_80, %parallel_loop3A_466], %parallel_loop3A_469 : memref<4x8x8x129xf32, #tpu.memory_space<vmem>>[vector<16xi32>, vector<16xi32>, vector<16xi32>, vector<16xi32>], vector<16xf32>,
        %parallel_loop3A_470 = arith.index_cast %parallel_loop3A_424 : i32 to index
        %parallel_loop3A_471 = arith.constant 16 : index
        %parallel_loop3A_472 = tpu.vector_load %arg8[%parallel_loop3A_470, %parallel_loop3A_471] {strides = array<i32>} : memref<1024x32xf32, #tpu.memory_space<vmem>>, vector<16xf32>,
        tpu.vector_store_idx %arg9[%add3A_60, %parallel_loop3A_449, %select_n3A_80, %parallel_loop3A_466], %parallel_loop3A_472 : memref<4x8x8x129xf32, #tpu.memory_space<vmem>>[vector<16xi32>, vector<16xi32>, vector<16xi32>, vector<16xi32>], vector<16xf32>,
        %parallel_loop3A_473 = arith.constant 3 : i32
        %parallel_loop3A_474 = arith.addi %parallel_loop3A_322, %parallel_loop3A_473 : i32
        %parallel_loop3A_475 = arith.constant 128 : i32
        %parallel_loop3A_476 = arith.divsi %parallel_loop3A_474, %parallel_loop3A_475 : i32
        %parallel_loop3A_477 = arith.constant 0 : i32
        %parallel_loop3A_478 = arith.cmpi sgt, %parallel_loop3A_474, %parallel_loop3A_477 : i32
        %parallel_loop3A_479 = arith.extui %parallel_loop3A_478 : i1 to i32
        %parallel_loop3A_480 = arith.constant 0 : i32
        %parallel_loop3A_481 = arith.cmpi slt, %parallel_loop3A_474, %parallel_loop3A_480 : i32
        %parallel_loop3A_482 = arith.extui %parallel_loop3A_481 : i1 to i32
        %parallel_loop3A_483 = arith.subi %parallel_loop3A_479, %parallel_loop3A_482 : i32
        %parallel_loop3A_484 = arith.constant 0 : i32
        %parallel_loop3A_485 = arith.cmpi sgt, %parallel_loop3A_475, %parallel_loop3A_484 : i32
        %parallel_loop3A_486 = arith.extui %parallel_loop3A_485 : i1 to i32
        %parallel_loop3A_487 = arith.constant 0 : i32
        %parallel_loop3A_488 = arith.cmpi slt, %parallel_loop3A_475, %parallel_loop3A_487 : i32
        %parallel_loop3A_489 = arith.extui %parallel_loop3A_488 : i1 to i32
        %parallel_loop3A_490 = arith.subi %parallel_loop3A_486, %parallel_loop3A_489 : i32
        %parallel_loop3A_491 = arith.cmpi ne, %parallel_loop3A_483, %parallel_loop3A_490 : i32
        %parallel_loop3A_492 = arith.remsi %parallel_loop3A_474, %parallel_loop3A_475 : i32
        %parallel_loop3A_493 = arith.constant 0 : i32
        %parallel_loop3A_494 = arith.cmpi ne, %parallel_loop3A_492, %parallel_loop3A_493 : i32
        %parallel_loop3A_495 = arith.andi %parallel_loop3A_491, %parallel_loop3A_494 : i1
        %parallel_loop3A_496 = arith.constant 1 : i32
        %parallel_loop3A_497 = arith.subi %parallel_loop3A_476, %parallel_loop3A_496 : i32
        %parallel_loop3A_498 = arith.select %parallel_loop3A_495, %parallel_loop3A_497, %parallel_loop3A_476 : i32
        %parallel_loop3A_499 = vector.broadcast %parallel_loop3A_498 : i32 to vector<16xi32>
        %parallel_loop3A_500 = arith.constant 128 : i32
        %parallel_loop3A_501 = arith.constant 0 : i32
        %parallel_loop3A_502 = arith.cmpi eq, %parallel_loop3A_500, %parallel_loop3A_501 : i32
        %parallel_loop3A_503 = arith.constant 1 : i32
        %parallel_loop3A_504 = arith.select %parallel_loop3A_502, %parallel_loop3A_503, %parallel_loop3A_500 : i32
        %parallel_loop3A_505 = arith.remsi %parallel_loop3A_474, %parallel_loop3A_504 : i32
        %parallel_loop3A_506 = arith.constant 0 : i32
        %parallel_loop3A_507 = arith.cmpi ne, %parallel_loop3A_505, %parallel_loop3A_506 : i32
        %parallel_loop3A_508 = arith.constant 0 : i32
        %parallel_loop3A_509 = arith.cmpi slt, %parallel_loop3A_505, %parallel_loop3A_508 : i32
        %parallel_loop3A_510 = arith.constant 0 : i32
        %parallel_loop3A_511 = arith.cmpi slt, %parallel_loop3A_504, %parallel_loop3A_510 : i32
        %parallel_loop3A_512 = arith.xori %parallel_loop3A_509, %parallel_loop3A_511 : i1
        %parallel_loop3A_513 = arith.andi %parallel_loop3A_512, %parallel_loop3A_507 : i1
        %parallel_loop3A_514 = arith.addi %parallel_loop3A_505, %parallel_loop3A_504 : i32
        %parallel_loop3A_515 = arith.select %parallel_loop3A_513, %parallel_loop3A_514, %parallel_loop3A_505 : i32
        %parallel_loop3A_516 = vector.broadcast %parallel_loop3A_515 : i32 to vector<16xi32>
        %parallel_loop3A_517 = arith.index_cast %parallel_loop3A_474 : i32 to index
        %parallel_loop3A_518 = arith.constant 0 : index
        %parallel_loop3A_519 = tpu.vector_load %arg8[%parallel_loop3A_517, %parallel_loop3A_518] {strides = array<i32>} : memref<1024x32xf32, #tpu.memory_space<vmem>>, vector<16xf32>,
        tpu.vector_store_idx %arg9[%add3A_26, %parallel_loop3A_499, %select_n3A_80, %parallel_loop3A_516], %parallel_loop3A_519 : memref<4x8x8x129xf32, #tpu.memory_space<vmem>>[vector<16xi32>, vector<16xi32>, vector<16xi32>, vector<16xi32>], vector<16xf32>,
        %parallel_loop3A_520 = arith.index_cast %parallel_loop3A_474 : i32 to index
        %parallel_loop3A_521 = arith.constant 16 : index
        %parallel_loop3A_522 = tpu.vector_load %arg8[%parallel_loop3A_520, %parallel_loop3A_521] {strides = array<i32>} : memref<1024x32xf32, #tpu.memory_space<vmem>>, vector<16xf32>,
        tpu.vector_store_idx %arg9[%add3A_60, %parallel_loop3A_499, %select_n3A_80, %parallel_loop3A_516], %parallel_loop3A_522 : memref<4x8x8x129xf32, #tpu.memory_space<vmem>>[vector<16xi32>, vector<16xi32>, vector<16xi32>, vector<16xi32>], vector<16xf32>,
        %parallel_loop3A_523 = arith.constant 4 : i32
        %parallel_loop3A_524 = arith.addi %parallel_loop3A_322, %parallel_loop3A_523 : i32
        %parallel_loop3A_525 = arith.constant 128 : i32
        %parallel_loop3A_526 = arith.divsi %parallel_loop3A_524, %parallel_loop3A_525 : i32
        %parallel_loop3A_527 = arith.constant 0 : i32
        %parallel_loop3A_528 = arith.cmpi sgt, %parallel_loop3A_524, %parallel_loop3A_527 : i32
        %parallel_loop3A_529 = arith.extui %parallel_loop3A_528 : i1 to i32
        %parallel_loop3A_530 = arith.constant 0 : i32
        %parallel_loop3A_531 = arith.cmpi slt, %parallel_loop3A_524, %parallel_loop3A_530 : i32
        %parallel_loop3A_532 = arith.extui %parallel_loop3A_531 : i1 to i32
        %parallel_loop3A_533 = arith.subi %parallel_loop3A_529, %parallel_loop3A_532 : i32
        %parallel_loop3A_534 = arith.constant 0 : i32
        %parallel_loop3A_535 = arith.cmpi sgt, %parallel_loop3A_525, %parallel_loop3A_534 : i32
        %parallel_loop3A_536 = arith.extui %parallel_loop3A_535 : i1 to i32
        %parallel_loop3A_537 = arith.constant 0 : i32
        %parallel_loop3A_538 = arith.cmpi slt, %parallel_loop3A_525, %parallel_loop3A_537 : i32
        %parallel_loop3A_539 = arith.extui %parallel_loop3A_538 : i1 to i32
        %parallel_loop3A_540 = arith.subi %parallel_loop3A_536, %parallel_loop3A_539 : i32
        %parallel_loop3A_541 = arith.cmpi ne, %parallel_loop3A_533, %parallel_loop3A_540 : i32
        %parallel_loop3A_542 = arith.remsi %parallel_loop3A_524, %parallel_loop3A_525 : i32
        %parallel_loop3A_543 = arith.constant 0 : i32
        %parallel_loop3A_544 = arith.cmpi ne, %parallel_loop3A_542, %parallel_loop3A_543 : i32
        %parallel_loop3A_545 = arith.andi %parallel_loop3A_541, %parallel_loop3A_544 : i1
        %parallel_loop3A_546 = arith.constant 1 : i32
        %parallel_loop3A_547 = arith.subi %parallel_loop3A_526, %parallel_loop3A_546 : i32
        %parallel_loop3A_548 = arith.select %parallel_loop3A_545, %parallel_loop3A_547, %parallel_loop3A_526 : i32
        %parallel_loop3A_549 = vector.broadcast %parallel_loop3A_548 : i32 to vector<16xi32>
        %parallel_loop3A_550 = arith.constant 128 : i32
        %parallel_loop3A_551 = arith.constant 0 : i32
        %parallel_loop3A_552 = arith.cmpi eq, %parallel_loop3A_550, %parallel_loop3A_551 : i32
        %parallel_loop3A_553 = arith.constant 1 : i32
        %parallel_loop3A_554 = arith.select %parallel_loop3A_552, %parallel_loop3A_553, %parallel_loop3A_550 : i32
        %parallel_loop3A_555 = arith.remsi %parallel_loop3A_524, %parallel_loop3A_554 : i32
        %parallel_loop3A_556 = arith.constant 0 : i32
        %parallel_loop3A_557 = arith.cmpi ne, %parallel_loop3A_555, %parallel_loop3A_556 : i32
        %parallel_loop3A_558 = arith.constant 0 : i32
        %parallel_loop3A_559 = arith.cmpi slt, %parallel_loop3A_555, %parallel_loop3A_558 : i32
        %parallel_loop3A_560 = arith.constant 0 : i32
        %parallel_loop3A_561 = arith.cmpi slt, %parallel_loop3A_554, %parallel_loop3A_560 : i32
        %parallel_loop3A_562 = arith.xori %parallel_loop3A_559, %parallel_loop3A_561 : i1
        %parallel_loop3A_563 = arith.andi %parallel_loop3A_562, %parallel_loop3A_557 : i1
        %parallel_loop3A_564 = arith.addi %parallel_loop3A_555, %parallel_loop3A_554 : i32
        %parallel_loop3A_565 = arith.select %parallel_loop3A_563, %parallel_loop3A_564, %parallel_loop3A_555 : i32
        %parallel_loop3A_566 = vector.broadcast %parallel_loop3A_565 : i32 to vector<16xi32>
        %parallel_loop3A_567 = arith.index_cast %parallel_loop3A_524 : i32 to index
        %parallel_loop3A_568 = arith.constant 0 : index
        %parallel_loop3A_569 = tpu.vector_load %arg8[%parallel_loop3A_567, %parallel_loop3A_568] {strides = array<i32>} : memref<1024x32xf32, #tpu.memory_space<vmem>>, vector<16xf32>,
        tpu.vector_store_idx %arg9[%add3A_26, %parallel_loop3A_549, %select_n3A_80, %parallel_loop3A_566], %parallel_loop3A_569 : memref<4x8x8x129xf32, #tpu.memory_space<vmem>>[vector<16xi32>, vector<16xi32>, vector<16xi32>, vector<16xi32>], vector<16xf32>,
        %parallel_loop3A_570 = arith.index_cast %parallel_loop3A_524 : i32 to index
        %parallel_loop3A_571 = arith.constant 16 : index
        %parallel_loop3A_572 = tpu.vector_load %arg8[%parallel_loop3A_570, %parallel_loop3A_571] {strides = array<i32>} : memref<1024x32xf32, #tpu.memory_space<vmem>>, vector<16xf32>,
        tpu.vector_store_idx %arg9[%add3A_60, %parallel_loop3A_549, %select_n3A_80, %parallel_loop3A_566], %parallel_loop3A_572 : memref<4x8x8x129xf32, #tpu.memory_space<vmem>>[vector<16xi32>, vector<16xi32>, vector<16xi32>, vector<16xi32>], vector<16xf32>,
        %parallel_loop3A_573 = arith.constant 5 : i32
        %parallel_loop3A_574 = arith.addi %parallel_loop3A_322, %parallel_loop3A_573 : i32
        %parallel_loop3A_575 = arith.constant 128 : i32
        %parallel_loop3A_576 = arith.divsi %parallel_loop3A_574, %parallel_loop3A_575 : i32
        %parallel_loop3A_577 = arith.constant 0 : i32
        %parallel_loop3A_578 = arith.cmpi sgt, %parallel_loop3A_574, %parallel_loop3A_577 : i32
        %parallel_loop3A_579 = arith.extui %parallel_loop3A_578 : i1 to i32
        %parallel_loop3A_580 = arith.constant 0 : i32
        %parallel_loop3A_581 = arith.cmpi slt, %parallel_loop3A_574, %parallel_loop3A_580 : i32
        %parallel_loop3A_582 = arith.extui %parallel_loop3A_581 : i1 to i32
        %parallel_loop3A_583 = arith.subi %parallel_loop3A_579, %parallel_loop3A_582 : i32
        %parallel_loop3A_584 = arith.constant 0 : i32
        %parallel_loop3A_585 = arith.cmpi sgt, %parallel_loop3A_575, %parallel_loop3A_584 : i32
        %parallel_loop3A_586 = arith.extui %parallel_loop3A_585 : i1 to i32
        %parallel_loop3A_587 = arith.constant 0 : i32
        %parallel_loop3A_588 = arith.cmpi slt, %parallel_loop3A_575, %parallel_loop3A_587 : i32
        %parallel_loop3A_589 = arith.extui %parallel_loop3A_588 : i1 to i32
        %parallel_loop3A_590 = arith.subi %parallel_loop3A_586, %parallel_loop3A_589 : i32
        %parallel_loop3A_591 = arith.cmpi ne, %parallel_loop3A_583, %parallel_loop3A_590 : i32
        %parallel_loop3A_592 = arith.remsi %parallel_loop3A_574, %parallel_loop3A_575 : i32
        %parallel_loop3A_593 = arith.constant 0 : i32
        %parallel_loop3A_594 = arith.cmpi ne, %parallel_loop3A_592, %parallel_loop3A_593 : i32
        %parallel_loop3A_595 = arith.andi %parallel_loop3A_591, %parallel_loop3A_594 : i1
        %parallel_loop3A_596 = arith.constant 1 : i32
        %parallel_loop3A_597 = arith.subi %parallel_loop3A_576, %parallel_loop3A_596 : i32
        %parallel_loop3A_598 = arith.select %parallel_loop3A_595, %parallel_loop3A_597, %parallel_loop3A_576 : i32
        %parallel_loop3A_599 = vector.broadcast %parallel_loop3A_598 : i32 to vector<16xi32>
        %parallel_loop3A_600 = arith.constant 128 : i32
        %parallel_loop3A_601 = arith.constant 0 : i32
        %parallel_loop3A_602 = arith.cmpi eq, %parallel_loop3A_600, %parallel_loop3A_601 : i32
        %parallel_loop3A_603 = arith.constant 1 : i32
        %parallel_loop3A_604 = arith.select %parallel_loop3A_602, %parallel_loop3A_603, %parallel_loop3A_600 : i32
        %parallel_loop3A_605 = arith.remsi %parallel_loop3A_574, %parallel_loop3A_604 : i32
        %parallel_loop3A_606 = arith.constant 0 : i32
        %parallel_loop3A_607 = arith.cmpi ne, %parallel_loop3A_605, %parallel_loop3A_606 : i32
        %parallel_loop3A_608 = arith.constant 0 : i32
        %parallel_loop3A_609 = arith.cmpi slt, %parallel_loop3A_605, %parallel_loop3A_608 : i32
        %parallel_loop3A_610 = arith.constant 0 : i32
        %parallel_loop3A_611 = arith.cmpi slt, %parallel_loop3A_604, %parallel_loop3A_610 : i32
        %parallel_loop3A_612 = arith.xori %parallel_loop3A_609, %parallel_loop3A_611 : i1
        %parallel_loop3A_613 = arith.andi %parallel_loop3A_612, %parallel_loop3A_607 : i1
        %parallel_loop3A_614 = arith.addi %parallel_loop3A_605, %parallel_loop3A_604 : i32
        %parallel_loop3A_615 = arith.select %parallel_loop3A_613, %parallel_loop3A_614, %parallel_loop3A_605 : i32
        %parallel_loop3A_616 = vector.broadcast %parallel_loop3A_615 : i32 to vector<16xi32>
        %parallel_loop3A_617 = arith.index_cast %parallel_loop3A_574 : i32 to index
        %parallel_loop3A_618 = arith.constant 0 : index
        %parallel_loop3A_619 = tpu.vector_load %arg8[%parallel_loop3A_617, %parallel_loop3A_618] {strides = array<i32>} : memref<1024x32xf32, #tpu.memory_space<vmem>>, vector<16xf32>,
        tpu.vector_store_idx %arg9[%add3A_26, %parallel_loop3A_599, %select_n3A_80, %parallel_loop3A_616], %parallel_loop3A_619 : memref<4x8x8x129xf32, #tpu.memory_space<vmem>>[vector<16xi32>, vector<16xi32>, vector<16xi32>, vector<16xi32>], vector<16xf32>,
        %parallel_loop3A_620 = arith.index_cast %parallel_loop3A_574 : i32 to index
        %parallel_loop3A_621 = arith.constant 16 : index
        %parallel_loop3A_622 = tpu.vector_load %arg8[%parallel_loop3A_620, %parallel_loop3A_621] {strides = array<i32>} : memref<1024x32xf32, #tpu.memory_space<vmem>>, vector<16xf32>,
        tpu.vector_store_idx %arg9[%add3A_60, %parallel_loop3A_599, %select_n3A_80, %parallel_loop3A_616], %parallel_loop3A_622 : memref<4x8x8x129xf32, #tpu.memory_space<vmem>>[vector<16xi32>, vector<16xi32>, vector<16xi32>, vector<16xi32>], vector<16xf32>,
        %parallel_loop3A_623 = arith.constant 6 : i32
        %parallel_loop3A_624 = arith.addi %parallel_loop3A_322, %parallel_loop3A_623 : i32
        %parallel_loop3A_625 = arith.constant 128 : i32
        %parallel_loop3A_626 = arith.divsi %parallel_loop3A_624, %parallel_loop3A_625 : i32
        %parallel_loop3A_627 = arith.constant 0 : i32
        %parallel_loop3A_628 = arith.cmpi sgt, %parallel_loop3A_624, %parallel_loop3A_627 : i32
        %parallel_loop3A_629 = arith.extui %parallel_loop3A_628 : i1 to i32
        %parallel_loop3A_630 = arith.constant 0 : i32
        %parallel_loop3A_631 = arith.cmpi slt, %parallel_loop3A_624, %parallel_loop3A_630 : i32
        %parallel_loop3A_632 = arith.extui %parallel_loop3A_631 : i1 to i32
        %parallel_loop3A_633 = arith.subi %parallel_loop3A_629, %parallel_loop3A_632 : i32
        %parallel_loop3A_634 = arith.constant 0 : i32
        %parallel_loop3A_635 = arith.cmpi sgt, %parallel_loop3A_625, %parallel_loop3A_634 : i32
        %parallel_loop3A_636 = arith.extui %parallel_loop3A_635 : i1 to i32
        %parallel_loop3A_637 = arith.constant 0 : i32
        %parallel_loop3A_638 = arith.cmpi slt, %parallel_loop3A_625, %parallel_loop3A_637 : i32
        %parallel_loop3A_639 = arith.extui %parallel_loop3A_638 : i1 to i32
        %parallel_loop3A_640 = arith.subi %parallel_loop3A_636, %parallel_loop3A_639 : i32
        %parallel_loop3A_641 = arith.cmpi ne, %parallel_loop3A_633, %parallel_loop3A_640 : i32
        %parallel_loop3A_642 = arith.remsi %parallel_loop3A_624, %parallel_loop3A_625 : i32
        %parallel_loop3A_643 = arith.constant 0 : i32
        %parallel_loop3A_644 = arith.cmpi ne, %parallel_loop3A_642, %parallel_loop3A_643 : i32
        %parallel_loop3A_645 = arith.andi %parallel_loop3A_641, %parallel_loop3A_644 : i1
        %parallel_loop3A_646 = arith.constant 1 : i32
        %parallel_loop3A_647 = arith.subi %parallel_loop3A_626, %parallel_loop3A_646 : i32
        %parallel_loop3A_648 = arith.select %parallel_loop3A_645, %parallel_loop3A_647, %parallel_loop3A_626 : i32
        %parallel_loop3A_649 = vector.broadcast %parallel_loop3A_648 : i32 to vector<16xi32>
        %parallel_loop3A_650 = arith.constant 128 : i32
        %parallel_loop3A_651 = arith.constant 0 : i32
        %parallel_loop3A_652 = arith.cmpi eq, %parallel_loop3A_650, %parallel_loop3A_651 : i32
        %parallel_loop3A_653 = arith.constant 1 : i32
        %parallel_loop3A_654 = arith.select %parallel_loop3A_652, %parallel_loop3A_653, %parallel_loop3A_650 : i32
        %parallel_loop3A_655 = arith.remsi %parallel_loop3A_624, %parallel_loop3A_654 : i32
        %parallel_loop3A_656 = arith.constant 0 : i32
        %parallel_loop3A_657 = arith.cmpi ne, %parallel_loop3A_655, %parallel_loop3A_656 : i32
        %parallel_loop3A_658 = arith.constant 0 : i32
        %parallel_loop3A_659 = arith.cmpi slt, %parallel_loop3A_655, %parallel_loop3A_658 : i32
        %parallel_loop3A_660 = arith.constant 0 : i32
        %parallel_loop3A_661 = arith.cmpi slt, %parallel_loop3A_654, %parallel_loop3A_660 : i32
        %parallel_loop3A_662 = arith.xori %parallel_loop3A_659, %parallel_loop3A_661 : i1
        %parallel_loop3A_663 = arith.andi %parallel_loop3A_662, %parallel_loop3A_657 : i1
        %parallel_loop3A_664 = arith.addi %parallel_loop3A_655, %parallel_loop3A_654 : i32
        %parallel_loop3A_665 = arith.select %parallel_loop3A_663, %parallel_loop3A_664, %parallel_loop3A_655 : i32
        %parallel_loop3A_666 = vector.broadcast %parallel_loop3A_665 : i32 to vector<16xi32>
        %parallel_loop3A_667 = arith.index_cast %parallel_loop3A_624 : i32 to index
        %parallel_loop3A_668 = arith.constant 0 : index
        %parallel_loop3A_669 = tpu.vector_load %arg8[%parallel_loop3A_667, %parallel_loop3A_668] {strides = array<i32>} : memref<1024x32xf32, #tpu.memory_space<vmem>>, vector<16xf32>,
        tpu.vector_store_idx %arg9[%add3A_26, %parallel_loop3A_649, %select_n3A_80, %parallel_loop3A_666], %parallel_loop3A_669 : memref<4x8x8x129xf32, #tpu.memory_space<vmem>>[vector<16xi32>, vector<16xi32>, vector<16xi32>, vector<16xi32>], vector<16xf32>,
        %parallel_loop3A_670 = arith.index_cast %parallel_loop3A_624 : i32 to index
        %parallel_loop3A_671 = arith.constant 16 : index
        %parallel_loop3A_672 = tpu.vector_load %arg8[%parallel_loop3A_670, %parallel_loop3A_671] {strides = array<i32>} : memref<1024x32xf32, #tpu.memory_space<vmem>>, vector<16xf32>,
        tpu.vector_store_idx %arg9[%add3A_60, %parallel_loop3A_649, %select_n3A_80, %parallel_loop3A_666], %parallel_loop3A_672 : memref<4x8x8x129xf32, #tpu.memory_space<vmem>>[vector<16xi32>, vector<16xi32>, vector<16xi32>, vector<16xi32>], vector<16xf32>,
        %parallel_loop3A_673 = arith.constant 7 : i32
        %parallel_loop3A_674 = arith.addi %parallel_loop3A_322, %parallel_loop3A_673 : i32
        %parallel_loop3A_675 = arith.constant 128 : i32
        %parallel_loop3A_676 = arith.divsi %parallel_loop3A_674, %parallel_loop3A_675 : i32
        %parallel_loop3A_677 = arith.constant 0 : i32
        %parallel_loop3A_678 = arith.cmpi sgt, %parallel_loop3A_674, %parallel_loop3A_677 : i32
        %parallel_loop3A_679 = arith.extui %parallel_loop3A_678 : i1 to i32
        %parallel_loop3A_680 = arith.constant 0 : i32
        %parallel_loop3A_681 = arith.cmpi slt, %parallel_loop3A_674, %parallel_loop3A_680 : i32
        %parallel_loop3A_682 = arith.extui %parallel_loop3A_681 : i1 to i32
        %parallel_loop3A_683 = arith.subi %parallel_loop3A_679, %parallel_loop3A_682 : i32
        %parallel_loop3A_684 = arith.constant 0 : i32
        %parallel_loop3A_685 = arith.cmpi sgt, %parallel_loop3A_675, %parallel_loop3A_684 : i32
        %parallel_loop3A_686 = arith.extui %parallel_loop3A_685 : i1 to i32
        %parallel_loop3A_687 = arith.constant 0 : i32
        %parallel_loop3A_688 = arith.cmpi slt, %parallel_loop3A_675, %parallel_loop3A_687 : i32
        %parallel_loop3A_689 = arith.extui %parallel_loop3A_688 : i1 to i32
        %parallel_loop3A_690 = arith.subi %parallel_loop3A_686, %parallel_loop3A_689 : i32
        %parallel_loop3A_691 = arith.cmpi ne, %parallel_loop3A_683, %parallel_loop3A_690 : i32
        %parallel_loop3A_692 = arith.remsi %parallel_loop3A_674, %parallel_loop3A_675 : i32
        %parallel_loop3A_693 = arith.constant 0 : i32
        %parallel_loop3A_694 = arith.cmpi ne, %parallel_loop3A_692, %parallel_loop3A_693 : i32
        %parallel_loop3A_695 = arith.andi %parallel_loop3A_691, %parallel_loop3A_694 : i1
        %parallel_loop3A_696 = arith.constant 1 : i32
        %parallel_loop3A_697 = arith.subi %parallel_loop3A_676, %parallel_loop3A_696 : i32
        %parallel_loop3A_698 = arith.select %parallel_loop3A_695, %parallel_loop3A_697, %parallel_loop3A_676 : i32
        %parallel_loop3A_699 = vector.broadcast %parallel_loop3A_698 : i32 to vector<16xi32>
        %parallel_loop3A_700 = arith.constant 128 : i32
        %parallel_loop3A_701 = arith.constant 0 : i32
        %parallel_loop3A_702 = arith.cmpi eq, %parallel_loop3A_700, %parallel_loop3A_701 : i32
        %parallel_loop3A_703 = arith.constant 1 : i32
        %parallel_loop3A_704 = arith.select %parallel_loop3A_702, %parallel_loop3A_703, %parallel_loop3A_700 : i32
        %parallel_loop3A_705 = arith.remsi %parallel_loop3A_674, %parallel_loop3A_704 : i32
        %parallel_loop3A_706 = arith.constant 0 : i32
        %parallel_loop3A_707 = arith.cmpi ne, %parallel_loop3A_705, %parallel_loop3A_706 : i32
        %parallel_loop3A_708 = arith.constant 0 : i32
        %parallel_loop3A_709 = arith.cmpi slt, %parallel_loop3A_705, %parallel_loop3A_708 : i32
        %parallel_loop3A_710 = arith.constant 0 : i32
        %parallel_loop3A_711 = arith.cmpi slt, %parallel_loop3A_704, %parallel_loop3A_710 : i32
        %parallel_loop3A_712 = arith.xori %parallel_loop3A_709, %parallel_loop3A_711 : i1
        %parallel_loop3A_713 = arith.andi %parallel_loop3A_712, %parallel_loop3A_707 : i1
        %parallel_loop3A_714 = arith.addi %parallel_loop3A_705, %parallel_loop3A_704 : i32
        %parallel_loop3A_715 = arith.select %parallel_loop3A_713, %parallel_loop3A_714, %parallel_loop3A_705 : i32
        %parallel_loop3A_716 = vector.broadcast %parallel_loop3A_715 : i32 to vector<16xi32>
        %parallel_loop3A_717 = arith.index_cast %parallel_loop3A_674 : i32 to index
        %parallel_loop3A_718 = arith.constant 0 : index
        %parallel_loop3A_719 = tpu.vector_load %arg8[%parallel_loop3A_717, %parallel_loop3A_718] {strides = array<i32>} : memref<1024x32xf32, #tpu.memory_space<vmem>>, vector<16xf32>,
        tpu.vector_store_idx %arg9[%add3A_26, %parallel_loop3A_699, %select_n3A_80, %parallel_loop3A_716], %parallel_loop3A_719 : memref<4x8x8x129xf32, #tpu.memory_space<vmem>>[vector<16xi32>, vector<16xi32>, vector<16xi32>, vector<16xi32>], vector<16xf32>,
        %parallel_loop3A_720 = arith.index_cast %parallel_loop3A_674 : i32 to index
        %parallel_loop3A_721 = arith.constant 16 : index
        %parallel_loop3A_722 = tpu.vector_load %arg8[%parallel_loop3A_720, %parallel_loop3A_721] {strides = array<i32>} : memref<1024x32xf32, #tpu.memory_space<vmem>>, vector<16xf32>,
        tpu.vector_store_idx %arg9[%add3A_60, %parallel_loop3A_699, %select_n3A_80, %parallel_loop3A_716], %parallel_loop3A_722 : memref<4x8x8x129xf32, #tpu.memory_space<vmem>>[vector<16xi32>, vector<16xi32>, vector<16xi32>, vector<16xi32>], vector<16xf32>,
      } {sc.loop_unroll_factor = 4 : i64, sc.parallel_access}
      %mul3A_306 = arith.constant 8 : i32
      %mul3A_307 = arith.muli %select_n3A_299, %mul3A_306 : i32
      %run_scoped3A_308 = arith.constant 0 : i32
      %run_scoped3A_309 = arith.constant 0 : i32
      "tpu.region"() ({
        %run_scoped3A_322 = tpu.sem_alloc : memref<!tpu.dma_semaphore, #tpu.memory_space<semaphore_mem>>
        %dma_start3A_323 = arith.constant 0 : i32
        %dma_start3A_324 = arith.constant 0 : i32
        %dma_start3A_325 = arith.constant 0 : i32
        %dma_start3A_326 = tpu.memref_slice %arg9[%run_scoped3A_308, %dma_start3A_323, %dma_start3A_324, %dma_start3A_325] : memref<4x8x8x129xf32, #tpu.memory_space<vmem>> -> memref<1x8x8x128xf32, #tpu.memory_space<vmem>>
        %dma_start3A_327 = tpu.memref_squeeze %dma_start3A_326 : memref<1x8x8x128xf32, #tpu.memory_space<vmem>> -> memref<8x8x128xf32, #tpu.memory_space<vmem>>
        %dma_start3A_328 = arith.constant 0 : i32
        %dma_start3A_329 = arith.constant 0 : i32
        %dma_start3A_330 = tpu.memref_slice %arg4[%select_n3A_283, %run_scoped3A_309, %mul3A_307, %dma_start3A_328, %dma_start3A_329] : memref<100x4x128x8x128xf32, #tpu.memory_space<hbm>> -> memref<1x1x8x8x128xf32, #tpu.memory_space<hbm>>
        %dma_start3A_331 = tpu.memref_squeeze %dma_start3A_330 : memref<1x1x8x8x128xf32, #tpu.memory_space<hbm>> -> memref<8x8x128xf32, #tpu.memory_space<hbm>>
        %dma_start3A_332 = arith.constant 0 : i32
        %dma_start3A_333 = arith.constant 0 : i32
        %dma_start3A_334 = tpu.memref_slice %arg4[%select_n3A_283, %run_scoped3A_309, %mul3A_307, %dma_start3A_332, %dma_start3A_333] : memref<100x4x128x8x128xf32, #tpu.memory_space<hbm>> -> memref<1x1x8x8x128xf32, #tpu.memory_space<hbm>>
        %dma_start3A_335 = tpu.memref_squeeze %dma_start3A_334 : memref<1x1x8x8x128xf32, #tpu.memory_space<hbm>> -> memref<8x8x128xf32, #tpu.memory_space<hbm>>
        %dma_start3A_336 = arith.constant 0 : i32
        %dma_start3A_337 = arith.constant 0 : i32
        %dma_start3A_338 = arith.constant 0 : i32
        %dma_start3A_339 = tpu.memref_slice %arg9[%run_scoped3A_308, %dma_start3A_336, %dma_start3A_337, %dma_start3A_338] : memref<4x8x8x129xf32, #tpu.memory_space<vmem>> -> memref<1x8x8x128xf32, #tpu.memory_space<vmem>>
        %dma_start3A_340 = tpu.memref_squeeze %dma_start3A_339 : memref<1x8x8x128xf32, #tpu.memory_space<vmem>> -> memref<8x8x128xf32, #tpu.memory_space<vmem>>
        tpu.enqueue_dma source(%dma_start3A_340 : memref<8x8x128xf32, #tpu.memory_space<vmem>>) target(%dma_start3A_335 : memref<8x8x128xf32, #tpu.memory_space<hbm>>) target_semaphore(%run_scoped3A_322 : memref<!tpu.dma_semaphore, #tpu.memory_space<semaphore_mem>>)
        %dma_wait3A_341 = arith.constant 0 : i32
        %dma_wait3A_342 = arith.constant 0 : i32
        %dma_wait3A_343 = arith.constant 0 : i32
        %dma_wait3A_344 = tpu.memref_slice %arg9[%run_scoped3A_308, %dma_wait3A_341, %dma_wait3A_342, %dma_wait3A_343] : memref<4x8x8x129xf32, #tpu.memory_space<vmem>> -> memref<1x8x8x128xf32, #tpu.memory_space<vmem>>
        %dma_wait3A_345 = tpu.memref_squeeze %dma_wait3A_344 : memref<1x8x8x128xf32, #tpu.memory_space<vmem>> -> memref<8x8x128xf32, #tpu.memory_space<vmem>>
        %dma_wait3A_346 = arith.constant 0 : i32
        %dma_wait3A_347 = arith.constant 0 : i32
        %dma_wait3A_348 = tpu.memref_slice %arg4[%select_n3A_283, %run_scoped3A_309, %mul3A_307, %dma_wait3A_346, %dma_wait3A_347] : memref<100x4x128x8x128xf32, #tpu.memory_space<hbm>> -> memref<1x1x8x8x128xf32, #tpu.memory_space<hbm>>
        %dma_wait3A_349 = tpu.memref_squeeze %dma_wait3A_348 : memref<1x1x8x8x128xf32, #tpu.memory_space<hbm>> -> memref<8x8x128xf32, #tpu.memory_space<hbm>>
        %dma_wait3A_350 = arith.constant 0 : i32
        %dma_wait3A_351 = arith.constant 0 : i32
        %dma_wait3A_352 = tpu.memref_slice %arg4[%select_n3A_283, %run_scoped3A_309, %mul3A_307, %dma_wait3A_350, %dma_wait3A_351] : memref<100x4x128x8x128xf32, #tpu.memory_space<hbm>> -> memref<1x1x8x8x128xf32, #tpu.memory_space<hbm>>
        %dma_wait3A_353 = tpu.memref_squeeze %dma_wait3A_352 : memref<1x1x8x8x128xf32, #tpu.memory_space<hbm>> -> memref<8x8x128xf32, #tpu.memory_space<hbm>>
        %dma_wait3A_354 = arith.constant 0 : i32
        %dma_wait3A_355 = arith.constant 0 : i32
        %dma_wait3A_356 = arith.constant 0 : i32
        %dma_wait3A_357 = tpu.memref_slice %arg9[%run_scoped3A_308, %dma_wait3A_354, %dma_wait3A_355, %dma_wait3A_356] : memref<4x8x8x129xf32, #tpu.memory_space<vmem>> -> memref<1x8x8x128xf32, #tpu.memory_space<vmem>>
        %dma_wait3A_358 = tpu.memref_squeeze %dma_wait3A_357 : memref<1x8x8x128xf32, #tpu.memory_space<vmem>> -> memref<8x8x128xf32, #tpu.memory_space<vmem>>
        tpu.wait_dma2 semaphore(%run_scoped3A_322 : memref<!tpu.dma_semaphore, #tpu.memory_space<semaphore_mem>>) src(%dma_wait3A_358 : memref<8x8x128xf32, #tpu.memory_space<vmem>>) dst(%dma_wait3A_353 : memref<8x8x128xf32, #tpu.memory_space<hbm>>)
        tpu.yield
      }) : () -> ()
      %mul3A_310 = arith.constant 8 : i32
      %mul3A_311 = arith.muli %select_n3A_299, %mul3A_310 : i32
      %run_scoped3A_312 = arith.constant 1 : i32
      %run_scoped3A_313 = arith.constant 1 : i32
      "tpu.region"() ({
        %run_scoped3A_322 = tpu.sem_alloc : memref<!tpu.dma_semaphore, #tpu.memory_space<semaphore_mem>>
        %dma_start3A_323 = arith.constant 0 : i32
        %dma_start3A_324 = arith.constant 0 : i32
        %dma_start3A_325 = arith.constant 0 : i32
        %dma_start3A_326 = tpu.memref_slice %arg9[%run_scoped3A_312, %dma_start3A_323, %dma_start3A_324, %dma_start3A_325] : memref<4x8x8x129xf32, #tpu.memory_space<vmem>> -> memref<1x8x8x128xf32, #tpu.memory_space<vmem>>
        %dma_start3A_327 = tpu.memref_squeeze %dma_start3A_326 : memref<1x8x8x128xf32, #tpu.memory_space<vmem>> -> memref<8x8x128xf32, #tpu.memory_space<vmem>>
        %dma_start3A_328 = arith.constant 0 : i32
        %dma_start3A_329 = arith.constant 0 : i32
        %dma_start3A_330 = tpu.memref_slice %arg4[%select_n3A_283, %run_scoped3A_313, %mul3A_311, %dma_start3A_328, %dma_start3A_329] : memref<100x4x128x8x128xf32, #tpu.memory_space<hbm>> -> memref<1x1x8x8x128xf32, #tpu.memory_space<hbm>>
        %dma_start3A_331 = tpu.memref_squeeze %dma_start3A_330 : memref<1x1x8x8x128xf32, #tpu.memory_space<hbm>> -> memref<8x8x128xf32, #tpu.memory_space<hbm>>
        %dma_start3A_332 = arith.constant 0 : i32
        %dma_start3A_333 = arith.constant 0 : i32
        %dma_start3A_334 = tpu.memref_slice %arg4[%select_n3A_283, %run_scoped3A_313, %mul3A_311, %dma_start3A_332, %dma_start3A_333] : memref<100x4x128x8x128xf32, #tpu.memory_space<hbm>> -> memref<1x1x8x8x128xf32, #tpu.memory_space<hbm>>
        %dma_start3A_335 = tpu.memref_squeeze %dma_start3A_334 : memref<1x1x8x8x128xf32, #tpu.memory_space<hbm>> -> memref<8x8x128xf32, #tpu.memory_space<hbm>>
        %dma_start3A_336 = arith.constant 0 : i32
        %dma_start3A_337 = arith.constant 0 : i32
        %dma_start3A_338 = arith.constant 0 : i32
        %dma_start3A_339 = tpu.memref_slice %arg9[%run_scoped3A_312, %dma_start3A_336, %dma_start3A_337, %dma_start3A_338] : memref<4x8x8x129xf32, #tpu.memory_space<vmem>> -> memref<1x8x8x128xf32, #tpu.memory_space<vmem>>
        %dma_start3A_340 = tpu.memref_squeeze %dma_start3A_339 : memref<1x8x8x128xf32, #tpu.memory_space<vmem>> -> memref<8x8x128xf32, #tpu.memory_space<vmem>>
        tpu.enqueue_dma source(%dma_start3A_340 : memref<8x8x128xf32, #tpu.memory_space<vmem>>) target(%dma_start3A_335 : memref<8x8x128xf32, #tpu.memory_space<hbm>>) target_semaphore(%run_scoped3A_322 : memref<!tpu.dma_semaphore, #tpu.memory_space<semaphore_mem>>)
        %dma_wait3A_341 = arith.constant 0 : i32
        %dma_wait3A_342 = arith.constant 0 : i32
        %dma_wait3A_343 = arith.constant 0 : i32
        %dma_wait3A_344 = tpu.memref_slice %arg9[%run_scoped3A_312, %dma_wait3A_341, %dma_wait3A_342, %dma_wait3A_343] : memref<4x8x8x129xf32, #tpu.memory_space<vmem>> -> memref<1x8x8x128xf32, #tpu.memory_space<vmem>>
        %dma_wait3A_345 = tpu.memref_squeeze %dma_wait3A_344 : memref<1x8x8x128xf32, #tpu.memory_space<vmem>> -> memref<8x8x128xf32, #tpu.memory_space<vmem>>
        %dma_wait3A_346 = arith.constant 0 : i32
        %dma_wait3A_347 = arith.constant 0 : i32
        %dma_wait3A_348 = tpu.memref_slice %arg4[%select_n3A_283, %run_scoped3A_313, %mul3A_311, %dma_wait3A_346, %dma_wait3A_347] : memref<100x4x128x8x128xf32, #tpu.memory_space<hbm>> -> memref<1x1x8x8x128xf32, #tpu.memory_space<hbm>>
        %dma_wait3A_349 = tpu.memref_squeeze %dma_wait3A_348 : memref<1x1x8x8x128xf32, #tpu.memory_space<hbm>> -> memref<8x8x128xf32, #tpu.memory_space<hbm>>
        %dma_wait3A_350 = arith.constant 0 : i32
        %dma_wait3A_351 = arith.constant 0 : i32
        %dma_wait3A_352 = tpu.memref_slice %arg4[%select_n3A_283, %run_scoped3A_313, %mul3A_311, %dma_wait3A_350, %dma_wait3A_351] : memref<100x4x128x8x128xf32, #tpu.memory_space<hbm>> -> memref<1x1x8x8x128xf32, #tpu.memory_space<hbm>>
        %dma_wait3A_353 = tpu.memref_squeeze %dma_wait3A_352 : memref<1x1x8x8x128xf32, #tpu.memory_space<hbm>> -> memref<8x8x128xf32, #tpu.memory_space<hbm>>
        %dma_wait3A_354 = arith.constant 0 : i32
        %dma_wait3A_355 = arith.constant 0 : i32
        %dma_wait3A_356 = arith.constant 0 : i32
        %dma_wait3A_357 = tpu.memref_slice %arg9[%run_scoped3A_312, %dma_wait3A_354, %dma_wait3A_355, %dma_wait3A_356] : memref<4x8x8x129xf32, #tpu.memory_space<vmem>> -> memref<1x8x8x128xf32, #tpu.memory_space<vmem>>
        %dma_wait3A_358 = tpu.memref_squeeze %dma_wait3A_357 : memref<1x8x8x128xf32, #tpu.memory_space<vmem>> -> memref<8x8x128xf32, #tpu.memory_space<vmem>>
        tpu.wait_dma2 semaphore(%run_scoped3A_322 : memref<!tpu.dma_semaphore, #tpu.memory_space<semaphore_mem>>) src(%dma_wait3A_358 : memref<8x8x128xf32, #tpu.memory_space<vmem>>) dst(%dma_wait3A_353 : memref<8x8x128xf32, #tpu.memory_space<hbm>>)
        tpu.yield
      }) : () -> ()
      %mul3A_314 = arith.constant 8 : i32
      %mul3A_315 = arith.muli %select_n3A_299, %mul3A_314 : i32
      %run_scoped3A_316 = arith.constant 2 : i32
      %run_scoped3A_317 = arith.constant 2 : i32
      "tpu.region"() ({
        %run_scoped3A_322 = tpu.sem_alloc : memref<!tpu.dma_semaphore, #tpu.memory_space<semaphore_mem>>
        %dma_start3A_323 = arith.constant 0 : i32
        %dma_start3A_324 = arith.constant 0 : i32
        %dma_start3A_325 = arith.constant 0 : i32
        %dma_start3A_326 = tpu.memref_slice %arg9[%run_scoped3A_316, %dma_start3A_323, %dma_start3A_324, %dma_start3A_325] : memref<4x8x8x129xf32, #tpu.memory_space<vmem>> -> memref<1x8x8x128xf32, #tpu.memory_space<vmem>>
        %dma_start3A_327 = tpu.memref_squeeze %dma_start3A_326 : memref<1x8x8x128xf32, #tpu.memory_space<vmem>> -> memref<8x8x128xf32, #tpu.memory_space<vmem>>
        %dma_start3A_328 = arith.constant 0 : i32
        %dma_start3A_329 = arith.constant 0 : i32
        %dma_start3A_330 = tpu.memref_slice %arg4[%select_n3A_283, %run_scoped3A_317, %mul3A_315, %dma_start3A_328, %dma_start3A_329] : memref<100x4x128x8x128xf32, #tpu.memory_space<hbm>> -> memref<1x1x8x8x128xf32, #tpu.memory_space<hbm>>
        %dma_start3A_331 = tpu.memref_squeeze %dma_start3A_330 : memref<1x1x8x8x128xf32, #tpu.memory_space<hbm>> -> memref<8x8x128xf32, #tpu.memory_space<hbm>>
        %dma_start3A_332 = arith.constant 0 : i32
        %dma_start3A_333 = arith.constant 0 : i32
        %dma_start3A_334 = tpu.memref_slice %arg4[%select_n3A_283, %run_scoped3A_317, %mul3A_315, %dma_start3A_332, %dma_start3A_333] : memref<100x4x128x8x128xf32, #tpu.memory_space<hbm>> -> memref<1x1x8x8x128xf32, #tpu.memory_space<hbm>>
        %dma_start3A_335 = tpu.memref_squeeze %dma_start3A_334 : memref<1x1x8x8x128xf32, #tpu.memory_space<hbm>> -> memref<8x8x128xf32, #tpu.memory_space<hbm>>
        %dma_start3A_336 = arith.constant 0 : i32
        %dma_start3A_337 = arith.constant 0 : i32
        %dma_start3A_338 = arith.constant 0 : i32
        %dma_start3A_339 = tpu.memref_slice %arg9[%run_scoped3A_316, %dma_start3A_336, %dma_start3A_337, %dma_start3A_338] : memref<4x8x8x129xf32, #tpu.memory_space<vmem>> -> memref<1x8x8x128xf32, #tpu.memory_space<vmem>>
        %dma_start3A_340 = tpu.memref_squeeze %dma_start3A_339 : memref<1x8x8x128xf32, #tpu.memory_space<vmem>> -> memref<8x8x128xf32, #tpu.memory_space<vmem>>
        tpu.enqueue_dma source(%dma_start3A_340 : memref<8x8x128xf32, #tpu.memory_space<vmem>>) target(%dma_start3A_335 : memref<8x8x128xf32, #tpu.memory_space<hbm>>) target_semaphore(%run_scoped3A_322 : memref<!tpu.dma_semaphore, #tpu.memory_space<semaphore_mem>>)
        %dma_wait3A_341 = arith.constant 0 : i32
        %dma_wait3A_342 = arith.constant 0 : i32
        %dma_wait3A_343 = arith.constant 0 : i32
        %dma_wait3A_344 = tpu.memref_slice %arg9[%run_scoped3A_316, %dma_wait3A_341, %dma_wait3A_342, %dma_wait3A_343] : memref<4x8x8x129xf32, #tpu.memory_space<vmem>> -> memref<1x8x8x128xf32, #tpu.memory_space<vmem>>
        %dma_wait3A_345 = tpu.memref_squeeze %dma_wait3A_344 : memref<1x8x8x128xf32, #tpu.memory_space<vmem>> -> memref<8x8x128xf32, #tpu.memory_space<vmem>>
        %dma_wait3A_346 = arith.constant 0 : i32
        %dma_wait3A_347 = arith.constant 0 : i32
        %dma_wait3A_348 = tpu.memref_slice %arg4[%select_n3A_283, %run_scoped3A_317, %mul3A_315, %dma_wait3A_346, %dma_wait3A_347] : memref<100x4x128x8x128xf32, #tpu.memory_space<hbm>> -> memref<1x1x8x8x128xf32, #tpu.memory_space<hbm>>
        %dma_wait3A_349 = tpu.memref_squeeze %dma_wait3A_348 : memref<1x1x8x8x128xf32, #tpu.memory_space<hbm>> -> memref<8x8x128xf32, #tpu.memory_space<hbm>>
        %dma_wait3A_350 = arith.constant 0 : i32
        %dma_wait3A_351 = arith.constant 0 : i32
        %dma_wait3A_352 = tpu.memref_slice %arg4[%select_n3A_283, %run_scoped3A_317, %mul3A_315, %dma_wait3A_350, %dma_wait3A_351] : memref<100x4x128x8x128xf32, #tpu.memory_space<hbm>> -> memref<1x1x8x8x128xf32, #tpu.memory_space<hbm>>
        %dma_wait3A_353 = tpu.memref_squeeze %dma_wait3A_352 : memref<1x1x8x8x128xf32, #tpu.memory_space<hbm>> -> memref<8x8x128xf32, #tpu.memory_space<hbm>>
        %dma_wait3A_354 = arith.constant 0 : i32
        %dma_wait3A_355 = arith.constant 0 : i32
        %dma_wait3A_356 = arith.constant 0 : i32
        %dma_wait3A_357 = tpu.memref_slice %arg9[%run_scoped3A_316, %dma_wait3A_354, %dma_wait3A_355, %dma_wait3A_356] : memref<4x8x8x129xf32, #tpu.memory_space<vmem>> -> memref<1x8x8x128xf32, #tpu.memory_space<vmem>>
        %dma_wait3A_358 = tpu.memref_squeeze %dma_wait3A_357 : memref<1x8x8x128xf32, #tpu.memory_space<vmem>> -> memref<8x8x128xf32, #tpu.memory_space<vmem>>
        tpu.wait_dma2 semaphore(%run_scoped3A_322 : memref<!tpu.dma_semaphore, #tpu.memory_space<semaphore_mem>>) src(%dma_wait3A_358 : memref<8x8x128xf32, #tpu.memory_space<vmem>>) dst(%dma_wait3A_353 : memref<8x8x128xf32, #tpu.memory_space<hbm>>)
        tpu.yield
      }) : () -> ()
      %mul3A_318 = arith.constant 8 : i32
      %mul3A_319 = arith.muli %select_n3A_299, %mul3A_318 : i32
      %run_scoped3A_320 = arith.constant 3 : i32
      %run_scoped3A_321 = arith.constant 3 : i32
      "tpu.region"() ({
        %run_scoped3A_322 = tpu.sem_alloc : memref<!tpu.dma_semaphore, #tpu.memory_space<semaphore_mem>>
        %dma_start3A_323 = arith.constant 0 : i32
        %dma_start3A_324 = arith.constant 0 : i32
        %dma_start3A_325 = arith.constant 0 : i32
        %dma_start3A_326 = tpu.memref_slice %arg9[%run_scoped3A_320, %dma_start3A_323, %dma_start3A_324, %dma_start3A_325] : memref<4x8x8x129xf32, #tpu.memory_space<vmem>> -> memref<1x8x8x128xf32, #tpu.memory_space<vmem>>
        %dma_start3A_327 = tpu.memref_squeeze %dma_start3A_326 : memref<1x8x8x128xf32, #tpu.memory_space<vmem>> -> memref<8x8x128xf32, #tpu.memory_space<vmem>>
        %dma_start3A_328 = arith.constant 0 : i32
        %dma_start3A_329 = arith.constant 0 : i32
        %dma_start3A_330 = tpu.memref_slice %arg4[%select_n3A_283, %run_scoped3A_321, %mul3A_319, %dma_start3A_328, %dma_start3A_329] : memref<100x4x128x8x128xf32, #tpu.memory_space<hbm>> -> memref<1x1x8x8x128xf32, #tpu.memory_space<hbm>>
        %dma_start3A_331 = tpu.memref_squeeze %dma_start3A_330 : memref<1x1x8x8x128xf32, #tpu.memory_space<hbm>> -> memref<8x8x128xf32, #tpu.memory_space<hbm>>
        %dma_start3A_332 = arith.constant 0 : i32
        %dma_start3A_333 = arith.constant 0 : i32
        %dma_start3A_334 = tpu.memref_slice %arg4[%select_n3A_283, %run_scoped3A_321, %mul3A_319, %dma_start3A_332, %dma_start3A_333] : memref<100x4x128x8x128xf32, #tpu.memory_space<hbm>> -> memref<1x1x8x8x128xf32, #tpu.memory_space<hbm>>
        %dma_start3A_335 = tpu.memref_squeeze %dma_start3A_334 : memref<1x1x8x8x128xf32, #tpu.memory_space<hbm>> -> memref<8x8x128xf32, #tpu.memory_space<hbm>>
        %dma_start3A_336 = arith.constant 0 : i32
        %dma_start3A_337 = arith.constant 0 : i32
        %dma_start3A_338 = arith.constant 0 : i32
        %dma_start3A_339 = tpu.memref_slice %arg9[%run_scoped3A_320, %dma_start3A_336, %dma_start3A_337, %dma_start3A_338] : memref<4x8x8x129xf32, #tpu.memory_space<vmem>> -> memref<1x8x8x128xf32, #tpu.memory_space<vmem>>
        %dma_start3A_340 = tpu.memref_squeeze %dma_start3A_339 : memref<1x8x8x128xf32, #tpu.memory_space<vmem>> -> memref<8x8x128xf32, #tpu.memory_space<vmem>>
        tpu.enqueue_dma source(%dma_start3A_340 : memref<8x8x128xf32, #tpu.memory_space<vmem>>) target(%dma_start3A_335 : memref<8x8x128xf32, #tpu.memory_space<hbm>>) target_semaphore(%run_scoped3A_322 : memref<!tpu.dma_semaphore, #tpu.memory_space<semaphore_mem>>)
        %dma_wait3A_341 = arith.constant 0 : i32
        %dma_wait3A_342 = arith.constant 0 : i32
        %dma_wait3A_343 = arith.constant 0 : i32
        %dma_wait3A_344 = tpu.memref_slice %arg9[%run_scoped3A_320, %dma_wait3A_341, %dma_wait3A_342, %dma_wait3A_343] : memref<4x8x8x129xf32, #tpu.memory_space<vmem>> -> memref<1x8x8x128xf32, #tpu.memory_space<vmem>>
        %dma_wait3A_345 = tpu.memref_squeeze %dma_wait3A_344 : memref<1x8x8x128xf32, #tpu.memory_space<vmem>> -> memref<8x8x128xf32, #tpu.memory_space<vmem>>
        %dma_wait3A_346 = arith.constant 0 : i32
        %dma_wait3A_347 = arith.constant 0 : i32
        %dma_wait3A_348 = tpu.memref_slice %arg4[%select_n3A_283, %run_scoped3A_321, %mul3A_319, %dma_wait3A_346, %dma_wait3A_347] : memref<100x4x128x8x128xf32, #tpu.memory_space<hbm>> -> memref<1x1x8x8x128xf32, #tpu.memory_space<hbm>>
        %dma_wait3A_349 = tpu.memref_squeeze %dma_wait3A_348 : memref<1x1x8x8x128xf32, #tpu.memory_space<hbm>> -> memref<8x8x128xf32, #tpu.memory_space<hbm>>
        %dma_wait3A_350 = arith.constant 0 : i32
        %dma_wait3A_351 = arith.constant 0 : i32
        %dma_wait3A_352 = tpu.memref_slice %arg4[%select_n3A_283, %run_scoped3A_321, %mul3A_319, %dma_wait3A_350, %dma_wait3A_351] : memref<100x4x128x8x128xf32, #tpu.memory_space<hbm>> -> memref<1x1x8x8x128xf32, #tpu.memory_space<hbm>>
        %dma_wait3A_353 = tpu.memref_squeeze %dma_wait3A_352 : memref<1x1x8x8x128xf32, #tpu.memory_space<hbm>> -> memref<8x8x128xf32, #tpu.memory_space<hbm>>
        %dma_wait3A_354 = arith.constant 0 : i32
        %dma_wait3A_355 = arith.constant 0 : i32
        %dma_wait3A_356 = arith.constant 0 : i32
        %dma_wait3A_357 = tpu.memref_slice %arg9[%run_scoped3A_320, %dma_wait3A_354, %dma_wait3A_355, %dma_wait3A_356] : memref<4x8x8x129xf32, #tpu.memory_space<vmem>> -> memref<1x8x8x128xf32, #tpu.memory_space<vmem>>
        %dma_wait3A_358 = tpu.memref_squeeze %dma_wait3A_357 : memref<1x8x8x128xf32, #tpu.memory_space<vmem>> -> memref<8x8x128xf32, #tpu.memory_space<vmem>>
        tpu.wait_dma2 semaphore(%run_scoped3A_322 : memref<!tpu.dma_semaphore, #tpu.memory_space<semaphore_mem>>) src(%dma_wait3A_358 : memref<8x8x128xf32, #tpu.memory_space<vmem>>) dst(%dma_wait3A_353 : memref<8x8x128xf32, #tpu.memory_space<hbm>>)
        tpu.yield
      }) : () -> ()
    }
    %scan3A_133 = arith.constant 25 : i32
    return
  }
}

</mosaic_0001>

<sc_bundles>
// kernel: kernel.3.cloned.1.call-start
scs
__scs_entry_jumppad:
0x0: {  	(pc) =	sbr.rel $0x88, $3  }
0x1: {  	(tag) =	ssettag $0x0;
	lr =	simm.s32 $0x1  }
0x2: {  	[smem:$0x3F9F] =	sst lr;
	_ =	strace $0xD0000000  }
0x3: {  	_ = 	snop  }
0x4: {  	_ = 	snop  }
0x5: {  	_ = 	snop  }
0x6: {  	_ = 	snop  }
0x7: {  	_ = 	snop  }
__scs_overlays_trampoline_lowered:
0x8: {  	[smem:$0x3FAE] =	sst s0  }
0x9: {  	[smem:$0x3FAF] =	sst s1  }
0xa: {  	[smem:$0x3FB0] =	sst s2  }
0xb: {  	[smem:$0x3FB1] =	sst s3  }
0xc: {  	[smem:$0x3FB2] =	sst s4  }
0xd: {  	[smem:$0x3FB3] =	sst s5  }
0xe: {  	[smem:$0x3FB4] =	sst s6  }
0xf: {  	[smem:$0x3FB5] =	sst s7  }
0x10: {  	[smem:$0x3FB6] =	sst s8  }
0x11: {  	[smem:$0x3FB7] =	sst s9;
	s0 =	simm.s32 @!p0 $0x0  }
0x12: {  	s1 =	sld [smem:$0x3F9D];
	s0 =	simm.s32 @p0 $0x1  }
0x13: {  	[smem:$0x3FB8] =	sst s0;
	s0 =	simm.s32 @!p1 $0x0  }
0x14: {  	s2 =	sld [smem:$0x3F9C];
	s0 =	simm.s32 @p1 $0x1  }
0x15: {  	[smem:$0x3FB9] =	sst s0;
	s0 =	simm.s32 @!p2 $0x0  }
0x16: {  	s3 =	sld [smem:$0x3FDB];
	s0 =	simm.s32 @p2 $0x1  }
0x17: {  	s4 =	simm.s32 $0x1BF5;
	[smem:$0x3FBB] =	sst s0  }
0x18: {  	s0 =	sld [smem:$0x3F9E];
	_ =	swait.ge [sflag:s4], $0x0  }
0x19: {  	s7 =	sld [smem:$0x3F9F]  }
0x1a: {  	s8 =	sadd.s32 $0xFFFFE003, lr  }
0x1b: {  	s9 =	sadd.s32 $0xFFFFFEF7, lr;
	s5 =	simm.s32 $0xFFFFFFFF;
	p2 =	slt.u32 s8, $0xFFFFF086  }
0x1c: {  	p1 =	slt.u32 s9, $0xF7A;
	s5 =	simm.s32 @!p2 $0x0  }
0x1d: {  	s5 =	simm.s32 @p1 $0x1;
	p0 =	seq.s32 s7, s2  }
0x1e: {  	s7 =	smul.u32 @!p0 $0xF7A, s2;
	p2 =	seq.s32 @!p0 s5, $0x0  }
0x1f: {  	s9 =	smul.u32 $0xF7A, s1;
	s8 =	simm.s32 @!p0 $0x1BF5;
	p2 =	por !p2, p0  }
0x20: {  	[sflag:s8] =	ssyncset.s32 @!p0 $0xFFFFF086;
	s6 =	sadd.s32 @!p0 s3, s7;
	s7 =	simm.s32 @!p0 $0x108  }
0x21: {  	s3 =	sadd.s32 s3, s9;
	s6 =	sadd.s32 @!p0 $0x88, s6;
	s7 =	simm.s32 @p2 $0x1082  }
0x22: {  	[simem:s7], [sflag:s8] =	dma.local @!p0 [hbm:s6], $0xF7A  }
0x23: {  	s9 =	sor.u32 $0xD0000000, s2;
	s6 =	simm.s32 $0x108;
	_ =	swait.ge @!p0 [sflag:s8], $0x0  }
0x24: {  	s3 =	sadd.s32 $0x88, s3;
	s6 =	simm.s32 @!p1 $0x1082;
	[sflag:s4] =	ssyncset.s32 $0xFFFFF086  }
0x25: {  	[simem:s6], [sflag:s4] =	dma.local [hbm:s3], $0xF7A  }
0x26: {  	[smem:$0x3F9F] =	sst s1;
	(tag) =	ssettag s2;
	_ =	strace s9  }
0x27: {  	s1 =	sld [smem:$0x3FAF]  }
0x28: {  	s2 =	sld [smem:$0x3FB0]  }
0x29: {  	s4 =	sld [smem:$0x3FB2]  }
0x2a: {  	p0 =	seq.s32 s5, $0x0;
	s5 =	sld [smem:$0x3FB3]  }
0x2b: {  	s6 =	sld [smem:$0x3FB4]  }
0x2c: {  	s7 =	sld [smem:$0x3FB5]  }
0x2d: {  	s3 =	simm.s32 $0x108;
	s8 =	sld [smem:$0x3FB6]  }
0x2e: {  	s3 =	simm.s32 @!p0 $0x1082;
	s9 =	sld [smem:$0x3FB7]  }
0x2f: {  	lr =	sadd.s32 s0, s3;
	s0 =	sld [smem:$0x3FAE]  }
0x30: {  	s3 =	sld [smem:$0x3FB1]  }
0x31: {  	[smem:$0x3FBA] =	sst s10  }
0x32: {  	s10 =	sld [smem:$0x3FB8];
	_ =	sdelay $0x3  }
0x33: {  	p0 =	seq.s32 s10, $0x1;
	s10 =	sld [smem:$0x3FBA];
	_ =	sdelay $0x3  }
0x34: {  	[smem:$0x3FBA] =	sst s10  }
0x35: {  	s10 =	sld [smem:$0x3FB9];
	_ =	sdelay $0x3  }
0x36: {  	p1 =	seq.s32 s10, $0x1;
	s10 =	sld [smem:$0x3FBA];
	_ =	sdelay $0x3  }
0x37: {  	[smem:$0x3FBA] =	sst s10  }
0x38: {  	s10 =	sld [smem:$0x3FBB]  }
0x39: {  	_ = 	snop;
	(pc) =	sbr.ind lr, $3  }
0x3a: {  	_ = 	snop  }
0x3b: {  	_ = 	snop  }
0x3c: {  	p2 =	seq.s32 s10, $0x1;
	s10 =	sld [smem:$0x3FBA]  }
0x3d: {  	_ =	shalt  }
0x3e: {  	_ =	shalt  }
0x3f: {  	_ =	shalt  }
0x40: {  	_ =	shalt  }
0x41: {  	_ =	shalt  }
0x42: {  	_ =	shalt  }
0x43: {  	_ =	shalt  }
0x44: {  	_ =	shalt  }
0x45: {  	_ =	shalt  }
0x46: {  	_ =	shalt  }
0x47: {  	_ =	shalt  }
0x48: {  	_ =	shalt  }
0x49: {  	_ =	shalt  }
0x4a: {  	_ =	shalt  }
0x4b: {  	_ =	shalt  }
0x4c: {  	_ =	shalt  }
0x4d: {  	_ =	shalt  }
0x4e: {  	_ =	shalt  }
0x4f: {  	_ =	shalt  }
0x50: {  	_ =	shalt  }
0x51: {  	_ =	shalt  }
0x52: {  	_ =	shalt  }
0x53: {  	_ =	shalt  }
0x54: {  	_ =	shalt  }
0x55: {  	_ =	shalt  }
0x56: {  	_ =	shalt  }
0x57: {  	_ =	shalt  }
0x58: {  	_ =	shalt  }
0x59: {  	_ =	shalt  }
0x5a: {  	_ =	shalt  }
0x5b: {  	_ =	shalt  }
0x5c: {  	_ =	shalt  }
0x5d: {  	_ =	shalt  }
0x5e: {  	_ =	shalt  }
0x5f: {  	_ =	shalt  }
0x60: {  	_ =	shalt  }
0x61: {  	_ =	shalt  }
0x62: {  	_ =	shalt  }
0x63: {  	_ =	shalt  }
0x64: {  	_ =	shalt  }
0x65: {  	_ =	shalt  }
0x66: {  	_ =	shalt  }
0x67: {  	_ =	shalt  }
0x68: {  	_ =	shalt  }
0x69: {  	_ =	shalt  }
0x6a: {  	_ =	shalt  }
0x6b: {  	_ =	shalt  }
0x6c: {  	_ =	shalt  }
0x6d: {  	_ =	shalt  }
0x6e: {  	_ =	shalt  }
0x6f: {  	_ =	shalt  }
0x70: {  	_ =	shalt  }
0x71: {  	_ =	shalt  }
0x72: {  	_ =	shalt  }
0x73: {  	_ =	shalt  }
0x74: {  	_ =	shalt  }
0x75: {  	_ =	shalt  }
0x76: {  	_ =	shalt  }
0x77: {  	_ =	shalt  }
0x78: {  	_ =	shalt  }
0x79: {  	_ =	shalt  }
0x7a: {  	_ =	shalt  }
0x7b: {  	_ =	shalt  }
0x7c: {  	_ =	shalt  }
0x7d: {  	_ =	shalt  }
0x7e: {  	_ =	shalt  }
0x7f: {  	_ =	shalt  }
0x80: {  	_ =	shalt  }
0x81: {  	_ =	shalt  }
0x82: {  	_ =	shalt  }
0x83: {  	_ =	shalt  }
0x84: {  	_ =	shalt  }
0x85: {  	_ =	shalt  }
0x86: {  	_ =	shalt  }
0x87: {  	_ =	shalt  }
.Lfunc_end0:
.L_simem_size_0:
called_computation_lowered:
.L_overlay_start_0:
0x88: {  	s2 =	sld [smem:$0x3FD9]  }
0x89: {  	s3 =	sld [smem:$0x3FFE];
	_ =	sdelay $0x1  }
0x8a: {  	s1 =	srdreg.scid  }
0x8b: {  	s0 =	sand.u32 $0x1, s1  }
0x8c: {  	s17 =	sshll.u32 s0, $0xA;
	s2 =	sadd.s32 s3, s2  }
0x8d: {  	s2 =	sadd.s32 s2, s17  }
0x8e: {  	[smem:$0x3FC6] =	sst s2  }
0x8f: {  	_ = 	snop  }
0x90: {  	s2 =	sld [smem:$0x3FD0];
	(tm) =	ssettm $0x1  }
0x91: {  	s18 =	sld [smem:$0x3FFB];
	_ =	sdelay $0x3  }
0x92: {  	_ =	strace s18  }
0x93: {  	s3 =	sld [smem:$0x3FFC];
	_ =	sdelay $0x3  }
0x94: {  	_ =	strace s3  }
0x95: {  	s3 =	sld [smem:$0x3FFD];
	_ =	sdelay $0x3  }
0x96: {  	_ =	strace s3  }
0x97: {  	_ =	strace $0x8FFFFFFF  }
0x98: {  	s19 =	sld [smem:$0x3FDB];
	_ =	sdelay $0x1  }
0x99: {  	s4 =	simm.s32 $_scs_section_size  }
0x9a: {  	s5 =	simm.s32 $_size__tile_overlayer_lowered;
	s6 =	simm.s32 $_tile_overlayer_lowered  }
0x9b: {  	s22 =	simm.s32 $0x1BFF;
	s21 =	sshll.u32 s6, $0x1;
	s3 =	sadd.s32 s4, s19  }
0x9c: {  	s7 =	simm.s32 $0x0;
	s20 =	sshll.u32 s5, $0x1;
	s5 =	sadd.s32 s21, s3  }
0x9d: {  	[timem:s7], [sflag:s22] =	dma.local [hbm:s5], s20  }
0x9e: {  	_ =	swait.ge [sflag:s22], s20  }
0x9f: {  	s4 =	ssub.s32 $0x0, s20;
	[sflag:s22] =	ssyncset.done $0x0  }
0xa0: {  	[sflag:s22] =	ssyncadd.s32 s4;
	_ =	sdelay $0x1  }
0xa1: {  	s23 =	simm.s32 $0x1B8B  }
0xa2: {  	_ =	swait.ge [sflag:s23], $0x1  }
0xa3: {  	[sflag:s23] =	ssyncset.done $0x0  }
0xa4: {  	s25 =	simm.s32 $0x1B8E;
	s24 =	sld [smem:$0x3FFE];
	[sflag:s23] =	ssyncadd.s32 $0xFFFFFFFF  }
0xa5: {  	s26 =	simm.s32 $execute0_lowered;
	[smem:$0x3FD2] =	sst s25  }
0xa6: {  	s5 =	sshll.u32 s26, $0x1;
	_ =	strace $0x80000046;
	[dreg:$0x1] =	wrdreg $0xFFFFFFFF  }
0xa7: {  	s28 =	simm.s32 $_size_execute0_lowered;
	s3 =	sadd.s32 s3, s5;
	[dreg:$0x0] =	wrdreg $0x0  }
0xa8: {  	s5 =	sshll.u32 s28, $0x1;
	[dreg:$0x2] =	wrdreg s3  }
0xa9: {  	[dreg:$0x3] =	wrdreg s5  }
0xaa: {  	[dreg:$0x4] =	wrdreg $0xC0  }
0xab: {  	_ =	task [dreg:s7], $0x5FFFF  }
0xac: {  	[dreg:$0x1] =	wrdreg $0xFFFFFFFF  }
0xad: {  	[dreg:$0x0] =	wrdreg $0x60  }
0xae: {  	[dreg:$0x2] =	wrdreg s24  }
0xaf: {  	[dreg:$0x3] =	wrdreg s2  }
0xb0: {  	[dreg:$0x4] =	wrdreg $0x9  }
0xb1: {  	_ =	task.clear_ibuf [dreg:s7], $0x5FFFF;
	_ =	strace $0x90000046  }
0xb2: {  	s29 =	simm.s32 $0x9;
	_ =	strace $0x80000048  }
0xb3: {  	_ =	swait.ge [sflag:s29], $0x1  }
0xb4: {  	[sflag:s29] =	ssyncadd.s32 $0xFFFFFFFF  }
0xb5: {  	_ =	strace $0x90000048  }
0xb6: {  	_ =	sfence  }
0xb7: {  	s30 =	sld [smem:$0x0];
	_ =	sdelay $0x2  }
0xb8: {  	s31 =	sshll.u32 s1, $0xD;
	s1 =	sshrl.u32 s1, $0x2  }
0xb9: {  	s3 =	sand.u32 $0x4000, s31;
	s1 =	sadd.s32 s1, s30  }
0xba: {  	s0 =	sor.u32 s3, s0;
	s1 =	sshll.u32 s1, $0x11  }
0xbb: {  	s0 =	sor.u32 s1, s0  }
0xbc: {  	s0 =	sadd.s32 $0x8F2B, s0  }
0xbd: {  	[sflag:s0] =	ssyncadd.remote.s32 $0x1  }
0xbe: {  	_ =	sfence.sel $0xFFFF  }
0xbf: {  	[dreg:$0x0] =	wrdreg $0xFFFFFFFF;
	(pc) =	sbr.abs _section_cstart, $3  }
0xc0: {  	[dreg:$0x1] =	wrdreg $0xFFFFFFFF  }
0xc1: {  	_ =	task.clear_ibuf [dreg:s7], $0x2FFFF;
	_ =	strace $0x9FFFFFFF  }
0xc2: {  	(tm) =	ssettm $0x7FFFFFFF  }
0xc3: {  	_ =	shalt  }
tec
execute0_lowered:
.L_overlay_start_1:
0x0: {  	(tag) =	ssettag $0x1  }
0x1: {  	v0 =	vimm.s32 $0x25B8;
	vm0 =	vcmask $0x300  }
0x2: {  	vm1 =	vcmask $0x704;
	v1 =	vimm.s32 $0x69B8;
	vm2 =	vcmask $0xB08  }
0x3: {  	vm3 =	vcmask $0xF0C;
	v0 =	vsel vm0, $0x0, v0;
	v1 =	vsel vm0, $0x4400, v1  }
0x4: {  	vm15 =	vcmask $0x1310;
	v0 =	vsel vm1, $0x88, v0;
	v1 =	vsel vm1, $0x4488, v1  }
0x5: {  	s1 =	rddreg [dreg:$0x0];
	s3 =	srdreg.scid;
	vm6 =	vcmask $0x1714;
	v0 =	vsel vm2, $0x110, v0;
	v1 =	vsel vm2, $0x4510, v1  }
0x6: {  	s0 =	stileid.u32;
	s2 =	rddreg [dreg:$0x1];
	vm7 =	vcmask $0x1B18;
	v0 =	vsel vm3, $0x198, v0;
	v1 =	vsel vm3, $0x4598, v1  }
0x7: {  	vm8 =	vcmask $0x1F1C;
	s13 =	simm.s32 $0x3;
	s14 =	simm.s32 $0x400;
	s16 =	simm.s32 $0x8800;
	v0 =	vsel vm15, $0x220, v0;
	v1 =	vsel vm15, $0x4620, v1  }
0x8: {  	vm9 =	vcmask $0x2320;
	s17 =	simm.s32 $0x1;
	s18 =	simm.s32 $0x10800;
	s19 =	simm.s32 $0x2;
	v0 =	vsel vm6, $0x2A8, v0;
	v1 =	vsel vm6, $0x46A8, v1  }
0x9: {  	vm10 =	vcmask $0x2724;
	s4 =	sand.u32 $0x1, s3;
	s5 =	sshll.u32 s0, $0x1;
	s3 =	simm.s32 $0x0;
	v0 =	vsel vm7, $0x330, v0;
	v1 =	vsel vm7, $0x4730, v1  }
0xa: {  	vm11 =	vcmask $0x2B28;
	s10 =	sadd.s32 $0xC000, s2;
	s12 =	sadd.s32 $0x700, s1;
	s6 =	sor.u32 s4, s5;
	v0 =	vsel vm8, $0x3B8, v0;
	v1 =	vsel vm8, $0x47B8, v1  }
0xb: {  	vm12 =	vcmask $0x2F2C;
	[smem:$0x7FF] =	sst s3;
	s8 =	ssub.s32 $0x2, s4;
	s5 =	smul.u32 $0xC800, s6;
	v0 =	vsel vm9, $0x2200, v0;
	v1 =	vsel vm9, $0x6600, v1  }
0xc: {  	s4 =	sadd.s32 $0x600, s1;
	_ =	strace $0x80000047;
	s7 =	sshll.u32 s6, $0xB;
	v0 =	vsel vm10, $0x2288, v0;
	v1 =	vsel vm10, $0x6688, v1  }
0xd: {  	vm13 =	vcmask $0x3330;
	s9 =	sshrl.u32 s8, $0x1;
	s7 =	sand.u32 $0x3800, s7;
	s5 =	sand.u32 $0x1FC000, s5;
	v0 =	vsel vm11, $0x2310, v0;
	v1 =	vsel vm11, $0x6710, v1  }
0xe: {  	vm14 =	vcmask $0x3734;
	s6 =	smul.u32 $0x32, s6;
	s11 =	ssub.s32 s8, s9;
	s7 =	sor.u32 s7, s5;
	v0 =	vsel vm12, $0x2398, v0;
	v1 =	vsel vm12, $0x6798, v1  }
0xf: {  	v2 =	vimm.s32 $0x0;
	s8 =	sadd.s32 $0x4000, s2;
	s31 =	smax.u32 s11, $0x1;
	s7 =	sshrl.u32 s7, $0x3;
	v0 =	vsel vm13, $0x2420, v0;
	v1 =	vsel vm13, $0x6820, v1  }
0x10: {  	s9 =	sadd.s32 $0x8000, s2;
	vm15 =	vcmask $0x3B38;
	[dreg:$0x4] =	wrdreg s31;
	s30 =	sadd.s32 s4, s7;
	v0 =	vsel vm14, $0x24A8, v0;
	v3 =	vsel vm14, $0x68A8, v1  }
0x11: {  	s5 =	sadd.s32 $0xF42A00, s1;
	s1 =	simm.s32 $0x0;
	[dreg:$0x3] =	wrdreg s30;
	v1 =	vsel vm0, $0x3, v2;
	v0 =	vsel vm15, $0x2530, v0;
	v2 =	vsel vm15, $0x6930, v3  }
.LBB2_1:
0x12: {  	[dreg:$0x5] =	wrdreg s1  }
0x13: {  	s0 =	rddreg [dreg:$0x3]  }
0x14: {  	[tilespmem:s3], [sflag:$0x3] =	stream.linear.gather [hbm4b:s0+s3], $0x400, $0x38;
	[tilespmem:$0x19000] =	vst v63  }
0x15: {  	_ =	swait.ge [sflag:s13], $0x400  }
0x16: {  	[sflag:s13] =	ssyncset.done $0x0  }
0x17: {  	s31 =	simm.s32 $0x800;
	s21 =	simm.s32 $0x0;
	[sflag:s13] =	ssyncadd.s32 $0xFFFFFC00  }
0x18: {  	[tilespmem:s31], [sflag:$0x1] =	stream.indirect.gather [hbm4b:s5+s14], $0x20, s3, s14, $0xb8;
	[tilespmem:$0x19000] =	vst v63  }
.LBB2_2:
0x19: {  	s1 =	simm.s32 $0x0;
	s22 =	simm.s32 $0x0  }
0x1a: {  	s23 =	simm.s32 $0x8;
	s24 =	simm.s32 $0x10;
	s25 =	simm.s32 $0x17  }
0x1b: {  	s1 =	sand.u32 $0x60, s1;
	v3 =	vmov s22;
	s11 =	sand.u32 $0x68, s23;
	s20 =	sand.u32 $0x70, s25  }
0x1c: {  	s15 =	sand.u32 $0x70, s24;
	s24 =	simm.s32 $0xE;
	s25 =	simm.s32 $0x18;
	v4 =	vmov s1;
	v3 =	vmul.u32 $0x440, v3;
	v24 =	vmov s20  }
0x1d: {  	v5 =	vmov s11;
	v6 =	vmov s15;
	s1 =	sand.u32 $0x68, s24;
	s22 =	sand.u32 $0x78, s25;
	v4 =	vshrl.u32 v4, $0x3  }
0x1e: {  	v8 =	vmov s1;
	v6 =	vshrl.u32 v6, $0x3;
	v10 =	vmov s22  }
0x1f: {  	s31 =	simm.s32 $0x11;
	s11 =	simm.s32 $0xA;
	v7 =	vbroadcast v3, $0x0;
	v3 =	vshll.u32 v4, v1;
	v4 =	vshrl.u32 v5, $0x3  }
0x20: {  	s22 =	sand.u32 $0x70, s31;
	s15 =	sand.u32 $0x68, s11;
	v8 =	vshrl.u32 v8, $0x3;
	v26 =	vshrl.u32 v10, $0x3;
	v21 =	vshll.u32 v6, v1  }
0x21: {  	v6 =	vmov s22;
	v11 =	vmov s15;
	v5 =	vbroadcast v3, $0x0  }
0x22: {  	s26 =	simm.s32 $0x16;
	v4 =	vshll.u32 v4, v1;
	v23 =	vshll.u32 v8, v1;
	v6 =	vshrl.u32 v6, $0x3  }
0x23: {  	s30 =	simm.s32 $0x9;
	s1 =	sand.u32 $0x70, s26;
	v3 =	vadd.s32 v0, v7;
	v9 =	vbroadcast v4, $0x0;
	v4 =	vadd.s32 v2, v7  }
0x24: {  	s0 =	simm.s32 $0x19;
	v7 =	vmov s1;
	s1 =	sand.u32 $0x68, s30;
	v6 =	vshll.u32 v6, v1;
	v31 =	vadd.s32 v5, v3  }
0x25: {  	s23 =	sand.u32 $0x78, s0;
	v20 =	vadd.s32 v5, v4;
	v28 =	vshrl.u32 v7, $0x3;
	v5 =	vmov s1  }
0x26: {  	s7 =	simm.s32 $0x1;
	v7 =	vmov s23;
	v6 =	vbroadcast v6, $0x0;
	v22 =	vadd.s32 v3, v9  }
0x27: {  	s1 =	sand.u32 $0x60, s7;
	v27 =	vadd.s32 v4, v9;
	v5 =	vshrl.u32 v5, $0x3;
	v7 =	vshrl.u32 v7, $0x3  }
0x28: {  	v8 =	vmov s1;
	v5 =	vshll.u32 v5, v1;
	v7 =	vshll.u32 v7, v1  }
0x29: {  	v10 =	vshrl.u32 v8, $0x3;
	v9 =	vadd.s32 v3, v6;
	v5 =	vbroadcast v5, $0x0  }
0x2a: {  	v6 =	vadd.s32 v4, v6;
	v7 =	vbroadcast v7, $0x0;
	v33 =	vor.u32 $0x1, v9  }
0x2b: {  	v9 =	vor.u32 $0x1, v6;
	v8 =	vadd.s32 v3, v5;
	v5 =	vadd.s32 v4, v5  }
0x2c: {  	s20 =	simm.s32 $0x12;
	v6 =	vadd.s32 v3, v7;
	v7 =	vadd.s32 v4, v7;
	v29 =	vor.u32 $0x1, v8  }
0x2d: {  	s1 =	sand.u32 $0x70, s20;
	v25 =	vor.u32 $0x1, v5;
	v8 =	vor.u32 $0x1, v6;
	v5 =	vor.u32 $0x1, v7  }
0x2e: {  	v6 =	vshll.u32 v10, v1;
	v7 =	vshrl.u32 v11, $0x3;
	v10 =	vmov s1  }
0x2f: {  	v6 =	vbroadcast v6, $0x0;
	v7 =	vshll.u32 v7, v1;
	v10 =	vshrl.u32 v10, $0x3  }
0x30: {  	s22 =	simm.s32 $0x1A;
	v7 =	vbroadcast v7, $0x0;
	v10 =	vshll.u32 v10, v1  }
0x31: {  	s1 =	sand.u32 $0x78, s22;
	v12 =	vadd.s32 v3, v6;
	v6 =	vadd.s32 v4, v6;
	v10 =	vbroadcast v10, $0x0  }
0x32: {  	v11 =	vmov s1;
	v30 =	vor.u32 $0x1, v6;
	v6 =	vadd.s32 v3, v7  }
0x33: {  	s23 =	simm.s32 $0x2;
	v34 =	vor.u32 $0x2, v6;
	v6 =	vadd.s32 v4, v7;
	v7 =	vadd.s32 v4, v10  }
0x34: {  	[tilespmem:$0x1FFB0] =	vst v5;
	s1 =	sand.u32 $0x60, s23;
	v5 =	vor.u32 $0x2, v7;
	v7 =	vshrl.u32 v11, $0x3  }
0x35: {  	s24 =	simm.s32 $0xB;
	v11 =	vmov s1;
	v7 =	vshll.u32 v7, v1  }
0x36: {  	v10 =	vadd.s32 v3, v10;
	s1 =	sand.u32 $0x68, s24;
	v11 =	vshrl.u32 v11, $0x3;
	v7 =	vbroadcast v7, $0x0  }
0x37: {  	s26 =	simm.s32 $0x1B;
	v18 =	vor.u32 $0x2, v10;
	v10 =	vshll.u32 v11, v1;
	v11 =	vmov s1  }
0x38: {  	s1 =	sand.u32 $0x78, s26;
	v14 =	vbroadcast v10, $0x0;
	v10 =	vadd.s32 v3, v7;
	v7 =	vadd.s32 v4, v7  }
0x39: {  	s25 =	simm.s32 $0x13;
	s30 =	sshll.u32 s21, $0x1;
	[tilespmem:$0x1FFC0] =	vst v5;
	v5 =	vor.u32 $0x2, v7;
	v7 =	vmov s1  }
0x3a: {  	v24 =	vshrl.u32 v24, $0x3;
	s22 =	sand.u32 $0x70, s25;
	s24 =	sadd.s32 s6, s30;
	v7 =	vshrl.u32 v7, $0x3  }
0x3b: {  	v24 =	vshll.u32 v24, v1;
	v13 =	vmov s22;
	s7 =	sand.u32 $0xE, s24;
	s22 =	sshrl.u32 s24, $0x4;
	v7 =	vshll.u32 v7, v1  }
0x3c: {  	v48 =	vbroadcast v21, $0x0;
	v26 =	vshll.u32 v26, v1;
	s23 =	sor.u32 $0x1, s7;
	s11 =	sshll.u32 s22, $0xB;
	v7 =	vbroadcast v7, $0x0  }
0x3d: {  	v24 =	vbroadcast v24, $0x0;
	v23 =	vbroadcast v23, $0x0;
	s15 =	sshll.u32 s23, $0x7;
	v15 =	vadd.s32 v3, v14;
	s1 =	sadd.s32 s4, s11  }
0x3e: {  	s31 =	simm.s32 $0x3;
	v26 =	vbroadcast v26, $0x0;
	[tilespmem:$0x1FFD0] =	vst v5;
	v32 =	vor.u32 $0x2, v15;
	s1 =	sadd.s32 s15, s1;
	v15 =	vadd.s32 v3, v7  }
0x3f: {  	v28 =	vshll.u32 v28, v1;
	[tilespmem:s14], [sflag:$0x3] =	stream.linear.gather [hbm4b:s1+s3], $0x400, $0x38;
	v16 =	vadd.s32 v4, v7;
	v5 =	vor.u32 $0x3, v15;
	[tilespmem:$0x19000] =	vst v63  }
0x40: {  	s0 =	sand.u32 $0x60, s31;
	v28 =	vbroadcast v28, $0x0;
	v14 =	vadd.s32 v4, v14;
	[tilespmem:$0x1FFE0] =	vst v5;
	v5 =	vor.u32 $0x3, v16  }
0x41: {  	s28 =	simm.s32 $0x4;
	v13 =	vshrl.u32 v13, $0x3;
	v37 =	vor.u32 $0x2, v14;
	v14 =	vmov s0;
	[tilespmem:$0x1FFF0] =	vst v5  }
0x42: {  	s31 =	simm.s32 $0x14;
	s20 =	sand.u32 $0x60, s28;
	v17 =	vshll.u32 v13, v1;
	v11 =	vshrl.u32 v11, $0x3;
	v14 =	vshrl.u32 v14, $0x3;
	_ =	swait.ge [sflag:s13], $0x400  }
0x43: {  	v35 =	vor.u32 $0x1, v12;
	s26 =	simm.s32 $0x5;
	v11 =	vshll.u32 v11, v1;
	s11 =	simm.s32 $0x1D;
	v14 =	vshll.u32 v14, v1;
	[sflag:s13] =	ssyncset.done $0x0  }
0x44: {  	v36 =	vor.u32 $0x2, v6;
	s26 =	sand.u32 $0x60, s26;
	v11 =	vbroadcast v11, $0x0;
	s15 =	sand.u32 $0x78, s11;
	v14 =	vbroadcast v14, $0x0;
	[sflag:s13] =	ssyncadd.s32 $0xFFFFFC00  }
0x45: {  	v57 =	vmov s15;
	v15 =	vmov s26;
	v16 =	vbroadcast v17, $0x0;
	[tilespmem:s16], [sflag:$0x2] =	stream.indirect.gather [hbm4b:s5+s14], $0x20, s14, s14, $0xb8;
	[tilespmem:$0x19000] =	vst v63  }
0x46: {  	s25 =	sand.u32 $0x70, s31;
	v41 =	vadd.s32 v3, v14;
	v54 =	vadd.s32 v4, v14;
	v17 =	vmov s20;
	_ =	swait.ge [sflag:s17], $0x8000  }
0x47: {  	s30 =	simm.s32 $0xC;
	s0 =	simm.s32 $0x1C;
	v39 =	vshrl.u32 v15, $0x3;
	v15 =	vadd.s32 v3, v11;
	v19 =	vadd.s32 v3, v16;
	[sflag:s17] =	ssyncset.done $0x0  }
0x48: {  	s26 =	sand.u32 $0x78, s0;
	v38 =	vadd.s32 v4, v16;
	v16 =	vor.u32 $0x3, v19;
	v19 =	vmov s25;
	s25 =	simm.s32 $0xA00;
	[sflag:s17] =	ssyncadd.s32 $0xFFFF8000  }
0x49: {  	s28 =	simm.s32 $0x6;
	s1 =	sand.u32 $0x68, s30;
	v49 =	vmov s26;
	v56 =	vor.u32 $0x3, v54;
	v54 =	vadd.s32 v4, v48;
	v46 =	vld [tilespmem:s25+$0xFFFFFE00]  }
0x4a: {  	s20 =	sand.u32 $0x60, s28;
	v51 =	vor.u32 $0x3, v15;
	v15 =	vshrl.u32 v17, $0x3;
	v17 =	vmov s1  }
0x4b: {  	v39 =	vshll.u32 v39, v1;
	v58 =	vmov s20;
	v17 =	vshrl.u32 v17, $0x3  }
0x4c: {  	v15 =	vshll.u32 v15, v1;
	v13 =	vor.u32 $0x3, v38;
	v17 =	vshll.u32 v17, v1  }
0x4d: {  	v38 =	vshrl.u32 v49, $0x3;
	v50 =	vbroadcast v15, $0x0;
	v19 =	vshrl.u32 v19, $0x3;
	v53 =	vld [tilespmem:s25+$0xFFFFFF00]  }
0x4e: {  	v49 =	vadd.s32 v4, v23;
	v40 =	vbroadcast v17, $0x0;
	v19 =	vshll.u32 v19, v1;
	[tilespmem:v31+s18+$0x0] =	vst.idx.msk $0xffff, v46  }
0x4f: {  	v47 =	vadd.s32 v3, v50;
	v17 =	vbroadcast v19, $0x0;
	v19 =	vshll.u32 v38, v1;
	v55 =	vld [tilespmem:s25+$0xFFFFFE10]  }
0x50: {  	v15 =	vadd.s32 v3, v40;
	v38 =	vadd.s32 v4, v50;
	v40 =	vadd.s32 v4, v40  }
0x51: {  	v42 =	vbroadcast v19, $0x0;
	v19 =	vadd.s32 v3, v17;
	v44 =	vadd.s32 v4, v17  }
0x52: {  	v45 =	vor.u32 $0x4, v15;
	v17 =	vor.u32 $0x4, v19;
	v19 =	vor.u32 $0x4, v44;
	[tilespmem:v22+s18+$0x0] =	vst.idx.msk $0xffff, v53  }
0x53: {  	s7 =	simm.s32 $0x15;
	v52 =	vadd.s32 v3, v42;
	v44 =	vor.u32 $0x4, v38;
	v38 =	vor.u32 $0x4, v40;
	v60 =	vld [tilespmem:s25+$0xFFFFFF10]  }
0x54: {  	s1 =	sand.u32 $0x70, s7;
	v42 =	vadd.s32 v4, v42;
	v40 =	vor.u32 $0x3, v41;
	v15 =	vor.u32 $0x4, v52;
	[tilespmem:v20+s18+$0x0] =	vst.idx.msk $0xffff, v55  }
0x55: {  	v52 =	vor.u32 $0x4, v47;
	v14 =	vor.u32 $0x4, v42;
	v31 =	vmov s1;
	v62 =	vld [tilespmem:s25+$0xFFFFFE20]  }
0x56: {  	v42 =	vshrl.u32 v57, $0x3;
	v47 =	vadd.s32 v3, v48;
	v31 =	vshrl.u32 v31, $0x3  }
0x57: {  	v42 =	vshll.u32 v42, v1;
	v22 =	vshrl.u32 v58, $0x3;
	v31 =	vshll.u32 v31, v1  }
0x58: {  	s30 =	simm.s32 $0xD;
	s26 =	simm.s32 $0x7;
	v46 =	vadd.s32 v3, v23;
	v22 =	vshll.u32 v22, v1;
	v31 =	vbroadcast v31, $0x0;
	[tilespmem:v27+s18+$0x0] =	vst.idx.msk $0xffff, v60;
	v55 =	vld [tilespmem:s25+$0x0]  }
0x59: {  	v23 =	vbroadcast v42, $0x0;
	s1 =	sand.u32 $0x60, s26;
	s26 =	sand.u32 $0x68, s30;
	v58 =	vadd.s32 v3, v26;
	v61 =	vbroadcast v22, $0x0;
	v41 =	vld [tilespmem:s25+$0xFFFFFF20]  }
0x5a: {  	v63 =	vmov s26;
	v59 =	vadd.s32 v3, v31;
	v31 =	vadd.s32 v4, v31;
	[tilespmem:v35+s18+$0x0] =	vst.idx.msk $0xffff, v62  }
0x5b: {  	s31 =	simm.s32 $0xF;
	v50 =	vadd.s32 v3, v61;
	v21 =	vor.u32 $0x5, v31;
	v31 =	vmov s1;
	v35 =	vld [tilespmem:s25+$0xFFFFFE30]  }
0x5c: {  	v57 =	vadd.s32 v4, v61;
	v22 =	vor.u32 $0x5, v59;
	s1 =	sand.u32 $0x68, s31;
	v27 =	vshrl.u32 v31, $0x3  }
0x5d: {  	v31 =	vshrl.u32 v63, $0x3;
	v53 =	vmov s1;
	v27 =	vshll.u32 v27, v1;
	[tilespmem:v47+s18+$0x0] =	vst.idx.msk $0xffff, v55  }
0x5e: {  	s0 =	simm.s32 $0x1E;
	v31 =	vshll.u32 v31, v1;
	v42 =	vshrl.u32 v53, $0x3;
	v27 =	vbroadcast v27, $0x0;
	[tilespmem:v29+s18+$0x0] =	vst.idx.msk $0xffff, v41;
	v61 =	vld [tilespmem:s25+$0x10]  }
0x5f: {  	s7 =	sand.u32 $0x78, s0;
	v59 =	vadd.s32 v4, v26;
	v31 =	vbroadcast v31, $0x0;
	v42 =	vshll.u32 v42, v1;
	v29 =	vld [tilespmem:s25+$0xFFFFFF30]  }
0x60: {  	v53 =	vmov s7;
	v60 =	vadd.s32 v3, v27;
	v27 =	vadd.s32 v4, v27;
	[tilespmem:v30+s18+$0x0] =	vst.idx.msk $0xffff, v35  }
0x61: {  	v26 =	vadd.s32 v3, v31;
	v48 =	vadd.s32 v4, v31;
	v31 =	vor.u32 $0x7, v27;
	v41 =	vld [tilespmem:s25+$0xFFFFFE40]  }
0x62: {  	v27 =	vshrl.u32 v53, $0x3;
	v30 =	vbroadcast v42, $0x0;
	v35 =	vbroadcast v39, $0x0  }
0x63: {  	v47 =	vor.u32 $0x6, v50;
	v53 =	vor.u32 $0x5, v26;
	v27 =	vshll.u32 v27, v1;
	[tilespmem:v54+s18+$0x0] =	vst.idx.msk $0xffff, v61  }
0x64: {  	s11 =	simm.s32 $0x1F;
	v27 =	vbroadcast v27, $0x0;
	[tilespmem:v25+s18+$0x0] =	vst.idx.msk $0xffff, v29;
	v50 =	vld [tilespmem:s25+$0x20];
	v26 =	vadd.s32 v3, v30;
	v55 =	vadd.s32 v3, v35  }
0x65: {  	s1 =	sand.u32 $0x78, s11;
	v62 =	vadd.s32 v4, v35;
	v35 =	vor.u32 $0x7, v26;
	v26 =	vadd.s32 v4, v30;
	v30 =	vld [tilespmem:s25+$0xFFFFFF40]  }
0x66: {  	v20 =	vadd.s32 v3, v23;
	v63 =	vld [tilespmem:s25+$0x100];
	v42 =	vmov s1;
	v39 =	vadd.s32 v3, v27;
	[tilespmem:v32+s18+$0x0] =	vst.idx.msk $0xffff, v41  }
0x67: {  	v27 =	vadd.s32 v4, v27;
	v29 =	vor.u32 $0x7, v26;
	v26 =	vshrl.u32 v42, $0x3;
	v5 =	vld [tilespmem:s25+$0xFFFFFE50]  }
0x68: {  	v25 =	vadd.s32 v4, v24;
	v24 =	vadd.s32 v3, v24;
	v26 =	vshll.u32 v26, v1  }
0x69: {  	[tilespmem:v33+s18+$0x0] =	vst.idx.msk $0xffff, v50;
	v41 =	vadd.s32 v3, v28;
	v32 =	vadd.s32 v4, v28;
	v42 =	vbroadcast v26, $0x0  }
0x6a: {  	v26 =	vor.u32 $0x7, v24;
	v28 =	vor.u32 $0x6, v27;
	v24 =	vor.u32 $0x7, v60;
	v60 =	vld [tilespmem:s25+$0x30];
	[tilespmem:v34+s18+$0x0] =	vst.idx.msk $0xffff, v30  }
0x6b: {  	[tilespmem:v58+s18+$0x0] =	vst.idx.msk $0xffff, v63;
	v27 =	vadd.s32 v4, v42;
	v3 =	vadd.s32 v3, v42;
	v42 =	vor.u32 $0x6, v57;
	v57 =	vld [tilespmem:s25+$0xFFFFFF50]  }
0x6c: {  	v11 =	vadd.s32 v4, v11;
	v23 =	vadd.s32 v4, v23;
	v4 =	vld [tilespmem:s25+$0x110];
	[tilespmem:v37+s18+$0x0] =	vst.idx.msk $0xffff, v5  }
0x6d: {  	s15 =	simm.s32 $0x0;
	v61 =	vor.u32 $0x6, v39;
	v39 =	vor.u32 $0x6, v49;
	v49 =	vor.u32 $0x6, v46;
	v46 =	vld [tilespmem:s25+$0xFFFFFE60]  }
0x6e: {  	s28 =	simm.s32 $0x28;
	v30 =	vmov s15  }
0x6f: {  	s28 =	sand.u32 $0x68, s28;
	v30 =	vmul.u32 $0x440, v30;
	[tilespmem:v9+s18+$0x0] =	vst.idx.msk $0xffff, v60  }
0x70: {  	s20 =	simm.s32 $0x30;
	v58 =	vmov s28;
	v9 =	vld [tilespmem:s25+$0x40];
	[tilespmem:v36+s18+$0x0] =	vst.idx.msk $0xffff, v57  }
0x71: {  	v63 =	vshrl.u32 v58, $0x3;
	s1 =	sand.u32 $0x70, s20;
	v30 =	vbroadcast v30, $0x0;
	[tilespmem:v59+s18+$0x0] =	vst.idx.msk $0xffff, v4;
	v59 =	vld [tilespmem:s25+$0xFFFFFF60]  }
0x72: {  	v43 =	vor.u32 $0x3, v11;
	s26 =	simm.s32 $0x20;
	s28 =	simm.s32 $0x2E;
	v63 =	vshll.u32 v63, v1;
	v33 =	vmov s1;
	v36 =	vld [tilespmem:s25+$0x120];
	[tilespmem:v40+s18+$0x0] =	vst.idx.msk $0xffff, v46  }
0x73: {  	s29 =	sand.u32 $0x60, s26;
	s31 =	sand.u32 $0x68, s28;
	s28 =	simm.s32 $0x38;
	v58 =	vshrl.u32 v33, $0x3;
	v4 =	vadd.s32 v0, v30;
	v33 =	vadd.s32 v2, v30;
	v30 =	vld [tilespmem:s25+$0xFFFFFE70]  }
0x74: {  	s0 =	simm.s32 $0x36;
	s28 =	sand.u32 $0x78, s28;
	v54 =	vor.u32 $0x5, v62;
	v62 =	vmov s31;
	v5 =	vmov s29  }
0x75: {  	v50 =	vshrl.u32 v62, $0x3;
	s1 =	sand.u32 $0x70, s0;
	v5 =	vshrl.u32 v5, $0x3;
	[tilespmem:v18+s18+$0x0] =	vst.idx.msk $0xffff, v9;
	v46 =	vmov s28;
	s28 =	simm.s32 $0x31  }
0x76: {  	s7 =	simm.s32 $0x29;
	v62 =	vmov s1;
	v37 =	vor.u32 $0x6, v41;
	v5 =	vshll.u32 v5, v1;
	s28 =	sand.u32 $0x70, s28;
	[tilespmem:v51+s18+$0x0] =	vst.idx.msk $0xffff, v59  }
0x77: {  	s1 =	sand.u32 $0x68, s7;
	v5 =	vbroadcast v5, $0x0;
	v40 =	vbroadcast v63, $0x0;
	[tilespmem:v8+s18+$0x0] =	vst.idx.msk $0xffff, v36;
	v8 =	vmov s28;
	s28 =	simm.s32 $0xE00;
	v59 =	vld [tilespmem:s25+$0xFFFFFF70]  }
0x78: {  	v41 =	vshrl.u32 v46, $0x3;
	v46 =	vshll.u32 v58, v1;
	v58 =	vmov s1;
	v18 =	vld [tilespmem:s28+$0xFFFFFF00];
	[tilespmem:v56+s18+$0x0] =	vst.idx.msk $0xffff, v30  }
0x79: {  	v12 =	vor.u32 $0x2, v10;
	v10 =	vadd.s32 v4, v40;
	v58 =	vshrl.u32 v58, $0x3;
	v7 =	vld [tilespmem:$0x1FFB0]  }
0x7a: {  	v57 =	vadd.s32 v5, v4;
	v58 =	vshll.u32 v58, v1;
	v6 =	vld [tilespmem:s28+$0xFFFFFE00]  }
0x7b: {  	v56 =	vbroadcast v58, $0x0;
	v58 =	vld [tilespmem:s25+$0xFFFFFE80]  }
0x7c: {  	v51 =	vld [tilespmem:s25+$0x130]  }
0x7d: {  	[tilespmem:v43+s18+$0x0] =	vst.idx.msk $0xffff, v59  }
0x7e: {  	s30 =	simm.s32 $0x37;
	[tilespmem:v10+s18+$0x0] =	vst.idx.msk $0xffff, v18  }
0x7f: {  	s29 =	sand.u32 $0x70, s30;
	[tilespmem:v57+s18+$0x0] =	vst.idx.msk $0xffff, v6  }
0x80: {  	v34 =	vmov s29;
	s29 =	simm.s32 $0x39;
	[tilespmem:v52+s18+$0x0] =	vst.idx.msk $0xffff, v58  }
0x81: {  	s29 =	sand.u32 $0x78, s29;
	v60 =	vadd.s32 v33, v40;
	[tilespmem:v7+s18+$0x0] =	vst.idx.msk $0xffff, v51  }
0x82: {  	s11 =	simm.s32 $0x21;
	v40 =	vshrl.u32 v62, $0x3;
	v62 =	vmov s29;
	v8 =	vshrl.u32 v8, $0x3;
	v57 =	vld [tilespmem:$0x1FFC0]  }
0x83: {  	v63 =	vadd.s32 v5, v33;
	s1 =	sand.u32 $0x60, s11;
	s29 =	simm.s32 $0x2A;
	v36 =	vshrl.u32 v62, $0x3;
	v8 =	vshll.u32 v8, v1  }
0x84: {  	s20 =	simm.s32 $0x32;
	s15 =	sand.u32 $0x68, s29;
	v36 =	vshll.u32 v36, v1;
	v8 =	vbroadcast v8, $0x0;
	v30 =	vmov s1  }
0x85: {  	v62 =	vmov s15;
	v36 =	vbroadcast v36, $0x0;
	s1 =	sand.u32 $0x70, s20;
	v30 =	vshrl.u32 v30, $0x3;
	v7 =	vld [tilespmem:s25+$0x50]  }
0x86: {  	v5 =	vadd.s32 v4, v8;
	v9 =	vadd.s32 v4, v56;
	v18 =	vmov s1;
	v43 =	vld [tilespmem:s25+$0x140]  }
0x87: {  	v8 =	vadd.s32 v33, v8;
	v11 =	vor.u32 $0x1, v9;
	v6 =	vshrl.u32 v18, $0x3;
	v18 =	vld [tilespmem:s28+$0xFFFFFF10]  }
0x88: {  	v9 =	vor.u32 $0x1, v8;
	v52 =	vld [tilespmem:s25+$0xFFFFFF80];
	v51 =	vor.u32 $0x1, v5;
	v5 =	vadd.s32 v4, v36  }
0x89: {  	v10 =	vld [tilespmem:s25+$0xFFFFFE90];
	v36 =	vadd.s32 v33, v36;
	v8 =	vor.u32 $0x1, v5;
	v5 =	vshll.u32 v30, v1  }
0x8a: {  	v30 =	vshrl.u32 v62, $0x3;
	v62 =	vbroadcast v5, $0x0;
	v5 =	vor.u32 $0x1, v36;
	v36 =	vld [tilespmem:s28+$0xFFFFFE10];
	[tilespmem:v57+s18+$0x0] =	vst.idx.msk $0xffff, v7  }
0x8b: {  	s30 =	simm.s32 $0x3A;
	v30 =	vshll.u32 v30, v1;
	[tilespmem:v12+s18+$0x0] =	vst.idx.msk $0xffff, v43;
	v12 =	vld [tilespmem:s25+$0x60]  }
0x8c: {  	s1 =	sand.u32 $0x78, s30;
	[tilespmem:v60+s18+$0x0] =	vst.idx.msk $0xffff, v18;
	v30 =	vbroadcast v30, $0x0  }
0x8d: {  	s31 =	simm.s32 $0x22;
	[tilespmem:v45+s18+$0x0] =	vst.idx.msk $0xffff, v52;
	v43 =	vadd.s32 v33, v62;
	v7 =	vmov s1;
	v57 =	vadd.s32 v4, v62  }
0x8e: {  	[tilespmem:v44+s18+$0x0] =	vst.idx.msk $0xffff, v10;
	v62 =	vadd.s32 v4, v30;
	v30 =	vadd.s32 v33, v30;
	s1 =	sand.u32 $0x60, s31;
	v52 =	vor.u32 $0x1, v57  }
0x8f: {  	[tilespmem:v63+s18+$0x0] =	vst.idx.msk $0xffff, v36;
	v57 =	vor.u32 $0x1, v43;
	v43 =	vor.u32 $0x2, v30;
	v30 =	vmov s1  }
0x90: {  	v30 =	vshrl.u32 v30, $0x3;
	[tilespmem:v16+s18+$0x0] =	vst.idx.msk $0xffff, v12  }
0x91: {  	v12 =	vshll.u32 v30, v1;
	v30 =	vld [tilespmem:$0x1FFD0];
	_ =	sdelay $0x2  }
0x92: {  	v45 =	vld [tilespmem:s25+$0x150]  }
0x93: {  	v10 =	vld [tilespmem:s25+$0xFFFFFF90]  }
0x94: {  	v55 =	vor.u32 $0x5, v55;
	v18 =	vld [tilespmem:s25+$0xFFFFFEA0]  }
0x95: {  	v59 =	vld [tilespmem:s28+$0xFFFFFF20]  }
0x96: {  	v60 =	vld [tilespmem:s28+$0xFFFFFE20]  }
0x97: {  	[tilespmem:v30+s18+$0x0] =	vst.idx.msk $0xffff, v45;
	v30 =	vld [tilespmem:s25+$0x70]  }
0x98: {  	[tilespmem:v38+s18+$0x0] =	vst.idx.msk $0xffff, v10  }
0x99: {  	[tilespmem:v55+s18+$0x0] =	vst.idx.msk $0xffff, v18  }
0x9a: {  	v6 =	vshll.u32 v6, v1;
	[tilespmem:v11+s18+$0x0] =	vst.idx.msk $0xffff, v59  }
0x9b: {  	v56 =	vadd.s32 v33, v56;
	v6 =	vbroadcast v6, $0x0;
	[tilespmem:v52+s18+$0x0] =	vst.idx.msk $0xffff, v60;
	v11 =	vld [tilespmem:s25+$0xFFFFFFA0]  }
0x9c: {  	v48 =	vor.u32 $0x5, v48;
	s0 =	simm.s32 $0x2B;
	v56 =	vor.u32 $0x1, v56;
	v7 =	vshrl.u32 v7, $0x3;
	v52 =	vld [tilespmem:s28+$0xFFFFFF30];
	[tilespmem:v13+s18+$0x0] =	vst.idx.msk $0xffff, v30  }
0x9d: {  	v44 =	vadd.s32 v33, v6;
	v36 =	vadd.s32 v4, v6;
	s1 =	sand.u32 $0x68, s0;
	v7 =	vshll.u32 v7, v1;
	v60 =	vld [tilespmem:$0x1FFE0]  }
0x9e: {  	v7 =	vbroadcast v7, $0x0;
	v16 =	vor.u32 $0x2, v36;
	v36 =	vmov s1;
	v13 =	vld [tilespmem:s25+$0xFFFFFEB0]  }
0x9f: {  	s7 =	simm.s32 $0x3B;
	v6 =	vor.u32 $0x2, v44;
	v44 =	vbroadcast v12, $0x0;
	v30 =	vshrl.u32 v36, $0x3;
	v36 =	vld [tilespmem:s25+$0x80]  }
0xa0: {  	s11 =	simm.s32 $0x23;
	v58 =	vor.u32 $0x2, v62;
	s1 =	sand.u32 $0x78, s7;
	v12 =	vadd.s32 v4, v7;
	v7 =	vadd.s32 v33, v7;
	v62 =	vld [tilespmem:s25+$0x160]  }
0xa1: {  	v10 =	vor.u32 $0x2, v7;
	v7 =	vmov s1;
	s1 =	sand.u32 $0x60, s11;
	v18 =	vadd.s32 v4, v44;
	[tilespmem:v53+s18+$0x0] =	vst.idx.msk $0xffff, v11;
	v53 =	vld [tilespmem:s28+$0xFFFFFE30]  }
0xa2: {  	v55 =	vor.u32 $0x2, v18;
	v18 =	vmov s1;
	v30 =	vshll.u32 v30, v1;
	[tilespmem:v56+s18+$0x0] =	vst.idx.msk $0xffff, v52;
	v59 =	vld [tilespmem:s25+$0xFFFFFFB0]  }
0xa3: {  	s15 =	simm.s32 $0x25;
	v18 =	vshrl.u32 v18, $0x3;
	v30 =	vbroadcast v30, $0x0;
	[tilespmem:v54+s18+$0x0] =	vst.idx.msk $0xffff, v13;
	v54 =	vld [tilespmem:s28+$0xFFFFFF40]  }
0xa4: {  	s1 =	sand.u32 $0x60, s15;
	v18 =	vshll.u32 v18, v1;
	[tilespmem:v17+s18+$0x0] =	vst.idx.msk $0xffff, v36  }
0xa5: {  	v56 =	vbroadcast v18, $0x0;
	v18 =	vadd.s32 v4, v30;
	[tilespmem:v60+s18+$0x0] =	vst.idx.msk $0xffff, v62;
	v60 =	vmov s1  }
0xa6: {  	v20 =	vor.u32 $0x5, v20;
	v52 =	vshrl.u32 v60, $0x3;
	v60 =	vor.u32 $0x3, v18;
	v18 =	vld [tilespmem:$0x1FFF0];
	[tilespmem:v57+s18+$0x0] =	vst.idx.msk $0xffff, v53  }
0xa7: {  	v23 =	vor.u32 $0x5, v23;
	v50 =	vshll.u32 v50, v1;
	v34 =	vshrl.u32 v34, $0x3;
	[tilespmem:v48+s18+$0x0] =	vst.idx.msk $0xffff, v59;
	v48 =	vld [tilespmem:s28+$0xFFFFFE40]  }
0xa8: {  	v32 =	vor.u32 $0x6, v32;
	v50 =	vbroadcast v50, $0x0;
	v34 =	vshll.u32 v34, v1;
	s29 =	simm.s32 $0x33;
	[tilespmem:v58+s18+$0x0] =	vst.idx.msk $0xffff, v54;
	v54 =	vld [tilespmem:s25+$0xFFFFFFC0]  }
0xa9: {  	v3 =	vor.u32 $0x7, v3;
	v34 =	vbroadcast v34, $0x0;
	s29 =	sand.u32 $0x70, s29;
	v7 =	vshrl.u32 v7, $0x3;
	v45 =	vld [tilespmem:s25+$0x170]  }
0xaa: {  	v41 =	vshll.u32 v41, v1;
	v63 =	vmov s29;
	s29 =	simm.s32 $0x24;
	v7 =	vshll.u32 v7, v1  }
0xab: {  	v41 =	vbroadcast v41, $0x0;
	s29 =	sand.u32 $0x60, s29;
	v7 =	vbroadcast v7, $0x0;
	v62 =	vshrl.u32 v63, $0x3  }
0xac: {  	v44 =	vadd.s32 v33, v44;
	v13 =	vmov s29;
	s29 =	simm.s32 $0x2C;
	v36 =	vld [tilespmem:s25+$0xFFFFFEC0];
	v38 =	vshll.u32 v62, v1;
	[tilespmem:v55+s18+$0x0] =	vst.idx.msk $0xffff, v48  }
0xad: {  	s31 =	simm.s32 $0x3C;
	v44 =	vor.u32 $0x2, v44;
	s29 =	sand.u32 $0x68, s29;
	v63 =	vadd.s32 v4, v7;
	v38 =	vbroadcast v38, $0x0;
	[tilespmem:v49+s18+$0x0] =	vst.idx.msk $0xffff, v54;
	v49 =	vld [tilespmem:s28+$0xFFFFFE50]  }
0xae: {  	s20 =	simm.s32 $0x34;
	s30 =	sand.u32 $0x78, s31;
	v13 =	vshrl.u32 v13, $0x3;
	v11 =	vor.u32 $0x3, v63;
	v62 =	vmov s29;
	[tilespmem:v18+s18+$0x0] =	vst.idx.msk $0xffff, v45;
	v45 =	vld [tilespmem:s25+$0x90]  }
0xaf: {  	s1 =	sand.u32 $0x70, s20;
	v63 =	vmov s30;
	v17 =	vadd.s32 v4, v38;
	v38 =	vadd.s32 v33, v38;
	v53 =	vld [tilespmem:s25+$0x180]  }
0xb0: {  	v18 =	vor.u32 $0x3, v17;
	v17 =	vor.u32 $0x3, v38;
	v38 =	vmov s1  }
0xb1: {  	v57 =	vshrl.u32 v62, $0x3;
	[tilespmem:v47+s18+$0x0] =	vst.idx.msk $0xffff, v36;
	v62 =	vshrl.u32 v63, $0x3;
	v63 =	vld [tilespmem:s28+$0xFFFFFF50];
	v38 =	vshrl.u32 v38, $0x3  }
0xb2: {  	v12 =	vor.u32 $0x2, v12;
	v13 =	vshll.u32 v13, v1;
	v38 =	vshll.u32 v38, v1;
	[tilespmem:v44+s18+$0x0] =	vst.idx.msk $0xffff, v49  }
0xb3: {  	v36 =	vshll.u32 v57, v1;
	v58 =	vld [tilespmem:s25+$0xFFFFFED0];
	v38 =	vbroadcast v38, $0x0;
	v44 =	vshll.u32 v52, v1;
	[tilespmem:v19+s18+$0x0] =	vst.idx.msk $0xffff, v45  }
0xb4: {  	v36 =	vbroadcast v36, $0x0;
	v19 =	vshll.u32 v62, v1;
	v45 =	vadd.s32 v4, v56;
	v47 =	vld [tilespmem:s25+$0xA0];
	[tilespmem:v15+s18+$0x0] =	vst.idx.msk $0xffff, v53  }
0xb5: {  	v53 =	vbroadcast v13, $0x0;
	v59 =	vbroadcast v19, $0x0;
	v13 =	vadd.s32 v4, v38;
	v48 =	vld [tilespmem:s25+$0x190]  }
0xb6: {  	[tilespmem:v43+s18+$0x0] =	vst.idx.msk $0xffff, v63;
	v63 =	vld [tilespmem:s25+$0xFFFFFFD0];
	v15 =	vadd.s32 v4, v36;
	v38 =	vadd.s32 v33, v38;
	v45 =	vor.u32 $0x3, v45  }
0xb7: {  	v52 =	vld [tilespmem:s28+$0xFFFFFE60];
	v19 =	vor.u32 $0x4, v13;
	v13 =	vor.u32 $0x4, v38;
	v38 =	vadd.s32 v4, v59  }
0xb8: {  	v30 =	vadd.s32 v33, v30;
	[tilespmem:v42+s18+$0x0] =	vst.idx.msk $0xffff, v58;
	v57 =	vor.u32 $0x4, v15;
	v15 =	vor.u32 $0x4, v38;
	v38 =	vld [tilespmem:s28+$0xFFFFFF60]  }
0xb9: {  	s0 =	simm.s32 $0x35;
	v30 =	vor.u32 $0x3, v30;
	v7 =	vadd.s32 v33, v7;
	v62 =	vadd.s32 v4, v53;
	[tilespmem:v22+s18+$0x0] =	vst.idx.msk $0xffff, v47;
	v22 =	vld [tilespmem:s25+$0xFFFFFEE0]  }
0xba: {  	v7 =	vor.u32 $0x3, v7;
	s29 =	simm.s32 $0x3D;
	s1 =	sand.u32 $0x70, s0;
	v43 =	vadd.s32 v33, v53;
	v58 =	vadd.s32 v33, v59;
	[tilespmem:v14+s18+$0x0] =	vst.idx.msk $0xffff, v48;
	v48 =	vld [tilespmem:s25+$0xB0]  }
0xbb: {  	s7 =	simm.s32 $0x26;
	s11 =	sand.u32 $0x78, s29;
	[tilespmem:v39+s18+$0x0] =	vst.idx.msk $0xffff, v63;
	v59 =	vadd.s32 v33, v56;
	v53 =	vor.u32 $0x4, v62;
	v62 =	vmov s1;
	v42 =	vld [tilespmem:s25+$0x1A0]  }
0xbc: {  	s29 =	sand.u32 $0x60, s7;
	v55 =	vld [tilespmem:s25+$0xFFFFFFE0];
	v63 =	vshrl.u32 v62, $0x3;
	[tilespmem:v45+s18+$0x0] =	vst.idx.msk $0xffff, v52;
	v14 =	vor.u32 $0x4, v58;
	v58 =	vmov s11  }
0xbd: {  	v47 =	vor.u32 $0x3, v59;
	v59 =	vmov s29;
	v49 =	vshrl.u32 v58, $0x3;
	[tilespmem:v60+s18+$0x0] =	vst.idx.msk $0xffff, v38  }
0xbe: {  	v39 =	vshll.u32 v63, v1;
	v62 =	vshrl.u32 v59, $0x3;
	v63 =	vld [tilespmem:s28+$0xFFFFFF70];
	[tilespmem:v24+s18+$0x0] =	vst.idx.msk $0xffff, v22;
	v24 =	vshll.u32 v49, v1  }
0xbf: {  	v36 =	vadd.s32 v33, v36;
	[tilespmem:v21+s18+$0x0] =	vst.idx.msk $0xffff, v48;
	v56 =	vbroadcast v24, $0x0;
	v24 =	vshll.u32 v62, v1;
	v62 =	vld [tilespmem:s28+$0xFFFFFE70]  }
0xc0: {  	v44 =	vbroadcast v44, $0x0;
	v36 =	vor.u32 $0x4, v36;
	v59 =	vbroadcast v46, $0x0;
	v49 =	vld [tilespmem:s25+$0xC0];
	[tilespmem:v20+s18+$0x0] =	vst.idx.msk $0xffff, v42  }
0xc1: {  	v43 =	vor.u32 $0x4, v43;
	[tilespmem:v35+s18+$0x0] =	vst.idx.msk $0xffff, v55;
	v55 =	vadd.s32 v33, v41;
	v22 =	vbroadcast v39, $0x0;
	v60 =	vld [tilespmem:s25+$0x1B0]  }
0xc2: {  	v38 =	vadd.s32 v33, v50;
	v52 =	vadd.s32 v4, v59;
	v39 =	vadd.s32 v4, v50;
	v21 =	vld [tilespmem:s25+$0xFFFFFEF0]  }
0xc3: {  	v20 =	vadd.s32 v4, v22;
	v22 =	vadd.s32 v33, v22;
	v58 =	vbroadcast v24, $0x0;
	[tilespmem:v30+s18+$0x0] =	vst.idx.msk $0xffff, v63;
	v30 =	vld [tilespmem:s28+$0x0]  }
0xc4: {  	s15 =	simm.s32 $0x2D;
	s29 =	simm.s32 $0x27;
	v24 =	vor.u32 $0x5, v20;
	v20 =	vadd.s32 v4, v56;
	v48 =	vadd.s32 v33, v56;
	v45 =	vld [tilespmem:s28+$0xFFFFFF80];
	[tilespmem:v47+s18+$0x0] =	vst.idx.msk $0xffff, v62  }
0xc5: {  	s1 =	sand.u32 $0x68, s15;
	s29 =	sand.u32 $0x60, s29;
	v22 =	vor.u32 $0x5, v22;
	v50 =	vadd.s32 v4, v58;
	v42 =	vadd.s32 v33, v58;
	[tilespmem:v37+s18+$0x0] =	vst.idx.msk $0xffff, v49;
	v47 =	vld [tilespmem:s28+$0xFFFFFE80]  }
0xc6: {  	s20 =	simm.s32 $0x2F;
	v20 =	vor.u32 $0x5, v20;
	v63 =	vmov s1;
	v58 =	vmov s29;
	v49 =	vld [tilespmem:s25+$0xD0];
	[tilespmem:v23+s18+$0x0] =	vst.idx.msk $0xffff, v60  }
0xc7: {  	s1 =	sand.u32 $0x68, s20;
	[tilespmem:v31+s18+$0x0] =	vst.idx.msk $0xffff, v21;
	v31 =	vadd.s32 v33, v59;
	v21 =	vor.u32 $0x5, v48;
	v48 =	vshrl.u32 v63, $0x3;
	v46 =	vld [tilespmem:s25+$0x1C0]  }
0xc8: {  	v54 =	vld [tilespmem:s25+$0xFFFFFFF0];
	v62 =	vmov s1;
	v37 =	vshrl.u32 v58, $0x3;
	v48 =	vshll.u32 v48, v1;
	[tilespmem:v52+s18+$0x0] =	vst.idx.msk $0xffff, v30  }
0xc9: {  	s31 =	simm.s32 $0x3F;
	s29 =	simm.s32 $0x3E;
	v63 =	vshrl.u32 v62, $0x3;
	v23 =	vshll.u32 v40, v1;
	v59 =	vshll.u32 v37, v1;
	[tilespmem:v57+s18+$0x0] =	vst.idx.msk $0xffff, v45;
	v45 =	vld [tilespmem:s28+$0x10]  }
0xca: {  	s30 =	sand.u32 $0x78, s29;
	s1 =	sand.u32 $0x78, s31;
	v60 =	vbroadcast v48, $0x0;
	v35 =	vbroadcast v59, $0x0;
	v30 =	vadd.s32 v4, v41;
	v58 =	vld [tilespmem:s28+$0xFFFFFF90];
	[tilespmem:v53+s18+$0x0] =	vst.idx.msk $0xffff, v47  }
0xcb: {  	v59 =	vshll.u32 v63, v1;
	v63 =	vmov s1;
	v57 =	vmov s30;
	[tilespmem:v32+s18+$0x0] =	vst.idx.msk $0xffff, v49;
	v32 =	vld [tilespmem:s28+$0x100]  }
0xcc: {  	v41 =	vadd.s32 v4, v60;
	v37 =	vadd.s32 v33, v60;
	v60 =	vshrl.u32 v57, $0x3;
	v57 =	vld [tilespmem:s28+$0xFFFFFE90];
	[tilespmem:v61+s18+$0x0] =	vst.idx.msk $0xffff, v46  }
0xcd: {  	[tilespmem:v29+s18+$0x0] =	vst.idx.msk $0xffff, v54;
	v52 =	vbroadcast v23, $0x0;
	v23 =	vadd.s32 v4, v44;
	v62 =	vshll.u32 v60, v1;
	v47 =	vld [tilespmem:s25+$0x1D0]  }
0xce: {  	v40 =	vadd.s32 v4, v35;
	v29 =	vadd.s32 v33, v35;
	v35 =	vbroadcast v62, $0x0;
	v48 =	vld [tilespmem:s25+$0xE0];
	[tilespmem:v31+s18+$0x0] =	vst.idx.msk $0xffff, v45  }
0xcf: {  	v63 =	vshrl.u32 v63, $0x3;
	v29 =	vor.u32 $0x7, v29;
	v60 =	vadd.s32 v33, v44;
	[tilespmem:v36+s18+$0x0] =	vst.idx.msk $0xffff, v58;
	v36 =	vld [tilespmem:s28+$0x20]  }
0xd0: {  	v49 =	vor.u32 $0x5, v37;
	v61 =	vbroadcast v59, $0x0;
	v53 =	vadd.s32 v4, v35;
	[tilespmem:v30+s18+$0x0] =	vst.idx.msk $0xffff, v32  }
0xd1: {  	v31 =	vor.u32 $0x5, v41;
	v54 =	vadd.s32 v33, v35;
	v41 =	vadd.s32 v4, v52;
	v56 =	vld [tilespmem:s28+$0xFFFFFFA0];
	[tilespmem:v43+s18+$0x0] =	vst.idx.msk $0xffff, v57  }
0xd2: {  	v37 =	vor.u32 $0x6, v50;
	v45 =	vadd.s32 v4, v61;
	v61 =	vadd.s32 v33, v61;
	v62 =	vld [tilespmem:s28+$0x110];
	[tilespmem:v28+s18+$0x0] =	vst.idx.msk $0xffff, v47  }
0xd3: {  	v35 =	vor.u32 $0x7, v45;
	v45 =	vor.u32 $0x5, v23;
	v23 =	vadd.s32 v33, v34;
	[tilespmem:v26+s18+$0x0] =	vst.idx.msk $0xffff, v48;
	v44 =	vld [tilespmem:s25+$0x1E0]  }
0xd4: {  	v32 =	vor.u32 $0x7, v61;
	v30 =	vadd.s32 v33, v52;
	v26 =	vshll.u32 v63, v1;
	[tilespmem:v51+s18+$0x0] =	vst.idx.msk $0xffff, v36;
	v36 =	vld [tilespmem:s25+$0xF0]  }
0xd5: {  	v48 =	vor.u32 $0x7, v25;
	v28 =	vadd.s32 v4, v34;
	v46 =	vbroadcast v26, $0x0;
	v51 =	vld [tilespmem:s28+$0xFFFFFEA0]  }
0xd6: {  	v34 =	vor.u32 $0x7, v27;
	v27 =	vor.u32 $0x6, v54;
	v47 =	vor.u32 $0x5, v60;
	[tilespmem:v31+s18+$0x0] =	vst.idx.msk $0xffff, v56;
	v52 =	vld [tilespmem:s28+$0x30]  }
0xd7: {  	s29 =	simm.s32 $0xE00;
	v25 =	vor.u32 $0x7, v28;
	v28 =	vor.u32 $0x6, v53;
	v26 =	vadd.s32 v33, v46;
	v50 =	vld [tilespmem:s28+$0xFFFFFFB0];
	[tilespmem:v55+s18+$0x0] =	vst.idx.msk $0xffff, v62  }
.LBB2_3:
0xd8: {  	s1 =	sadd.s32 $0x28, s26  }
0xd9: {  	s31 =	sadd.s32 $0x30, s26;
	v43 =	vor.u32 $0x7, v40;
	v30 =	vor.u32 $0x6, v30;
	v31 =	vld [tilespmem:s28+$0x120];
	v4 =	vadd.s32 v4, v46;
	[tilespmem:v3+s18+$0x0] =	vst.idx.msk $0xffff, v44;
	s30 =	smov.u32 s26;
	s26 =	sadd.s32 $0x20, s26  }
0xda: {  	v44 =	vor.u32 $0x6, v42;
	v46 =	vor.u32 $0x6, v38;
	s0 =	sshrl.u32 s26, $0x7;
	s15 =	sand.u32 $0x60, s26;
	s7 =	sadd.s32 $0x37, s30;
	v3 =	vor.u32 $0x7, v4;
	[tilespmem:v48+s18+$0x0] =	vst.idx.msk $0xffff, v36;
	v4 =	vld [tilespmem:s25+$0x1F0]  }
0xdb: {  	v39 =	vor.u32 $0x6, v39;
	v33 =	vmov s0;
	v36 =	vmov s15;
	s0 =	sand.u32 $0x68, s1;
	s15 =	sand.u32 $0x70, s31;
	s1 =	sand.u32 $0x70, s7;
	[tilespmem:v9+s18+$0x0] =	vst.idx.msk $0xffff, v52  }
0xdc: {  	s11 =	sadd.s32 $0x36, s30;
	s20 =	sadd.s32 $0x38, s30;
	s7 =	sadd.s32 $0x27, s30;
	v9 =	vshrl.u32 v36, $0x3;
	v38 =	vmul.u32 $0x440, v33;
	v33 =	vmov s1;
	[tilespmem:v49+s18+$0x0] =	vst.idx.msk $0xffff, v50;
	v40 =	vld [tilespmem:s28+$0x40]  }
0xdd: {  	s31 =	sadd.s32 $0x2F, s30;
	s1 =	sand.u32 $0x60, s7;
	v42 =	vmov s0;
	s0 =	sadd.s32 $0x2E, s30;
	v48 =	vmov s15;
	v36 =	vor.u32 $0x6, v41;
	[tilespmem:v45+s18+$0x0] =	vst.idx.msk $0xffff, v51;
	v45 =	vld [tilespmem:s28+$0xFFFFFFC0]  }
0xde: {  	p0 =	slt.u32 s26, $0x3E0;
	v9 =	vshll.u32 v9, v1;
	v41 =	vshrl.u32 v42, $0x3;
	s0 =	sand.u32 $0x68, s0;
	s28 =	sadd.s32 $0x400, s28;
	v38 =	vbroadcast v38, $0x0;
	v42 =	vld [tilespmem:s29+$0xFFFFFEB0];
	[tilespmem:v8+s18+$0x0] =	vst.idx.msk $0xffff, v31  }
0xdf: {  	s25 =	smov.u32 s29;
	v48 =	vshrl.u32 v48, $0x3;
	v9 =	vbroadcast v9, $0x0;
	v31 =	vmov s0;
	s29 =	smov.u32 s28;
	v8 =	vld [tilespmem:s28+$0xFFFFFE00];
	[tilespmem:v34+s18+$0x0] =	vst.idx.msk $0xffff, v4  }
0xe0: {  	s0 =	sand.u32 $0x78, s20;
	v34 =	vshll.u32 v41, v1;
	v41 =	vshrl.u32 v31, $0x3;
	v4 =	vadd.s32 v0, v38;
	v49 =	vld [tilespmem:s25+$0x130]  }
0xe1: {  	s7 =	sand.u32 $0x70, s11;
	v52 =	vmov s0;
	v51 =	vbroadcast v34, $0x0;
	v50 =	vadd.s32 v9, v4;
	[tilespmem:v16+s18+$0x0] =	vst.idx.msk $0xffff, v40  }
0xe2: {  	v31 =	vadd.s32 v2, v38;
	v38 =	vshll.u32 v41, v1;
	v16 =	vmov s7;
	[tilespmem:v39+s18+$0x0] =	vst.idx.msk $0xffff, v45;
	v39 =	vld [tilespmem:s25+$0x50]  }
0xe3: {  	s11 =	sadd.s32 $0x39, s30;
	s0 =	sadd.s32 $0x29, s30;
	v53 =	vadd.s32 v9, v31;
	s7 =	sadd.s32 $0x31, s30;
	v40 =	vshrl.u32 v52, $0x3;
	v54 =	vadd.s32 v4, v51;
	v34 =	vld [tilespmem:s28+$0x100];
	[tilespmem:v47+s18+$0x0] =	vst.idx.msk $0xffff, v42  }
0xe4: {  	s11 =	sand.u32 $0x78, s11;
	s0 =	sand.u32 $0x68, s0;
	s7 =	sand.u32 $0x70, s7;
	v41 =	vshrl.u32 v16, $0x3;
	v47 =	vadd.s32 v31, v51;
	v42 =	vshll.u32 v48, v1;
	v9 =	vld [tilespmem:s25+$0xFFFFFEC0]  }
0xe5: {  	v16 =	vmov s0;
	v45 =	vmov s7;
	v48 =	vmov s11;
	[tilespmem:v5+s18+$0x0] =	vst.idx.msk $0xffff, v49  }
0xe6: {  	s0 =	sadd.s32 $0x21, s30;
	v5 =	vshrl.u32 v16, $0x3;
	v16 =	vshrl.u32 v45, $0x3;
	v45 =	vshrl.u32 v48, $0x3;
	v48 =	vld [tilespmem:s25+$0x140]  }
0xe7: {  	s0 =	sand.u32 $0x60, s0;
	s7 =	sadd.s32 $0x2A, s30;
	v5 =	vshll.u32 v5, v1;
	v16 =	vshll.u32 v16, v1;
	v45 =	vshll.u32 v45, v1;
	v49 =	vld [tilespmem:s28+$0xFFFFFF00]  }
0xe8: {  	v5 =	vbroadcast v5, $0x0;
	v16 =	vbroadcast v16, $0x0;
	[tilespmem:v50+s18+$0x0] =	vst.idx.msk $0xffff, v8;
	v8 =	vmov s0;
	s0 =	sand.u32 $0x68, s7;
	v50 =	vld [tilespmem:s25+$0xFFFFFFD0]  }
0xe9: {  	v51 =	vshrl.u32 v8, $0x3;
	v52 =	vmov s0;
	v8 =	vbroadcast v45, $0x0;
	[tilespmem:v37+s18+$0x0] =	vst.idx.msk $0xffff, v9  }
0xea: {  	v9 =	vadd.s32 v4, v5;
	v5 =	vadd.s32 v31, v5;
	v37 =	vadd.s32 v4, v16;
	v55 =	vld [tilespmem:s25+$0xFFFFFED0]  }
0xeb: {  	v57 =	vor.u32 $0x1, v9;
	v37 =	vor.u32 $0x1, v37;
	v9 =	vadd.s32 v31, v16;
	v56 =	vld [tilespmem:s28+$0xFFFFFE10];
	[tilespmem:v12+s18+$0x0] =	vst.idx.msk $0xffff, v48  }
0xec: {  	s0 =	sadd.s32 $0x32, s30;
	v9 =	vor.u32 $0x1, v9;
	v12 =	vadd.s32 v4, v8;
	v16 =	vadd.s32 v31, v8;
	v48 =	vld [tilespmem:s25+$0x150]  }
0xed: {  	v45 =	vor.u32 $0x1, v5;
	s0 =	sand.u32 $0x70, s0;
	v8 =	vor.u32 $0x1, v12;
	v5 =	vor.u32 $0x1, v16;
	[tilespmem:v6+s18+$0x0] =	vst.idx.msk $0xffff, v39  }
0xee: {  	v12 =	vshrl.u32 v52, $0x3;
	v16 =	vmov s0;
	s0 =	sadd.s32 $0x3A, s30;
	v6 =	vshll.u32 v51, v1;
	[tilespmem:v46+s18+$0x0] =	vst.idx.msk $0xffff, v50  }
0xef: {  	v12 =	vshll.u32 v12, v1;
	v16 =	vshrl.u32 v16, $0x3;
	s0 =	sand.u32 $0x78, s0;
	v6 =	vbroadcast v6, $0x0;
	[tilespmem:v54+s18+$0x0] =	vst.idx.msk $0xffff, v49;
	v46 =	vld [tilespmem:s25+$0x60]  }
0xf0: {  	v12 =	vbroadcast v12, $0x0;
	v16 =	vshll.u32 v16, v1;
	v50 =	vmov s0;
	[tilespmem:v53+s18+$0x0] =	vst.idx.msk $0xffff, v56;
	v49 =	vld [tilespmem:s28+$0xFFFFFF10]  }
0xf1: {  	v16 =	vbroadcast v16, $0x0;
	v39 =	vadd.s32 v4, v6;
	v6 =	vadd.s32 v31, v6;
	v51 =	vld [tilespmem:s28+$0xFFFFFE20];
	[tilespmem:v10+s18+$0x0] =	vst.idx.msk $0xffff, v48  }
0xf2: {  	v10 =	vor.u32 $0x1, v39;
	v48 =	vor.u32 $0x1, v6;
	v6 =	vadd.s32 v4, v12;
	[tilespmem:v44+s18+$0x0] =	vst.idx.msk $0xffff, v55;
	v52 =	vld [tilespmem:s25+$0x160]  }
0xf3: {  	s0 =	sadd.s32 $0x22, s30;
	v44 =	vor.u32 $0x2, v6;
	v6 =	vadd.s32 v31, v12;
	v12 =	vadd.s32 v31, v16;
	v53 =	vld [tilespmem:s25+$0xFFFFFEE0]  }
0xf4: {  	s0 =	sand.u32 $0x60, s0;
	v39 =	vor.u32 $0x2, v6;
	v6 =	vor.u32 $0x2, v12;
	v12 =	vshrl.u32 v50, $0x3;
	v50 =	vld [tilespmem:s25+$0xFFFFFFE0];
	[tilespmem:v18+s18+$0x0] =	vst.idx.msk $0xffff, v46  }
0xf5: {  	s7 =	sadd.s32 $0x33, s30;
	v16 =	vadd.s32 v4, v16;
	v18 =	vmov s0;
	s0 =	sadd.s32 $0x2B, s30;
	v12 =	vshll.u32 v12, v1;
	[tilespmem:v47+s18+$0x0] =	vst.idx.msk $0xffff, v49;
	v46 =	vld [tilespmem:s25+$0x70]  }
0xf6: {  	s7 =	sand.u32 $0x70, s7;
	v16 =	vor.u32 $0x2, v16;
	v18 =	vshrl.u32 v18, $0x3;
	s0 =	sand.u32 $0x68, s0;
	v12 =	vbroadcast v12, $0x0;
	v47 =	vld [tilespmem:s28+$0xFFFFFF20]  }
0xf7: {  	v49 =	vmov s7;
	[tilespmem:v10+s18+$0x0] =	vst.idx.msk $0xffff, v51;
	v10 =	vshll.u32 v18, v1;
	v18 =	vmov s0;
	s0 =	sadd.s32 $0x3B, s30  }
0xf8: {  	v55 =	vadd.s32 v31, v12;
	v51 =	vld [tilespmem:s28+$0xFFFFFE30];
	v54 =	vbroadcast v10, $0x0;
	v10 =	vadd.s32 v4, v12;
	s0 =	sand.u32 $0x78, s0;
	[tilespmem:v11+s18+$0x0] =	vst.idx.msk $0xffff, v52  }
0xf9: {  	v12 =	vor.u32 $0x2, v10;
	v10 =	vor.u32 $0x2, v55;
	v11 =	vmov s0;
	[tilespmem:v43+s18+$0x0] =	vst.idx.msk $0xffff, v53;
	v43 =	vld [tilespmem:s25+$0x170]  }
0xfa: {  	s0 =	sadd.s32 $0x23, s30;
	v52 =	vadd.s32 v4, v54;
	v53 =	vadd.s32 v31, v54;
	v11 =	vshrl.u32 v11, $0x3;
	v54 =	vld [tilespmem:s25+$0xFFFFFEF0];
	[tilespmem:v17+s18+$0x0] =	vst.idx.msk $0xffff, v46  }
0xfb: {  	s0 =	sand.u32 $0x60, s0;
	v17 =	vor.u32 $0x2, v52;
	v46 =	vor.u32 $0x2, v53;
	[tilespmem:v57+s18+$0x0] =	vst.idx.msk $0xffff, v47;
	v11 =	vshll.u32 v11, v1;
	v47 =	vld [tilespmem:s25+$0x80]  }
0xfc: {  	v18 =	vshrl.u32 v18, $0x3;
	v52 =	vmov s0;
	v53 =	vld [tilespmem:s28+$0xFFFFFF30];
	v11 =	vbroadcast v11, $0x0;
	[tilespmem:v35+s18+$0x0] =	vst.idx.msk $0xffff, v50  }
0xfd: {  	v18 =	vshll.u32 v18, v1;
	v35 =	vshrl.u32 v52, $0x3;
	[tilespmem:v48+s18+$0x0] =	vst.idx.msk $0xffff, v51;
	v48 =	vshrl.u32 v49, $0x3;
	v49 =	vld [tilespmem:s25+$0xFFFFFFF0]  }
0xfe: {  	s0 =	sadd.s32 $0x25, s30;
	v35 =	vshll.u32 v35, v1;
	v50 =	vld [tilespmem:s28+$0xFFFFFE40];
	v51 =	vadd.s32 v4, v11;
	v52 =	vadd.s32 v31, v11  }
0xff: {  	s7 =	sadd.s32 $0x24, s30;
	s0 =	sand.u32 $0x60, s0;
	v48 =	vshll.u32 v48, v1;
	v11 =	vor.u32 $0x3, v51;
	[tilespmem:v7+s18+$0x0] =	vst.idx.msk $0xffff, v43;
	v7 =	vor.u32 $0x3, v52  }
0x100: {  	s7 =	sand.u32 $0x60, s7;
	v18 =	vbroadcast v18, $0x0;
	v43 =	vmov s0;
	v48 =	vbroadcast v48, $0x0;
	[tilespmem:v19+s18+$0x0] =	vst.idx.msk $0xffff, v47  }
0x101: {  	v47 =	vbroadcast v35, $0x0;
	v19 =	vmov s7;
	v51 =	vshrl.u32 v43, $0x3;
	[tilespmem:v45+s18+$0x0] =	vst.idx.msk $0xffff, v53;
	v35 =	vld [tilespmem:s25+$0x90]  }
0x102: {  	v45 =	vadd.s32 v4, v18;
	v52 =	vadd.s32 v4, v48;
	v48 =	vadd.s32 v31, v48;
	v43 =	vld [tilespmem:s28+$0xFFFFFF40]  }
0x103: {  	s11 =	sadd.s32 $0x3C, s30;
	s0 =	sadd.s32 $0x2C, s30;
	s7 =	sadd.s32 $0x34, s30;
	v45 =	vor.u32 $0x3, v45;
	[tilespmem:v17+s18+$0x0] =	vst.idx.msk $0xffff, v50;
	v17 =	vadd.s32 v31, v18;
	v18 =	vor.u32 $0x3, v52;
	v50 =	vld [tilespmem:s25+$0x180]  }
0x104: {  	s11 =	sand.u32 $0x78, s11;
	s0 =	sand.u32 $0x68, s0;
	v19 =	vshrl.u32 v19, $0x3;
	s7 =	sand.u32 $0x70, s7;
	v52 =	vld [tilespmem:s28+$0xFFFFFE50];
	v53 =	vor.u32 $0x3, v17;
	v17 =	vor.u32 $0x3, v48;
	[tilespmem:v29+s18+$0x0] =	vst.idx.msk $0xffff, v54  }
0x105: {  	v29 =	vmov s0;
	v48 =	vmov s7;
	v54 =	vmov s11;
	[tilespmem:v32+s18+$0x0] =	vst.idx.msk $0xffff, v49  }
0x106: {  	v19 =	vshll.u32 v19, v1;
	v29 =	vshrl.u32 v29, $0x3;
	v32 =	vshrl.u32 v48, $0x3;
	[tilespmem:v13+s18+$0x0] =	vst.idx.msk $0xffff, v35  }
0x107: {  	v13 =	vshll.u32 v29, v1;
	v29 =	vshll.u32 v32, v1;
	v32 =	vshrl.u32 v54, $0x3;
	[tilespmem:v44+s18+$0x0] =	vst.idx.msk $0xffff, v43;
	v35 =	vld [tilespmem:s25+$0xA0]  }
0x108: {  	v44 =	vbroadcast v13, $0x0;
	v13 =	vbroadcast v29, $0x0;
	v29 =	vshll.u32 v32, v1;
	v43 =	vld [tilespmem:s28+$0xFFFFFF50];
	[tilespmem:v15+s18+$0x0] =	vst.idx.msk $0xffff, v50  }
0x109: {  	v32 =	vbroadcast v19, $0x0;
	v29 =	vbroadcast v29, $0x0;
	[tilespmem:v46+s18+$0x0] =	vst.idx.msk $0xffff, v52;
	v46 =	vadd.s32 v4, v47;
	v48 =	vld [tilespmem:s25+$0x190]  }
0x10a: {  	v15 =	vadd.s32 v4, v44;
	v19 =	vadd.s32 v4, v13;
	v13 =	vadd.s32 v31, v13;
	v49 =	vld [tilespmem:s28+$0xFFFFFE60]  }
0x10b: {  	v19 =	vor.u32 $0x4, v19;
	v13 =	vor.u32 $0x4, v13;
	v50 =	vadd.s32 v4, v29  }
0x10c: {  	v52 =	vadd.s32 v4, v32;
	v54 =	vor.u32 $0x4, v15;
	v15 =	vor.u32 $0x4, v50;
	[tilespmem:v24+s18+$0x0] =	vst.idx.msk $0xffff, v35  }
0x10d: {  	v35 =	vor.u32 $0x4, v52;
	v24 =	vadd.s32 v31, v32;
	v32 =	vadd.s32 v31, v44;
	[tilespmem:v39+s18+$0x0] =	vst.idx.msk $0xffff, v43;
	v39 =	vld [tilespmem:s25+$0xB0]  }
0x10e: {  	s0 =	sadd.s32 $0x35, s30;
	v29 =	vadd.s32 v31, v29;
	v43 =	vor.u32 $0x4, v24;
	v32 =	vor.u32 $0x4, v32;
	v24 =	vld [tilespmem:s28+$0xFFFFFF60];
	[tilespmem:v14+s18+$0x0] =	vst.idx.msk $0xffff, v48  }
0x10f: {  	s7 =	sadd.s32 $0x3D, s30;
	s0 =	sand.u32 $0x70, s0;
	v44 =	vor.u32 $0x3, v46;
	v46 =	vadd.s32 v31, v47;
	v14 =	vor.u32 $0x4, v29;
	v29 =	vld [tilespmem:s25+$0x1A0]  }
0x110: {  	s11 =	sadd.s32 $0x26, s30;
	v47 =	vshll.u32 v51, v1;
	v46 =	vor.u32 $0x3, v46;
	v48 =	vmov s0;
	s0 =	sand.u32 $0x78, s7  }
0x111: {  	v50 =	vbroadcast v38, $0x0;
	s7 =	sand.u32 $0x60, s11;
	v38 =	vshrl.u32 v48, $0x3;
	v48 =	vmov s0  }
0x112: {  	v51 =	vmov s7;
	v52 =	vshll.u32 v38, v1;
	v48 =	vshrl.u32 v48, $0x3;
	[tilespmem:v22+s18+$0x0] =	vst.idx.msk $0xffff, v39  }
0x113: {  	v38 =	vadd.s32 v31, v50;
	v22 =	vbroadcast v52, $0x0;
	[tilespmem:v45+s18+$0x0] =	vst.idx.msk $0xffff, v24;
	v24 =	vshll.u32 v48, v1;
	v45 =	vld [tilespmem:s25+$0xC0]  }
0x114: {  	v39 =	vadd.s32 v4, v50;
	[tilespmem:v44+s18+$0x0] =	vst.idx.msk $0xffff, v49;
	v44 =	vshrl.u32 v51, $0x3;
	v48 =	vld [tilespmem:s28+$0xFFFFFF70];
	v49 =	vbroadcast v24, $0x0  }
0x115: {  	v50 =	vld [tilespmem:s28+$0xFFFFFE70];
	v24 =	vshll.u32 v44, v1;
	v44 =	vadd.s32 v4, v22;
	v22 =	vadd.s32 v31, v22  }
0x116: {  	v51 =	vbroadcast v24, $0x0;
	v24 =	vor.u32 $0x5, v44;
	v44 =	vadd.s32 v4, v49;
	[tilespmem:v20+s18+$0x0] =	vst.idx.msk $0xffff, v29  }
0x117: {  	v29 =	vbroadcast v42, $0x0;
	v22 =	vor.u32 $0x5, v22;
	v20 =	vor.u32 $0x5, v44;
	v44 =	vld [tilespmem:s25+$0x1B0]  }
0x118: {  	s0 =	sadd.s32 $0x2D, s30;
	v49 =	vadd.s32 v31, v49;
	v55 =	vadd.s32 v4, v51;
	v42 =	vadd.s32 v31, v51  }
0x119: {  	s0 =	sand.u32 $0x68, s0;
	v51 =	vadd.s32 v4, v29;
	v52 =	vadd.s32 v31, v29;
	v29 =	vor.u32 $0x5, v49;
	[tilespmem:v53+s18+$0x0] =	vst.idx.msk $0xffff, v48;
	v48 =	vld [tilespmem:s28+$0x0]  }
0x11a: {  	v40 =	vshll.u32 v40, v1;
	[tilespmem:v46+s18+$0x0] =	vst.idx.msk $0xffff, v50;
	v46 =	vmov s1;
	v49 =	vld [tilespmem:s28+$0xFFFFFF80];
	v50 =	vmov s0  }
0x11b: {  	v41 =	vshll.u32 v41, v1;
	v53 =	vld [tilespmem:s28+$0xFFFFFE80];
	v46 =	vshrl.u32 v46, $0x3;
	v50 =	vshrl.u32 v50, $0x3;
	[tilespmem:v36+s18+$0x0] =	vst.idx.msk $0xffff, v45  }
0x11c: {  	v40 =	vbroadcast v40, $0x0;
	s0 =	sand.u32 $0x68, s31;
	s1 =	sadd.s32 $0x3E, s30;
	v36 =	vshll.u32 v46, v1;
	v45 =	vshll.u32 v50, v1;
	v46 =	vld [tilespmem:s25+$0xD0];
	[tilespmem:v21+s18+$0x0] =	vst.idx.msk $0xffff, v44  }
0x11d: {  	v21 =	vmovc v29;
	v36 =	vbroadcast v36, $0x0;
	v44 =	vbroadcast v45, $0x0;
	v45 =	vmov s0;
	s0 =	sand.u32 $0x78, s1;
	v50 =	vld [tilespmem:s25+$0x1C0]  }
0x11e: {  	v56 =	vadd.s32 v31, v40;
	v29 =	vshrl.u32 v45, $0x3;
	[tilespmem:v51+s18+$0x0] =	vst.idx.msk $0xffff, v48;
	v48 =	vadd.s32 v4, v40  }
0x11f: {  	v51 =	vmov s0;
	[tilespmem:v54+s18+$0x0] =	vst.idx.msk $0xffff, v49;
	v45 =	vadd.s32 v4, v44;
	v49 =	vadd.s32 v31, v44;
	v44 =	vld [tilespmem:s28+$0x10]  }
0x120: {  	v40 =	vadd.s32 v4, v36;
	v36 =	vadd.s32 v31, v36;
	v57 =	vshll.u32 v29, v1;
	v54 =	vld [tilespmem:s28+$0xFFFFFF90]  }
0x121: {  	v33 =	vshrl.u32 v33, $0x3;
	s0 =	sadd.s32 $0x3F, s30;
	v29 =	vor.u32 $0x7, v36;
	v36 =	vshrl.u32 v51, $0x3;
	[tilespmem:v30+s18+$0x0] =	vst.idx.msk $0xffff, v46  }
0x122: {  	v33 =	vshll.u32 v33, v1;
	s0 =	sand.u32 $0x78, s0;
	v30 =	vbroadcast v57, $0x0;
	v36 =	vshll.u32 v36, v1;
	v46 =	vld [tilespmem:s25+$0xE0];
	[tilespmem:v28+s18+$0x0] =	vst.idx.msk $0xffff, v50  }
0x123: {  	v28 =	vbroadcast v33, $0x0;
	v33 =	vbroadcast v36, $0x0;
	v36 =	vmov s0;
	[tilespmem:v35+s18+$0x0] =	vst.idx.msk $0xffff, v53;
	v50 =	vld [tilespmem:s25+$0x1D0]  }
0x124: {  	v35 =	vbroadcast v47, $0x0;
	v47 =	vor.u32 $0x5, v45;
	v45 =	vadd.s32 v4, v30;
	v51 =	vld [tilespmem:s28+$0xFFFFFE90];
	[tilespmem:v52+s18+$0x0] =	vst.idx.msk $0xffff, v44  }
0x125: {  	v44 =	vbroadcast v41, $0x0;
	v53 =	vadd.s32 v4, v33;
	v33 =	vadd.s32 v31, v33;
	[tilespmem:v32+s18+$0x0] =	vst.idx.msk $0xffff, v54;
	v52 =	vld [tilespmem:s28+$0x20]  }
0x126: {  	v32 =	vadd.s32 v4, v35;
	v54 =	vadd.s32 v31, v35;
	v35 =	vor.u32 $0x7, v45;
	v57 =	vld [tilespmem:s28+$0xFFFFFFA0]  }
0x127: {  	v30 =	vadd.s32 v31, v30;
	v58 =	vadd.s32 v31, v28;
	v45 =	vor.u32 $0x5, v32;
	[tilespmem:v48+s18+$0x0] =	vst.idx.msk $0xffff, v34  }
0x128: {  	v28 =	vadd.s32 v4, v28;
	v32 =	vor.u32 $0x7, v30;
	v41 =	vadd.s32 v4, v44;
	v59 =	vld [tilespmem:s28+$0x110];
	[tilespmem:v27+s18+$0x0] =	vst.idx.msk $0xffff, v50  }
.Ltmp0:
0x129: {  	v30 =	vadd.s32 v31, v44;
	v34 =	vor.u32 $0x7, v26;
	v27 =	vshrl.u32 v36, $0x3;
	[tilespmem:v25+s18+$0x0] =	vst.idx.msk $0xffff, v46;
	v44 =	vld [tilespmem:s25+$0x1E0];
	(pc) =	sbr.rel @p0 .LBB2_3-.Ltmp0, $4  }
0x12a: {  	v49 =	vor.u32 $0x5, v49;
	v48 =	vor.u32 $0x7, v23;
	v23 =	vmovc v58;
	v25 =	vshll.u32 v27, v1;
	[tilespmem:v37+s18+$0x0] =	vst.idx.msk $0xffff, v52;
	v36 =	vld [tilespmem:s25+$0xF0]  }
0x12b: {  	v46 =	vbroadcast v25, $0x0;
	[tilespmem:v47+s18+$0x0] =	vst.idx.msk $0xffff, v57;
	v52 =	vld [tilespmem:s28+$0x30]  }
0x12c: {  	v27 =	vor.u32 $0x6, v33;
	v37 =	vor.u32 $0x6, v55;
	v25 =	vor.u32 $0x7, v28;
	[tilespmem:v43+s18+$0x0] =	vst.idx.msk $0xffff, v51;
	v50 =	vld [tilespmem:s28+$0xFFFFFFB0]  }
0x12d: {  	v28 =	vor.u32 $0x6, v53;
	v47 =	vor.u32 $0x5, v54;
	v26 =	vadd.s32 v31, v46;
	v51 =	vld [tilespmem:s28+$0xFFFFFEA0];
	[tilespmem:v56+s18+$0x0] =	vst.idx.msk $0xffff, v59  }
0x12e: {  	v31 =	vld [tilespmem:s28+$0x120];
	_ =	sdelay $0x4  }
0x12f: {  	[tilespmem:v8+s18+$0x0] =	vst.idx.msk $0xffff, v31  }
0x130: {  	v8 =	vld [tilespmem:s29+$0x130];
	_ =	sdelay $0x3  }
0x131: {  	[tilespmem:v9+s18+$0x0] =	vst.idx.msk $0xffff, v52  }
0x132: {  	v9 =	vld [tilespmem:s28+$0x40];
	[tilespmem:v5+s18+$0x0] =	vst.idx.msk $0xffff, v8  }
0x133: {  	v5 =	vld [tilespmem:s29+$0x140];
	_ =	sdelay $0x3  }
0x134: {  	[tilespmem:v16+s18+$0x0] =	vst.idx.msk $0xffff, v9  }
0x135: {  	v43 =	vld [tilespmem:s29+$0x50];
	[tilespmem:v12+s18+$0x0] =	vst.idx.msk $0xffff, v5  }
0x136: {  	v5 =	vld [tilespmem:s29+$0x150];
	_ =	sdelay $0x3  }
0x137: {  	[tilespmem:v6+s18+$0x0] =	vst.idx.msk $0xffff, v43  }
0x138: {  	v6 =	vld [tilespmem:s29+$0x60];
	[tilespmem:v10+s18+$0x0] =	vst.idx.msk $0xffff, v5  }
0x139: {  	v5 =	vld [tilespmem:s29+$0x160];
	_ =	sdelay $0x3  }
0x13a: {  	[tilespmem:v18+s18+$0x0] =	vst.idx.msk $0xffff, v6  }
0x13b: {  	v6 =	vld [tilespmem:s29+$0x70];
	[tilespmem:v11+s18+$0x0] =	vst.idx.msk $0xffff, v5  }
0x13c: {  	v5 =	vld [tilespmem:s29+$0x170];
	_ =	sdelay $0x3  }
0x13d: {  	[tilespmem:v17+s18+$0x0] =	vst.idx.msk $0xffff, v6  }
0x13e: {  	v6 =	vld [tilespmem:s29+$0x80];
	[tilespmem:v7+s18+$0x0] =	vst.idx.msk $0xffff, v5  }
0x13f: {  	v5 =	vld [tilespmem:s29+$0x180];
	_ =	sdelay $0x3  }
0x140: {  	[tilespmem:v19+s18+$0x0] =	vst.idx.msk $0xffff, v6  }
0x141: {  	v6 =	vld [tilespmem:s29+$0x90];
	[tilespmem:v15+s18+$0x0] =	vst.idx.msk $0xffff, v5  }
0x142: {  	v5 =	vld [tilespmem:s29+$0x190];
	_ =	sdelay $0x3  }
0x143: {  	[tilespmem:v13+s18+$0x0] =	vst.idx.msk $0xffff, v6  }
0x144: {  	v6 =	vld [tilespmem:s29+$0xA0];
	[tilespmem:v14+s18+$0x0] =	vst.idx.msk $0xffff, v5  }
0x145: {  	v5 =	vld [tilespmem:s29+$0x1A0];
	_ =	sdelay $0x2  }
0x146: {  	[tilespmem:v45+s18+$0x0] =	vst.idx.msk $0xffff, v51  }
0x147: {  	v45 =	vld [tilespmem:s29+$0xFFFFFEB0];
	[tilespmem:v24+s18+$0x0] =	vst.idx.msk $0xffff, v6  }
0x148: {  	v6 =	vld [tilespmem:s29+$0xB0];
	[tilespmem:v20+s18+$0x0] =	vst.idx.msk $0xffff, v5  }
0x149: {  	v5 =	vld [tilespmem:s29+$0x1B0];
	_ =	sdelay $0x1  }
0x14a: {  	[tilespmem:v49+s18+$0x0] =	vst.idx.msk $0xffff, v50  }
0x14b: {  	v51 =	vor.u32 $0x6, v39;
	v52 =	vld [tilespmem:s28+$0xFFFFFFC0];
	[tilespmem:v47+s18+$0x0] =	vst.idx.msk $0xffff, v45  }
0x14c: {  	v7 =	vld [tilespmem:s29+$0xFFFFFEC0];
	[tilespmem:v22+s18+$0x0] =	vst.idx.msk $0xffff, v6  }
0x14d: {  	v53 =	vor.u32 $0x6, v41;
	v54 =	vld [tilespmem:s29+$0xC0];
	[tilespmem:v21+s18+$0x0] =	vst.idx.msk $0xffff, v5  }
0x14e: {  	v5 =	vld [tilespmem:s29+$0x1C0];
	_ =	sdelay $0x1  }
0x14f: {  	[tilespmem:v51+s18+$0x0] =	vst.idx.msk $0xffff, v52  }
0x150: {  	v57 =	vor.u32 $0x6, v38;
	v58 =	vld [tilespmem:s29+$0xFFFFFFD0];
	[tilespmem:v37+s18+$0x0] =	vst.idx.msk $0xffff, v7  }
0x151: {  	v55 =	vor.u32 $0x6, v42;
	v56 =	vld [tilespmem:s29+$0xFFFFFED0];
	[tilespmem:v53+s18+$0x0] =	vst.idx.msk $0xffff, v54  }
0x152: {  	v59 =	vor.u32 $0x6, v30;
	v10 =	vld [tilespmem:s29+$0xD0];
	[tilespmem:v28+s18+$0x0] =	vst.idx.msk $0xffff, v5  }
0x153: {  	v5 =	vld [tilespmem:s29+$0x1D0];
	_ =	sdelay $0x1  }
0x154: {  	[tilespmem:v57+s18+$0x0] =	vst.idx.msk $0xffff, v58  }
0x155: {  	v9 =	vld [tilespmem:s29+$0xFFFFFFE0];
	[tilespmem:v55+s18+$0x0] =	vst.idx.msk $0xffff, v56  }
0x156: {  	v60 =	vor.u32 $0x7, v40;
	v8 =	vld [tilespmem:s29+$0xFFFFFEE0];
	[tilespmem:v59+s18+$0x0] =	vst.idx.msk $0xffff, v10  }
0x157: {  	v4 =	vadd.s32 v4, v46;
	v6 =	vld [tilespmem:s29+$0xE0];
	[tilespmem:v27+s18+$0x0] =	vst.idx.msk $0xffff, v5  }
0x158: {  	v4 =	vor.u32 $0x7, v4;
	v5 =	vld [tilespmem:s29+$0x1E0]  }
0x159: {  	[tilespmem:v3+s18+$0x0] =	vst.idx.msk $0xffff, v44  }
0x15a: {  	v3 =	vld [tilespmem:s25+$0x1F0];
	[tilespmem:v35+s18+$0x0] =	vst.idx.msk $0xffff, v9  }
0x15b: {  	v61 =	vld [tilespmem:s29+$0xFFFFFFF0];
	[tilespmem:v60+s18+$0x0] =	vst.idx.msk $0xffff, v8  }
0x15c: {  	v7 =	vld [tilespmem:s29+$0xFFFFFEF0];
	[tilespmem:v25+s18+$0x0] =	vst.idx.msk $0xffff, v6  }
0x15d: {  	v62 =	vor.u32 $0x7, v23;
	v6 =	vld [tilespmem:s29+$0xF0];
	[tilespmem:v4+s18+$0x0] =	vst.idx.msk $0xffff, v5  }
0x15e: {  	v63 =	vor.u32 $0x7, v26;
	[tilespmem:v48+s18+$0x0] =	vst.idx.msk $0xffff, v36;
	v5 =	vld [tilespmem:s29+$0x1F0]  }
0x15f: {  	s0 =	sshll.u32 s24, $0xA;
	s1 =	sshll.u32 s24, $0xC;
	[tilespmem:v34+s18+$0x0] =	vst.idx.msk $0xffff, v3  }
0x160: {  	s0 =	sand.u32 $0x3800, s0;
	s1 =	sand.u32 $0xFFF0000, s1;
	[tilespmem:v32+s18+$0x0] =	vst.idx.msk $0xffff, v61  }
0x161: {  	s1 =	sor.u32 s0, s1;
	[tilespmem:v29+s18+$0x0] =	vst.idx.msk $0xffff, v7  }
0x162: {  	s26 =	simm.s32 $0x10800;
	s25 =	sadd.s32 s2, s1;
	[tilespmem:v62+s18+$0x0] =	vst.idx.msk $0xffff, v6  }
0x163: {  	s28 =	simm.s32 $0x10;
	s30 =	sadd.s32 $0x0, s25;
	s29 =	simm.s32 $0x10888;
	[tilespmem:v63+s18+$0x0] =	vst.idx.msk $0xffff, v5  }
.LBB2_5:
0x164: {  	[hbm4b:s30+s3] =	stream.linear.scatter [tilespmem:s26], [sflag:$0x3], $0x80, $0x38;
	[tilespmem:$0x19000] =	vst v63  }
0x165: {  	s0 =	smov.u32 s28;
	s26 =	smov.u32 s29;
	p0 =	sne.s32 s28, $0x3F0  }
.Ltmp1:
0x166: {  	s28 =	sadd.s32 $0x10, s28;
	(pc) =	sbr.rel @p0 .LBB2_5-.Ltmp1, $2  }
0x167: {  	_ =	sdelay $0x2  }
0x168: {  	s29 =	sadd.s32 $0x88, s29;
	s30 =	sadd.s32 s0, s25  }
0x169: {  	[hbm4b:s30+s3] =	stream.linear.scatter [tilespmem:s26], [sflag:$0x3], $0x80, $0x38;
	[tilespmem:$0x19000] =	vst v63  }
0x16a: {  	s25 =	sadd.s32 s1, s8;
	_ =	swait.ge [sflag:s13], $0x2000  }
0x16b: {  	s26 =	simm.s32 $0x12A00;
	s28 =	simm.s32 $0x10;
	[sflag:s13] =	ssyncset.done $0x0  }
0x16c: {  	s29 =	simm.s32 $0x12A88;
	s30 =	sadd.s32 $0x0, s25;
	[sflag:s13] =	ssyncadd.s32 $0xFFFFE000  }
.LBB2_7:
0x16d: {  	[hbm4b:s30+s3] =	stream.linear.scatter [tilespmem:s26], [sflag:$0x3], $0x80, $0x38;
	[tilespmem:$0x19000] =	vst v63  }
0x16e: {  	s0 =	smov.u32 s28;
	s26 =	smov.u32 s29;
	p0 =	sne.s32 s28, $0x3F0  }
.Ltmp2:
0x16f: {  	s28 =	sadd.s32 $0x10, s28;
	(pc) =	sbr.rel @p0 .LBB2_7-.Ltmp2, $2  }
0x170: {  	_ =	sdelay $0x2  }
0x171: {  	s29 =	sadd.s32 $0x88, s29;
	s30 =	sadd.s32 s0, s25  }
0x172: {  	[hbm4b:s30+s3] =	stream.linear.scatter [tilespmem:s26], [sflag:$0x3], $0x80, $0x38;
	[tilespmem:$0x19000] =	vst v63  }
0x173: {  	s25 =	sadd.s32 s1, s9;
	_ =	swait.ge [sflag:s13], $0x2000  }
0x174: {  	s26 =	simm.s32 $0x14C00;
	s28 =	simm.s32 $0x10;
	[sflag:s13] =	ssyncset.done $0x0  }
0x175: {  	s29 =	simm.s32 $0x14C88;
	s30 =	sadd.s32 $0x0, s25;
	[sflag:s13] =	ssyncadd.s32 $0xFFFFE000  }
.LBB2_9:
0x176: {  	[hbm4b:s30+s3] =	stream.linear.scatter [tilespmem:s26], [sflag:$0x3], $0x80, $0x38;
	[tilespmem:$0x19000] =	vst v63  }
0x177: {  	s0 =	smov.u32 s28;
	s26 =	smov.u32 s29;
	p0 =	sne.s32 s28, $0x3F0  }
.Ltmp3:
0x178: {  	s28 =	sadd.s32 $0x10, s28;
	(pc) =	sbr.rel @p0 .LBB2_9-.Ltmp3, $2  }
0x179: {  	_ =	sdelay $0x2  }
0x17a: {  	s29 =	sadd.s32 $0x88, s29;
	s30 =	sadd.s32 s0, s25  }
0x17b: {  	[hbm4b:s30+s3] =	stream.linear.scatter [tilespmem:s26], [sflag:$0x3], $0x80, $0x38;
	[tilespmem:$0x19000] =	vst v63  }
0x17c: {  	s26 =	sadd.s32 s1, s10;
	_ =	swait.ge [sflag:s13], $0x2000  }
0x17d: {  	s1 =	simm.s32 $0x16E00;
	s28 =	simm.s32 $0x10;
	[sflag:s13] =	ssyncset.done $0x0  }
0x17e: {  	s29 =	simm.s32 $0x16E88;
	s25 =	sadd.s32 $0x0, s26;
	[sflag:s13] =	ssyncadd.s32 $0xFFFFE000  }
.LBB2_11:
0x17f: {  	[hbm4b:s25+s3] =	stream.linear.scatter [tilespmem:s1], [sflag:$0x3], $0x80, $0x38;
	[tilespmem:$0x19000] =	vst v63  }
0x180: {  	s0 =	smov.u32 s28;
	s1 =	smov.u32 s29;
	p0 =	sne.s32 s28, $0x3F0  }
.Ltmp4:
0x181: {  	s28 =	sadd.s32 $0x10, s28;
	(pc) =	sbr.rel @p0 .LBB2_11-.Ltmp4, $2  }
0x182: {  	_ =	sdelay $0x2  }
0x183: {  	s29 =	sadd.s32 $0x88, s29;
	s25 =	sadd.s32 s0, s26  }
0x184: {  	s0 =	simm.s32 $0x0;
	s7 =	simm.s32 $0x0  }
0x185: {  	s11 =	simm.s32 $0x8;
	s15 =	simm.s32 $0x10;
	s20 =	simm.s32 $0x17  }
0x186: {  	s0 =	sand.u32 $0x60, s0;
	v3 =	vmov s7;
	s29 =	sand.u32 $0x68, s11;
	s31 =	sand.u32 $0x70, s20  }
0x187: {  	s30 =	sand.u32 $0x70, s15;
	s15 =	simm.s32 $0xE;
	s20 =	simm.s32 $0x18;
	v4 =	vmov s0;
	v3 =	vmul.u32 $0x440, v3;
	v24 =	vmov s31  }
0x188: {  	v5 =	vmov s29;
	v6 =	vmov s30;
	s0 =	sand.u32 $0x68, s15;
	s7 =	sand.u32 $0x78, s20;
	v4 =	vshrl.u32 v4, $0x3  }
0x189: {  	v8 =	vmov s0;
	v6 =	vshrl.u32 v6, $0x3;
	v10 =	vmov s7  }
0x18a: {  	s26 =	simm.s32 $0x16;
	s30 =	simm.s32 $0x11;
	s20 =	simm.s32 $0xA;
	v7 =	vbroadcast v3, $0x0;
	v3 =	vshll.u32 v4, v1;
	v4 =	vshrl.u32 v5, $0x3  }
0x18b: {  	s0 =	sand.u32 $0x70, s26;
	s7 =	sand.u32 $0x70, s30;
	s26 =	sand.u32 $0x68, s20;
	v8 =	vshrl.u32 v8, $0x3;
	v26 =	vshrl.u32 v10, $0x3;
	v21 =	vshll.u32 v6, v1  }
0x18c: {  	v6 =	vmov s7;
	v11 =	vmov s26;
	v5 =	vbroadcast v3, $0x0  }
0x18d: {  	v4 =	vshll.u32 v4, v1;
	v23 =	vshll.u32 v8, v1;
	v6 =	vshrl.u32 v6, $0x3  }
0x18e: {  	s29 =	simm.s32 $0x9;
	v3 =	vadd.s32 v0, v7;
	v9 =	vbroadcast v4, $0x0;
	v4 =	vadd.s32 v2, v7  }
0x18f: {  	s31 =	simm.s32 $0x19;
	v7 =	vmov s0;
	s0 =	sand.u32 $0x68, s29;
	v6 =	vshll.u32 v6, v1;
	v31 =	vadd.s32 v5, v3  }
0x190: {  	s11 =	sand.u32 $0x78, s31;
	v20 =	vadd.s32 v5, v4;
	v28 =	vshrl.u32 v7, $0x3;
	v5 =	vmov s0  }
0x191: {  	s15 =	simm.s32 $0x1;
	v7 =	vmov s11;
	v6 =	vbroadcast v6, $0x0;
	v22 =	vadd.s32 v3, v9  }
0x192: {  	s0 =	sand.u32 $0x60, s15;
	v27 =	vadd.s32 v4, v9;
	v5 =	vshrl.u32 v5, $0x3;
	v7 =	vshrl.u32 v7, $0x3  }
0x193: {  	v8 =	vmov s0;
	v5 =	vshll.u32 v5, v1;
	v7 =	vshll.u32 v7, v1  }
0x194: {  	v10 =	vshrl.u32 v8, $0x3;
	v9 =	vadd.s32 v3, v6;
	v5 =	vbroadcast v5, $0x0  }
0x195: {  	v6 =	vadd.s32 v4, v6;
	v7 =	vbroadcast v7, $0x0;
	v33 =	vor.u32 $0x1, v9  }
0x196: {  	v9 =	vor.u32 $0x1, v6;
	v8 =	vadd.s32 v3, v5;
	v5 =	vadd.s32 v4, v5  }
0x197: {  	s29 =	simm.s32 $0x12;
	v6 =	vadd.s32 v3, v7;
	v7 =	vadd.s32 v4, v7;
	v29 =	vor.u32 $0x1, v8  }
0x198: {  	s0 =	sand.u32 $0x70, s29;
	v25 =	vor.u32 $0x1, v5;
	v8 =	vor.u32 $0x1, v6;
	v5 =	vor.u32 $0x1, v7  }
0x199: {  	v6 =	vshll.u32 v10, v1;
	v7 =	vshrl.u32 v11, $0x3;
	v10 =	vmov s0  }
0x19a: {  	v6 =	vbroadcast v6, $0x0;
	v7 =	vshll.u32 v7, v1;
	v10 =	vshrl.u32 v10, $0x3  }
0x19b: {  	s30 =	simm.s32 $0x1A;
	v7 =	vbroadcast v7, $0x0;
	v10 =	vshll.u32 v10, v1  }
0x19c: {  	s0 =	sand.u32 $0x78, s30;
	v12 =	vadd.s32 v3, v6;
	v6 =	vadd.s32 v4, v6;
	v10 =	vbroadcast v10, $0x0  }
0x19d: {  	[hbm4b:s25+s3] =	stream.linear.scatter [tilespmem:s1], [sflag:$0x3], $0x80, $0x38;
	v11 =	vmov s0;
	v30 =	vor.u32 $0x1, v6;
	v6 =	vadd.s32 v3, v7;
	[tilespmem:$0x19000] =	vst v63  }
0x19e: {  	s31 =	simm.s32 $0x2;
	v34 =	vor.u32 $0x2, v6;
	v6 =	vadd.s32 v4, v7;
	v7 =	vadd.s32 v4, v10  }
0x19f: {  	[tilespmem:$0x1FF60] =	vst v5;
	s0 =	sand.u32 $0x60, s31;
	v5 =	vor.u32 $0x2, v7;
	v7 =	vshrl.u32 v11, $0x3  }
0x1a0: {  	s7 =	simm.s32 $0xB;
	v11 =	vmov s0;
	v7 =	vshll.u32 v7, v1  }
0x1a1: {  	v10 =	vadd.s32 v3, v10;
	s0 =	sand.u32 $0x68, s7;
	v11 =	vshrl.u32 v11, $0x3;
	v7 =	vbroadcast v7, $0x0  }
0x1a2: {  	s15 =	simm.s32 $0x1B;
	v18 =	vor.u32 $0x2, v10;
	v10 =	vshll.u32 v11, v1;
	v11 =	vmov s0  }
0x1a3: {  	s0 =	sand.u32 $0x78, s15;
	v14 =	vbroadcast v10, $0x0;
	v10 =	vadd.s32 v3, v7;
	v7 =	vadd.s32 v4, v7  }
0x1a4: {  	[tilespmem:$0x1FF70] =	vst v5;
	v5 =	vor.u32 $0x2, v7;
	v7 =	vmov s0  }
0x1a5: {  	v24 =	vshrl.u32 v24, $0x3;
	s11 =	simm.s32 $0x13;
	v7 =	vshrl.u32 v7, $0x3  }
0x1a6: {  	p0 =	seq.s32 s21, $0x18;
	v24 =	vshll.u32 v24, v1;
	s7 =	sand.u32 $0x70, s11;
	[tilespmem:$0x1FF80] =	vst v5;
	v7 =	vshll.u32 v7, v1  }
0x1a7: {  	s25 =	simm.s32 $0x5;
	s1 =	sshll.u32 @!p0 s24, $0x7;
	v48 =	vbroadcast v21, $0x0;
	v13 =	vmov s7;
	_ =	swait.ge [sflag:s13], $0x2000;
	v7 =	vbroadcast v7, $0x0  }
0x1a8: {  	s1 =	sadd.s32 @!p0 s12, s1;
	s20 =	simm.s32 $0x3;
	v13 =	vshrl.u32 v13, $0x3;
	v11 =	vshrl.u32 v11, $0x3;
	v15 =	vadd.s32 v3, v14;
	[sflag:s13] =	ssyncset.done $0x0  }
0x1a9: {  	s7 =	simm.s32 @!p0 $0x0;
	v11 =	vshll.u32 v11, v1;
	s0 =	sand.u32 $0x60, s20;
	v32 =	vor.u32 $0x2, v15;
	[sflag:s13] =	ssyncadd.s32 $0xFFFFE000;
	v15 =	vadd.s32 v3, v7  }
0x1aa: {  	v14 =	vadd.s32 v4, v14;
	[tilespmem:s7], [sflag:$0x3] =	stream.linear.gather @!p0 [hbm4b:s1+s7], $0x400, $0x38;
	v16 =	vadd.s32 v4, v7;
	v5 =	vor.u32 $0x3, v15;
	[tilespmem:$0x19000] =	vst v63  }
0x1ab: {  	v37 =	vor.u32 $0x2, v14;
	v14 =	vmov s0;
	s0 =	sand.u32 $0x60, s25;
	[tilespmem:$0x1FF90] =	vst v5;
	v5 =	vor.u32 $0x3, v16  }
0x1ac: {  	s26 =	simm.s32 $0x4;
	s29 =	simm.s32 $0xC;
	v17 =	vshll.u32 v13, v1;
	v11 =	vbroadcast v11, $0x0;
	v15 =	vmov s0;
	s0 =	simm.s32 @!p0 $0x3;
	[tilespmem:$0x1FFA0] =	vst v5  }
0x1ad: {  	v26 =	vshll.u32 v26, v1;
	s31 =	simm.s32 $0x1C;
	v14 =	vshrl.u32 v14, $0x3;
	s1 =	sand.u32 $0x60, s26;
	v16 =	vbroadcast v17, $0x0;
	_ =	swait.ge @!p0 [sflag:s0], $0x400  }
0x1ae: {  	s15 =	sand.u32 $0x78, s31;
	v17 =	vmov s1;
	v39 =	vshrl.u32 v15, $0x3;
	v15 =	vadd.s32 v3, v11;
	s1 =	sand.u32 $0x68, s29;
	[sflag:s0] =	ssyncset.done @!p0 $0x0  }
0x1af: {  	v51 =	vor.u32 $0x3, v15;
	v15 =	vshrl.u32 v17, $0x3;
	v17 =	vmov s1;
	s1 =	simm.s32 @!p0 $0x800;
	[sflag:s0] =	ssyncadd.s32 @!p0 $0xFFFFFC00;
	s0 =	simm.s32 @!p0 $0x400  }
0x1b0: {  	v24 =	vbroadcast v24, $0x0;
	v23 =	vbroadcast v23, $0x0;
	v14 =	vshll.u32 v14, v1;
	[tilespmem:s1], [sflag:$0x1] =	stream.indirect.gather @!p0 [hbm4b:s5+s0], $0x20, s7, s0, $0xb8;
	[tilespmem:$0x19000] =	vst v63  }
0x1b1: {  	v28 =	vshll.u32 v28, v1;
	v49 =	vmov s15;
	s15 =	simm.s32 $0x6;
	v14 =	vbroadcast v14, $0x0;
	_ =	swait.ge [sflag:s19], $0x8000  }
0x1b2: {  	v26 =	vbroadcast v26, $0x0;
	v28 =	vbroadcast v28, $0x0;
	v35 =	vor.u32 $0x1, v12;
	s25 =	sand.u32 $0x60, s15;
	[sflag:s19] =	ssyncset.done $0x0  }
0x1b3: {  	s24 =	simm.s32 $0x8A00;
	v58 =	vmov s25;
	v41 =	vadd.s32 v3, v14;
	v54 =	vadd.s32 v4, v14;
	[sflag:s19] =	ssyncadd.s32 $0xFFFF8000  }
0x1b4: {  	v11 =	vadd.s32 v4, v11;
	v56 =	vor.u32 $0x3, v54;
	v54 =	vadd.s32 v4, v48;
	v46 =	vld [tilespmem:s24+$0xFFFFFE00]  }
0x1b5: {  	s30 =	simm.s32 $0x14;
	v39 =	vshll.u32 v39, v1;
	v19 =	vadd.s32 v3, v16;
	v38 =	vadd.s32 v4, v16  }
0x1b6: {  	s11 =	sand.u32 $0x70, s30;
	v15 =	vshll.u32 v15, v1;
	v17 =	vshrl.u32 v17, $0x3;
	v16 =	vor.u32 $0x3, v19  }
0x1b7: {  	v13 =	vor.u32 $0x3, v38;
	v19 =	vmov s11;
	v17 =	vshll.u32 v17, v1  }
0x1b8: {  	v38 =	vshrl.u32 v49, $0x3;
	v50 =	vbroadcast v15, $0x0;
	s11 =	simm.s32 $0x1D;
	v19 =	vshrl.u32 v19, $0x3  }
0x1b9: {  	v49 =	vadd.s32 v4, v23;
	v40 =	vbroadcast v17, $0x0;
	s20 =	sand.u32 $0x78, s11;
	v19 =	vshll.u32 v19, v1;
	v53 =	vld [tilespmem:s24+$0xFFFFFF00];
	[tilespmem:v31+s18+$0x0] =	vst.idx.msk $0xffff, v46  }
0x1ba: {  	s29 =	simm.s32 $0xD;
	v47 =	vadd.s32 v3, v50;
	v57 =	vmov s20;
	v17 =	vbroadcast v19, $0x0;
	v55 =	vld [tilespmem:s24+$0xFFFFFE10]  }
0x1bb: {  	s1 =	sand.u32 $0x68, s29;
	v19 =	vshll.u32 v38, v1;
	v15 =	vadd.s32 v3, v40;
	v38 =	vadd.s32 v4, v50  }
0x1bc: {  	v40 =	vadd.s32 v4, v40;
	v63 =	vmov s1;
	v42 =	vbroadcast v19, $0x0  }
0x1bd: {  	v45 =	vor.u32 $0x4, v15;
	v19 =	vadd.s32 v3, v17;
	v44 =	vadd.s32 v4, v17  }
0x1be: {  	v17 =	vor.u32 $0x4, v19;
	v19 =	vor.u32 $0x4, v44;
	v52 =	vadd.s32 v3, v42;
	[tilespmem:v22+s18+$0x0] =	vst.idx.msk $0xffff, v53  }
0x1bf: {  	s7 =	simm.s32 $0x15;
	v44 =	vor.u32 $0x4, v38;
	v38 =	vor.u32 $0x4, v40;
	v42 =	vadd.s32 v4, v42;
	v60 =	vld [tilespmem:s24+$0xFFFFFF10];
	[tilespmem:v20+s18+$0x0] =	vst.idx.msk $0xffff, v55  }
0x1c0: {  	s0 =	sand.u32 $0x70, s7;
	v40 =	vor.u32 $0x3, v41;
	v15 =	vor.u32 $0x4, v52;
	v52 =	vor.u32 $0x4, v47;
	v62 =	vld [tilespmem:s24+$0xFFFFFE20]  }
0x1c1: {  	v14 =	vor.u32 $0x4, v42;
	v31 =	vmov s0;
	v22 =	vshrl.u32 v58, $0x3  }
0x1c2: {  	v42 =	vshrl.u32 v57, $0x3;
	v31 =	vshrl.u32 v31, $0x3;
	v22 =	vshll.u32 v22, v1  }
0x1c3: {  	v47 =	vadd.s32 v3, v48;
	v31 =	vshll.u32 v31, v1;
	v61 =	vbroadcast v22, $0x0;
	v55 =	vld [tilespmem:s24+$0x0]  }
0x1c4: {  	v42 =	vshll.u32 v42, v1;
	v46 =	vadd.s32 v3, v23;
	v31 =	vbroadcast v31, $0x0;
	[tilespmem:v27+s18+$0x0] =	vst.idx.msk $0xffff, v60  }
0x1c5: {  	s26 =	simm.s32 $0x7;
	v23 =	vbroadcast v42, $0x0;
	v58 =	vadd.s32 v3, v26;
	v50 =	vadd.s32 v3, v61;
	v41 =	vld [tilespmem:s24+$0xFFFFFF20];
	[tilespmem:v35+s18+$0x0] =	vst.idx.msk $0xffff, v62  }
0x1c6: {  	s0 =	sand.u32 $0x60, s26;
	v57 =	vadd.s32 v4, v61;
	v59 =	vadd.s32 v3, v31;
	v31 =	vadd.s32 v4, v31;
	v35 =	vld [tilespmem:s24+$0xFFFFFE30]  }
0x1c7: {  	s30 =	simm.s32 $0xF;
	v22 =	vor.u32 $0x5, v59;
	v21 =	vor.u32 $0x5, v31;
	v31 =	vmov s0  }
0x1c8: {  	v20 =	vadd.s32 v3, v23;
	s0 =	sand.u32 $0x68, s30;
	v27 =	vshrl.u32 v31, $0x3;
	v31 =	vshrl.u32 v63, $0x3;
	[tilespmem:v47+s18+$0x0] =	vst.idx.msk $0xffff, v55  }
0x1c9: {  	s31 =	simm.s32 $0x1E;
	v53 =	vmov s0;
	v27 =	vshll.u32 v27, v1;
	v31 =	vshll.u32 v31, v1;
	v61 =	vld [tilespmem:s24+$0x10]  }
0x1ca: {  	s1 =	sand.u32 $0x78, s31;
	v42 =	vshrl.u32 v53, $0x3;
	v27 =	vbroadcast v27, $0x0;
	v31 =	vbroadcast v31, $0x0;
	[tilespmem:v29+s18+$0x0] =	vst.idx.msk $0xffff, v41  }
0x1cb: {  	v59 =	vadd.s32 v4, v26;
	v53 =	vmov s1;
	v42 =	vshll.u32 v42, v1;
	v29 =	vld [tilespmem:s24+$0xFFFFFF30];
	[tilespmem:v30+s18+$0x0] =	vst.idx.msk $0xffff, v35  }
0x1cc: {  	v26 =	vadd.s32 v3, v31;
	v60 =	vadd.s32 v3, v27;
	v27 =	vadd.s32 v4, v27;
	v41 =	vld [tilespmem:s24+$0xFFFFFE40]  }
0x1cd: {  	v48 =	vadd.s32 v4, v31;
	v31 =	vor.u32 $0x7, v27;
	v27 =	vshrl.u32 v53, $0x3  }
0x1ce: {  	s7 =	simm.s32 $0x1F;
	v27 =	vshll.u32 v27, v1;
	[tilespmem:v54+s18+$0x0] =	vst.idx.msk $0xffff, v61;
	v30 =	vbroadcast v42, $0x0;
	v35 =	vbroadcast v39, $0x0  }
0x1cf: {  	s0 =	sand.u32 $0x78, s7;
	v47 =	vor.u32 $0x6, v50;
	v53 =	vor.u32 $0x5, v26;
	v27 =	vbroadcast v27, $0x0;
	v50 =	vld [tilespmem:s24+$0x20]  }
0x1d0: {  	v63 =	vld [tilespmem:s24+$0x100];
	v42 =	vmov s0;
	[tilespmem:v25+s18+$0x0] =	vst.idx.msk $0xffff, v29;
	v26 =	vadd.s32 v3, v30;
	v55 =	vadd.s32 v3, v35  }
0x1d1: {  	v62 =	vadd.s32 v4, v35;
	v35 =	vor.u32 $0x7, v26;
	v26 =	vadd.s32 v4, v30;
	v30 =	vld [tilespmem:s24+$0xFFFFFF40];
	[tilespmem:v32+s18+$0x0] =	vst.idx.msk $0xffff, v41  }
0x1d2: {  	v23 =	vadd.s32 v4, v23;
	v29 =	vor.u32 $0x7, v26;
	v26 =	vshrl.u32 v42, $0x3;
	v5 =	vld [tilespmem:s24+$0xFFFFFE50]  }
0x1d3: {  	v39 =	vadd.s32 v3, v27;
	v27 =	vadd.s32 v4, v27;
	v26 =	vshll.u32 v26, v1  }
0x1d4: {  	v25 =	vadd.s32 v4, v24;
	v24 =	vadd.s32 v3, v24;
	[tilespmem:v33+s18+$0x0] =	vst.idx.msk $0xffff, v50;
	v42 =	vbroadcast v26, $0x0  }
0x1d5: {  	[tilespmem:v58+s18+$0x0] =	vst.idx.msk $0xffff, v63;
	v41 =	vadd.s32 v3, v28;
	v26 =	vor.u32 $0x7, v24;
	v24 =	vor.u32 $0x7, v60;
	v60 =	vld [tilespmem:s24+$0x30]  }
0x1d6: {  	v32 =	vadd.s32 v4, v28;
	v28 =	vor.u32 $0x6, v27;
	v27 =	vadd.s32 v4, v42;
	[tilespmem:v34+s18+$0x0] =	vst.idx.msk $0xffff, v30;
	v4 =	vld [tilespmem:s24+$0x110]  }
0x1d7: {  	v36 =	vor.u32 $0x2, v6;
	v3 =	vadd.s32 v3, v42;
	v42 =	vor.u32 $0x6, v57;
	v57 =	vld [tilespmem:s24+$0xFFFFFF50];
	[tilespmem:v37+s18+$0x0] =	vst.idx.msk $0xffff, v5  }
0x1d8: {  	s11 =	simm.s32 $0x0;
	v61 =	vor.u32 $0x6, v39;
	v39 =	vor.u32 $0x6, v49;
	v49 =	vor.u32 $0x6, v46;
	v46 =	vld [tilespmem:s24+$0xFFFFFE60]  }
0x1d9: {  	s15 =	simm.s32 $0x28;
	v30 =	vmov s11  }
0x1da: {  	s1 =	sand.u32 $0x68, s15;
	v30 =	vmul.u32 $0x440, v30;
	[tilespmem:v9+s18+$0x0] =	vst.idx.msk $0xffff, v60  }
0x1db: {  	s29 =	simm.s32 $0x30;
	v58 =	vmov s1;
	v9 =	vld [tilespmem:s24+$0x40];
	[tilespmem:v59+s18+$0x0] =	vst.idx.msk $0xffff, v4  }
0x1dc: {  	v63 =	vshrl.u32 v58, $0x3;
	s0 =	sand.u32 $0x70, s29;
	v30 =	vbroadcast v30, $0x0;
	[tilespmem:v36+s18+$0x0] =	vst.idx.msk $0xffff, v57;
	v36 =	vld [tilespmem:s24+$0x120]  }
0x1dd: {  	v12 =	vor.u32 $0x2, v10;
	s25 =	simm.s32 $0x20;
	s31 =	simm.s32 $0x2E;
	v63 =	vshll.u32 v63, v1;
	v33 =	vmov s0;
	v59 =	vld [tilespmem:s24+$0xFFFFFF60];
	[tilespmem:v40+s18+$0x0] =	vst.idx.msk $0xffff, v46  }
0x1de: {  	s20 =	sand.u32 $0x60, s25;
	s7 =	sand.u32 $0x68, s31;
	s15 =	simm.s32 $0x36;
	v58 =	vshrl.u32 v33, $0x3;
	v4 =	vadd.s32 v0, v30;
	v33 =	vadd.s32 v2, v30;
	v30 =	vld [tilespmem:s24+$0xFFFFFE70]  }
0x1df: {  	s26 =	simm.s32 $0x37;
	v54 =	vor.u32 $0x5, v62;
	v62 =	vmov s7;
	s0 =	sand.u32 $0x70, s15;
	s11 =	simm.s32 $0x38;
	v5 =	vmov s20  }
0x1e0: {  	s30 =	sand.u32 $0x70, s26;
	s26 =	simm.s32 $0x31;
	v50 =	vshrl.u32 v62, $0x3;
	v62 =	vmov s0;
	s1 =	sand.u32 $0x78, s11;
	v5 =	vshrl.u32 v5, $0x3;
	[tilespmem:v18+s18+$0x0] =	vst.idx.msk $0xffff, v9  }
0x1e1: {  	s20 =	simm.s32 $0x29;
	v5 =	vshll.u32 v5, v1;
	v40 =	vbroadcast v63, $0x0;
	v46 =	vmov s1;
	s1 =	sand.u32 $0x70, s26;
	s26 =	simm.s32 $0x8E00;
	[tilespmem:v8+s18+$0x0] =	vst.idx.msk $0xffff, v36  }
0x1e2: {  	v37 =	vor.u32 $0x6, v41;
	s0 =	sand.u32 $0x68, s20;
	v5 =	vbroadcast v5, $0x0;
	v41 =	vshrl.u32 v46, $0x3;
	v18 =	vld [tilespmem:s26+$0xFFFFFF00];
	[tilespmem:v51+s18+$0x0] =	vst.idx.msk $0xffff, v59  }
0x1e3: {  	v46 =	vshll.u32 v58, v1;
	v58 =	vmov s0;
	v6 =	vld [tilespmem:s26+$0xFFFFFE00];
	v10 =	vadd.s32 v4, v40;
	[tilespmem:v56+s18+$0x0] =	vst.idx.msk $0xffff, v30  }
0x1e4: {  	v57 =	vadd.s32 v5, v4;
	v58 =	vshrl.u32 v58, $0x3;
	v7 =	vld [tilespmem:$0x1FF60]  }
0x1e5: {  	v43 =	vor.u32 $0x3, v11;
	v58 =	vshll.u32 v58, v1;
	v59 =	vld [tilespmem:s24+$0xFFFFFF70]  }
0x1e6: {  	v56 =	vbroadcast v58, $0x0;
	v58 =	vld [tilespmem:s24+$0xFFFFFE80]  }
0x1e7: {  	v51 =	vld [tilespmem:s24+$0x130]  }
0x1e8: {  	[tilespmem:v10+s18+$0x0] =	vst.idx.msk $0xffff, v18  }
0x1e9: {  	[tilespmem:v57+s18+$0x0] =	vst.idx.msk $0xffff, v6  }
0x1ea: {  	[tilespmem:v43+s18+$0x0] =	vst.idx.msk $0xffff, v59  }
0x1eb: {  	s29 =	simm.s32 $0x39;
	v8 =	vmov s1;
	[tilespmem:v52+s18+$0x0] =	vst.idx.msk $0xffff, v58  }
0x1ec: {  	s7 =	sand.u32 $0x78, s29;
	v60 =	vadd.s32 v33, v40;
	v8 =	vshrl.u32 v8, $0x3;
	[tilespmem:v7+s18+$0x0] =	vst.idx.msk $0xffff, v51  }
0x1ed: {  	s31 =	simm.s32 $0x2A;
	v40 =	vshrl.u32 v62, $0x3;
	v62 =	vmov s7;
	v8 =	vshll.u32 v8, v1;
	v57 =	vld [tilespmem:$0x1FF70]  }
0x1ee: {  	v34 =	vmov s30;
	s30 =	simm.s32 $0x21;
	s1 =	sand.u32 $0x68, s31;
	v36 =	vshrl.u32 v62, $0x3;
	v8 =	vbroadcast v8, $0x0  }
0x1ef: {  	v63 =	vadd.s32 v5, v33;
	s0 =	sand.u32 $0x60, s30;
	s7 =	simm.s32 $0x32;
	v62 =	vmov s1;
	v36 =	vshll.u32 v36, v1  }
0x1f0: {  	v36 =	vbroadcast v36, $0x0;
	v30 =	vmov s0;
	v5 =	vadd.s32 v4, v8;
	s0 =	sand.u32 $0x70, s7;
	v7 =	vld [tilespmem:s24+$0x50]  }
0x1f1: {  	v8 =	vadd.s32 v33, v8;
	v18 =	vmov s0;
	v9 =	vadd.s32 v4, v56;
	v43 =	vld [tilespmem:s24+$0x140]  }
0x1f2: {  	v30 =	vshrl.u32 v30, $0x3;
	v6 =	vshrl.u32 v18, $0x3;
	v18 =	vld [tilespmem:s26+$0xFFFFFF10];
	v11 =	vor.u32 $0x1, v9  }
0x1f3: {  	v9 =	vor.u32 $0x1, v8;
	v52 =	vld [tilespmem:s24+$0xFFFFFF80];
	v51 =	vor.u32 $0x1, v5;
	v5 =	vadd.s32 v4, v36  }
0x1f4: {  	v10 =	vld [tilespmem:s24+$0xFFFFFE90];
	v36 =	vadd.s32 v33, v36;
	v8 =	vor.u32 $0x1, v5;
	v5 =	vshll.u32 v30, v1  }
0x1f5: {  	v30 =	vshrl.u32 v62, $0x3;
	v62 =	vbroadcast v5, $0x0;
	v5 =	vor.u32 $0x1, v36;
	v36 =	vld [tilespmem:s26+$0xFFFFFE10];
	[tilespmem:v57+s18+$0x0] =	vst.idx.msk $0xffff, v7  }
0x1f6: {  	s11 =	simm.s32 $0x3A;
	v30 =	vshll.u32 v30, v1;
	[tilespmem:v12+s18+$0x0] =	vst.idx.msk $0xffff, v43;
	v12 =	vld [tilespmem:s24+$0x60]  }
0x1f7: {  	s0 =	sand.u32 $0x78, s11;
	[tilespmem:v60+s18+$0x0] =	vst.idx.msk $0xffff, v18;
	v30 =	vbroadcast v30, $0x0  }
0x1f8: {  	s15 =	simm.s32 $0x22;
	[tilespmem:v45+s18+$0x0] =	vst.idx.msk $0xffff, v52;
	v43 =	vadd.s32 v33, v62;
	v7 =	vmov s0;
	v57 =	vadd.s32 v4, v62  }
0x1f9: {  	[tilespmem:v44+s18+$0x0] =	vst.idx.msk $0xffff, v10;
	v62 =	vadd.s32 v4, v30;
	v30 =	vadd.s32 v33, v30;
	s0 =	sand.u32 $0x60, s15;
	v52 =	vor.u32 $0x1, v57  }
0x1fa: {  	[tilespmem:v63+s18+$0x0] =	vst.idx.msk $0xffff, v36;
	v57 =	vor.u32 $0x1, v43;
	v43 =	vor.u32 $0x2, v30;
	v30 =	vmov s0  }
0x1fb: {  	v30 =	vshrl.u32 v30, $0x3;
	[tilespmem:v16+s18+$0x0] =	vst.idx.msk $0xffff, v12  }
0x1fc: {  	v12 =	vshll.u32 v30, v1;
	v30 =	vld [tilespmem:$0x1FF80];
	_ =	sdelay $0x2  }
0x1fd: {  	v45 =	vld [tilespmem:s24+$0x150]  }
0x1fe: {  	v10 =	vld [tilespmem:s24+$0xFFFFFF90]  }
0x1ff: {  	v55 =	vor.u32 $0x5, v55;
	v18 =	vld [tilespmem:s24+$0xFFFFFEA0]  }
0x200: {  	v59 =	vld [tilespmem:s26+$0xFFFFFF20]  }
0x201: {  	v60 =	vld [tilespmem:s26+$0xFFFFFE20]  }
0x202: {  	[tilespmem:v30+s18+$0x0] =	vst.idx.msk $0xffff, v45;
	v30 =	vld [tilespmem:s24+$0x70]  }
0x203: {  	[tilespmem:v38+s18+$0x0] =	vst.idx.msk $0xffff, v10  }
0x204: {  	[tilespmem:v55+s18+$0x0] =	vst.idx.msk $0xffff, v18  }
0x205: {  	v6 =	vshll.u32 v6, v1;
	[tilespmem:v11+s18+$0x0] =	vst.idx.msk $0xffff, v59  }
0x206: {  	v56 =	vadd.s32 v33, v56;
	v6 =	vbroadcast v6, $0x0;
	[tilespmem:v52+s18+$0x0] =	vst.idx.msk $0xffff, v60;
	v11 =	vld [tilespmem:s24+$0xFFFFFFA0]  }
0x207: {  	v48 =	vor.u32 $0x5, v48;
	s20 =	simm.s32 $0x2B;
	v56 =	vor.u32 $0x1, v56;
	v7 =	vshrl.u32 v7, $0x3;
	v52 =	vld [tilespmem:s26+$0xFFFFFF30];
	[tilespmem:v13+s18+$0x0] =	vst.idx.msk $0xffff, v30  }
0x208: {  	v44 =	vadd.s32 v33, v6;
	v36 =	vadd.s32 v4, v6;
	s0 =	sand.u32 $0x68, s20;
	v7 =	vshll.u32 v7, v1;
	v60 =	vld [tilespmem:$0x1FF90]  }
0x209: {  	v7 =	vbroadcast v7, $0x0;
	v16 =	vor.u32 $0x2, v36;
	v36 =	vmov s0;
	v13 =	vld [tilespmem:s24+$0xFFFFFEB0]  }
0x20a: {  	s30 =	simm.s32 $0x3B;
	v6 =	vor.u32 $0x2, v44;
	v44 =	vbroadcast v12, $0x0;
	v30 =	vshrl.u32 v36, $0x3;
	v36 =	vld [tilespmem:s24+$0x80]  }
0x20b: {  	s31 =	simm.s32 $0x23;
	v58 =	vor.u32 $0x2, v62;
	s0 =	sand.u32 $0x78, s30;
	v12 =	vadd.s32 v4, v7;
	v7 =	vadd.s32 v33, v7;
	v62 =	vld [tilespmem:s24+$0x160]  }
0x20c: {  	s29 =	simm.s32 $0x33;
	v10 =	vor.u32 $0x2, v7;
	v7 =	vmov s0;
	s0 =	sand.u32 $0x60, s31;
	v18 =	vadd.s32 v4, v44;
	[tilespmem:v53+s18+$0x0] =	vst.idx.msk $0xffff, v11;
	v53 =	vld [tilespmem:s26+$0xFFFFFE30]  }
0x20d: {  	s1 =	sand.u32 $0x70, s29;
	v55 =	vor.u32 $0x2, v18;
	v18 =	vmov s0;
	v30 =	vshll.u32 v30, v1;
	[tilespmem:v56+s18+$0x0] =	vst.idx.msk $0xffff, v52;
	v59 =	vld [tilespmem:s24+$0xFFFFFFB0]  }
0x20e: {  	v63 =	vmov s1;
	s1 =	simm.s32 $0x25;
	v18 =	vshrl.u32 v18, $0x3;
	v30 =	vbroadcast v30, $0x0;
	[tilespmem:v54+s18+$0x0] =	vst.idx.msk $0xffff, v13;
	v54 =	vld [tilespmem:s26+$0xFFFFFF40]  }
0x20f: {  	s0 =	sand.u32 $0x60, s1;
	v18 =	vshll.u32 v18, v1;
	[tilespmem:v17+s18+$0x0] =	vst.idx.msk $0xffff, v36  }
0x210: {  	v56 =	vbroadcast v18, $0x0;
	v18 =	vadd.s32 v4, v30;
	[tilespmem:v60+s18+$0x0] =	vst.idx.msk $0xffff, v62;
	v60 =	vmov s0  }
0x211: {  	v52 =	vshrl.u32 v60, $0x3;
	v60 =	vor.u32 $0x3, v18;
	v18 =	vld [tilespmem:$0x1FFA0];
	[tilespmem:v57+s18+$0x0] =	vst.idx.msk $0xffff, v53  }
0x212: {  	v20 =	vor.u32 $0x5, v20;
	v23 =	vor.u32 $0x5, v23;
	v50 =	vshll.u32 v50, v1;
	[tilespmem:v48+s18+$0x0] =	vst.idx.msk $0xffff, v59;
	v48 =	vld [tilespmem:s26+$0xFFFFFE40]  }
0x213: {  	v32 =	vor.u32 $0x6, v32;
	v50 =	vbroadcast v50, $0x0;
	v34 =	vshrl.u32 v34, $0x3;
	[tilespmem:v58+s18+$0x0] =	vst.idx.msk $0xffff, v54;
	v54 =	vld [tilespmem:s24+$0xFFFFFFC0]  }
0x214: {  	v3 =	vor.u32 $0x7, v3;
	v34 =	vshll.u32 v34, v1;
	v7 =	vshrl.u32 v7, $0x3;
	v45 =	vld [tilespmem:s24+$0x170]  }
0x215: {  	v34 =	vbroadcast v34, $0x0;
	v41 =	vshll.u32 v41, v1;
	v7 =	vshll.u32 v7, v1  }
0x216: {  	s7 =	simm.s32 $0x24;
	v44 =	vadd.s32 v33, v44;
	v7 =	vbroadcast v7, $0x0;
	v62 =	vshrl.u32 v63, $0x3  }
0x217: {  	v41 =	vbroadcast v41, $0x0;
	s15 =	simm.s32 $0x2C;
	v44 =	vor.u32 $0x2, v44;
	s1 =	sand.u32 $0x60, s7;
	v36 =	vld [tilespmem:s24+$0xFFFFFEC0];
	v38 =	vshll.u32 v62, v1;
	[tilespmem:v55+s18+$0x0] =	vst.idx.msk $0xffff, v48  }
0x218: {  	s20 =	simm.s32 $0x3C;
	v13 =	vmov s1;
	s1 =	sand.u32 $0x68, s15;
	v63 =	vadd.s32 v4, v7;
	v38 =	vbroadcast v38, $0x0;
	[tilespmem:v49+s18+$0x0] =	vst.idx.msk $0xffff, v54;
	v49 =	vld [tilespmem:s26+$0xFFFFFE50]  }
0x219: {  	s11 =	simm.s32 $0x34;
	s7 =	sand.u32 $0x78, s20;
	v13 =	vshrl.u32 v13, $0x3;
	v11 =	vor.u32 $0x3, v63;
	v62 =	vmov s1;
	[tilespmem:v18+s18+$0x0] =	vst.idx.msk $0xffff, v45;
	v45 =	vld [tilespmem:s24+$0x90]  }
0x21a: {  	s0 =	sand.u32 $0x70, s11;
	v63 =	vmov s7;
	v17 =	vadd.s32 v4, v38;
	v38 =	vadd.s32 v33, v38;
	v53 =	vld [tilespmem:s24+$0x180]  }
0x21b: {  	v18 =	vor.u32 $0x3, v17;
	v17 =	vor.u32 $0x3, v38;
	v38 =	vmov s0  }
0x21c: {  	v57 =	vshrl.u32 v62, $0x3;
	[tilespmem:v47+s18+$0x0] =	vst.idx.msk $0xffff, v36;
	v62 =	vshrl.u32 v63, $0x3;
	v63 =	vld [tilespmem:s26+$0xFFFFFF50];
	v38 =	vshrl.u32 v38, $0x3  }
0x21d: {  	v12 =	vor.u32 $0x2, v12;
	v13 =	vshll.u32 v13, v1;
	v38 =	vshll.u32 v38, v1;
	[tilespmem:v44+s18+$0x0] =	vst.idx.msk $0xffff, v49  }
0x21e: {  	v36 =	vshll.u32 v57, v1;
	v58 =	vld [tilespmem:s24+$0xFFFFFED0];
	v38 =	vbroadcast v38, $0x0;
	v44 =	vshll.u32 v52, v1;
	[tilespmem:v19+s18+$0x0] =	vst.idx.msk $0xffff, v45  }
0x21f: {  	v36 =	vbroadcast v36, $0x0;
	v19 =	vshll.u32 v62, v1;
	v45 =	vadd.s32 v4, v56;
	v47 =	vld [tilespmem:s24+$0xA0];
	[tilespmem:v15+s18+$0x0] =	vst.idx.msk $0xffff, v53  }
0x220: {  	v53 =	vbroadcast v13, $0x0;
	v59 =	vbroadcast v19, $0x0;
	v13 =	vadd.s32 v4, v38;
	v48 =	vld [tilespmem:s24+$0x190]  }
0x221: {  	[tilespmem:v43+s18+$0x0] =	vst.idx.msk $0xffff, v63;
	v63 =	vld [tilespmem:s24+$0xFFFFFFD0];
	v15 =	vadd.s32 v4, v36;
	v38 =	vadd.s32 v33, v38;
	v45 =	vor.u32 $0x3, v45  }
0x222: {  	v52 =	vld [tilespmem:s26+$0xFFFFFE60];
	v19 =	vor.u32 $0x4, v13;
	v13 =	vor.u32 $0x4, v38;
	v38 =	vadd.s32 v4, v59  }
0x223: {  	v30 =	vadd.s32 v33, v30;
	[tilespmem:v42+s18+$0x0] =	vst.idx.msk $0xffff, v58;
	v57 =	vor.u32 $0x4, v15;
	v15 =	vor.u32 $0x4, v38;
	v38 =	vld [tilespmem:s26+$0xFFFFFF60]  }
0x224: {  	s29 =	simm.s32 $0x35;
	v30 =	vor.u32 $0x3, v30;
	v7 =	vadd.s32 v33, v7;
	v62 =	vadd.s32 v4, v53;
	[tilespmem:v22+s18+$0x0] =	vst.idx.msk $0xffff, v47;
	v22 =	vld [tilespmem:s24+$0xFFFFFEE0]  }
0x225: {  	s30 =	simm.s32 $0x3D;
	v7 =	vor.u32 $0x3, v7;
	s0 =	sand.u32 $0x70, s29;
	v43 =	vadd.s32 v33, v53;
	v58 =	vadd.s32 v33, v59;
	[tilespmem:v14+s18+$0x0] =	vst.idx.msk $0xffff, v48;
	v48 =	vld [tilespmem:s24+$0xB0]  }
0x226: {  	s31 =	simm.s32 $0x26;
	s1 =	sand.u32 $0x78, s30;
	[tilespmem:v39+s18+$0x0] =	vst.idx.msk $0xffff, v63;
	v59 =	vadd.s32 v33, v56;
	v53 =	vor.u32 $0x4, v62;
	v62 =	vmov s0;
	v42 =	vld [tilespmem:s24+$0x1A0]  }
0x227: {  	s7 =	sand.u32 $0x60, s31;
	v55 =	vld [tilespmem:s24+$0xFFFFFFE0];
	v63 =	vshrl.u32 v62, $0x3;
	[tilespmem:v45+s18+$0x0] =	vst.idx.msk $0xffff, v52;
	v14 =	vor.u32 $0x4, v58;
	v58 =	vmov s1  }
0x228: {  	v47 =	vor.u32 $0x3, v59;
	v59 =	vmov s7;
	v49 =	vshrl.u32 v58, $0x3;
	[tilespmem:v60+s18+$0x0] =	vst.idx.msk $0xffff, v38  }
0x229: {  	v39 =	vshll.u32 v63, v1;
	v62 =	vshrl.u32 v59, $0x3;
	v63 =	vld [tilespmem:s26+$0xFFFFFF70];
	[tilespmem:v24+s18+$0x0] =	vst.idx.msk $0xffff, v22;
	v24 =	vshll.u32 v49, v1  }
0x22a: {  	v36 =	vadd.s32 v33, v36;
	[tilespmem:v21+s18+$0x0] =	vst.idx.msk $0xffff, v48;
	v56 =	vbroadcast v24, $0x0;
	v24 =	vshll.u32 v62, v1;
	v62 =	vld [tilespmem:s26+$0xFFFFFE70]  }
0x22b: {  	v44 =	vbroadcast v44, $0x0;
	v36 =	vor.u32 $0x4, v36;
	v59 =	vbroadcast v46, $0x0;
	v49 =	vld [tilespmem:s24+$0xC0];
	[tilespmem:v20+s18+$0x0] =	vst.idx.msk $0xffff, v42  }
0x22c: {  	v43 =	vor.u32 $0x4, v43;
	[tilespmem:v35+s18+$0x0] =	vst.idx.msk $0xffff, v55;
	v55 =	vadd.s32 v33, v41;
	v22 =	vbroadcast v39, $0x0;
	v60 =	vld [tilespmem:s24+$0x1B0]  }
0x22d: {  	v38 =	vadd.s32 v33, v50;
	v52 =	vadd.s32 v4, v59;
	v39 =	vadd.s32 v4, v50;
	v21 =	vld [tilespmem:s24+$0xFFFFFEF0]  }
0x22e: {  	v20 =	vadd.s32 v4, v22;
	v22 =	vadd.s32 v33, v22;
	v58 =	vbroadcast v24, $0x0;
	[tilespmem:v30+s18+$0x0] =	vst.idx.msk $0xffff, v63;
	v30 =	vld [tilespmem:s26+$0x0]  }
0x22f: {  	s15 =	simm.s32 $0x27;
	s11 =	simm.s32 $0x2D;
	v24 =	vor.u32 $0x5, v20;
	v20 =	vadd.s32 v4, v56;
	v48 =	vadd.s32 v33, v56;
	v45 =	vld [tilespmem:s26+$0xFFFFFF80];
	[tilespmem:v47+s18+$0x0] =	vst.idx.msk $0xffff, v62  }
0x230: {  	s0 =	sand.u32 $0x68, s11;
	s1 =	sand.u32 $0x60, s15;
	v22 =	vor.u32 $0x5, v22;
	v50 =	vadd.s32 v4, v58;
	v42 =	vadd.s32 v33, v58;
	[tilespmem:v37+s18+$0x0] =	vst.idx.msk $0xffff, v49;
	v47 =	vld [tilespmem:s26+$0xFFFFFE80]  }
0x231: {  	s20 =	simm.s32 $0x2F;
	v20 =	vor.u32 $0x5, v20;
	v63 =	vmov s0;
	v58 =	vmov s1;
	v49 =	vld [tilespmem:s24+$0xD0];
	[tilespmem:v23+s18+$0x0] =	vst.idx.msk $0xffff, v60  }
0x232: {  	s0 =	sand.u32 $0x68, s20;
	[tilespmem:v31+s18+$0x0] =	vst.idx.msk $0xffff, v21;
	v31 =	vadd.s32 v33, v59;
	v21 =	vor.u32 $0x5, v48;
	v48 =	vshrl.u32 v63, $0x3;
	v46 =	vld [tilespmem:s24+$0x1C0]  }
0x233: {  	v54 =	vld [tilespmem:s24+$0xFFFFFFF0];
	v62 =	vmov s0;
	v37 =	vshrl.u32 v58, $0x3;
	v48 =	vshll.u32 v48, v1;
	[tilespmem:v52+s18+$0x0] =	vst.idx.msk $0xffff, v30  }
0x234: {  	s31 =	simm.s32 $0x3F;
	s29 =	simm.s32 $0x3E;
	v63 =	vshrl.u32 v62, $0x3;
	v23 =	vshll.u32 v40, v1;
	v59 =	vshll.u32 v37, v1;
	[tilespmem:v57+s18+$0x0] =	vst.idx.msk $0xffff, v45;
	v45 =	vld [tilespmem:s26+$0x10]  }
0x235: {  	s30 =	sand.u32 $0x78, s29;
	s0 =	sand.u32 $0x78, s31;
	v60 =	vbroadcast v48, $0x0;
	v35 =	vbroadcast v59, $0x0;
	v30 =	vadd.s32 v4, v41;
	v58 =	vld [tilespmem:s26+$0xFFFFFF90];
	[tilespmem:v53+s18+$0x0] =	vst.idx.msk $0xffff, v47  }
0x236: {  	v59 =	vshll.u32 v63, v1;
	v63 =	vmov s0;
	v57 =	vmov s30;
	[tilespmem:v32+s18+$0x0] =	vst.idx.msk $0xffff, v49;
	v32 =	vld [tilespmem:s26+$0x100]  }
0x237: {  	v41 =	vadd.s32 v4, v60;
	v37 =	vadd.s32 v33, v60;
	v60 =	vshrl.u32 v57, $0x3;
	v57 =	vld [tilespmem:s26+$0xFFFFFE90];
	[tilespmem:v61+s18+$0x0] =	vst.idx.msk $0xffff, v46  }
0x238: {  	[tilespmem:v29+s18+$0x0] =	vst.idx.msk $0xffff, v54;
	v52 =	vbroadcast v23, $0x0;
	v23 =	vadd.s32 v4, v44;
	v62 =	vshll.u32 v60, v1;
	v47 =	vld [tilespmem:s24+$0x1D0]  }
0x239: {  	v40 =	vadd.s32 v4, v35;
	v29 =	vadd.s32 v33, v35;
	v35 =	vbroadcast v62, $0x0;
	v48 =	vld [tilespmem:s24+$0xE0];
	[tilespmem:v31+s18+$0x0] =	vst.idx.msk $0xffff, v45  }
0x23a: {  	v63 =	vshrl.u32 v63, $0x3;
	v29 =	vor.u32 $0x7, v29;
	v60 =	vadd.s32 v33, v44;
	[tilespmem:v36+s18+$0x0] =	vst.idx.msk $0xffff, v58;
	v36 =	vld [tilespmem:s26+$0x20]  }
0x23b: {  	v49 =	vor.u32 $0x5, v37;
	v61 =	vbroadcast v59, $0x0;
	v53 =	vadd.s32 v4, v35;
	[tilespmem:v30+s18+$0x0] =	vst.idx.msk $0xffff, v32  }
0x23c: {  	v31 =	vor.u32 $0x5, v41;
	v54 =	vadd.s32 v33, v35;
	v41 =	vadd.s32 v4, v52;
	v56 =	vld [tilespmem:s26+$0xFFFFFFA0];
	[tilespmem:v43+s18+$0x0] =	vst.idx.msk $0xffff, v57  }
0x23d: {  	v37 =	vor.u32 $0x6, v50;
	v45 =	vadd.s32 v4, v61;
	v61 =	vadd.s32 v33, v61;
	v62 =	vld [tilespmem:s26+$0x110];
	[tilespmem:v28+s18+$0x0] =	vst.idx.msk $0xffff, v47  }
0x23e: {  	v35 =	vor.u32 $0x7, v45;
	v45 =	vor.u32 $0x5, v23;
	v23 =	vadd.s32 v33, v34;
	[tilespmem:v26+s18+$0x0] =	vst.idx.msk $0xffff, v48;
	v44 =	vld [tilespmem:s24+$0x1E0]  }
0x23f: {  	v32 =	vor.u32 $0x7, v61;
	v30 =	vadd.s32 v33, v52;
	v26 =	vshll.u32 v63, v1;
	[tilespmem:v51+s18+$0x0] =	vst.idx.msk $0xffff, v36;
	v36 =	vld [tilespmem:s24+$0xF0]  }
0x240: {  	v48 =	vor.u32 $0x7, v25;
	v28 =	vadd.s32 v4, v34;
	v46 =	vbroadcast v26, $0x0;
	v51 =	vld [tilespmem:s26+$0xFFFFFEA0]  }
0x241: {  	v34 =	vor.u32 $0x7, v27;
	v27 =	vor.u32 $0x6, v54;
	v47 =	vor.u32 $0x5, v60;
	[tilespmem:v31+s18+$0x0] =	vst.idx.msk $0xffff, v56;
	v52 =	vld [tilespmem:s26+$0x30]  }
0x242: {  	s28 =	simm.s32 $0x8E00;
	v25 =	vor.u32 $0x7, v28;
	v28 =	vor.u32 $0x6, v53;
	v26 =	vadd.s32 v33, v46;
	v50 =	vld [tilespmem:s26+$0xFFFFFFB0];
	[tilespmem:v55+s18+$0x0] =	vst.idx.msk $0xffff, v62  }
.LBB2_13:
0x243: {  	s0 =	sadd.s32 $0x28, s25  }
0x244: {  	s1 =	sadd.s32 $0x30, s25;
	v43 =	vor.u32 $0x7, v40;
	v30 =	vor.u32 $0x6, v30;
	v31 =	vld [tilespmem:s26+$0x120];
	v4 =	vadd.s32 v4, v46;
	[tilespmem:v3+s18+$0x0] =	vst.idx.msk $0xffff, v44;
	s29 =	smov.u32 s25;
	s25 =	sadd.s32 $0x20, s25  }
0x245: {  	v44 =	vor.u32 $0x6, v42;
	v46 =	vor.u32 $0x6, v38;
	s7 =	sshrl.u32 s25, $0x7;
	s11 =	sand.u32 $0x60, s25;
	s15 =	sadd.s32 $0x37, s29;
	v3 =	vor.u32 $0x7, v4;
	[tilespmem:v48+s18+$0x0] =	vst.idx.msk $0xffff, v36;
	v4 =	vld [tilespmem:s24+$0x1F0]  }
0x246: {  	v39 =	vor.u32 $0x6, v39;
	s0 =	sand.u32 $0x68, s0;
	v33 =	vmov s7;
	v36 =	vmov s11;
	s7 =	sand.u32 $0x70, s1;
	s1 =	sand.u32 $0x70, s15;
	[tilespmem:v9+s18+$0x0] =	vst.idx.msk $0xffff, v52  }
0x247: {  	s20 =	sadd.s32 $0x38, s29;
	s11 =	sadd.s32 $0x27, s29;
	s15 =	sadd.s32 $0x36, s29;
	v9 =	vshrl.u32 v36, $0x3;
	v38 =	vmul.u32 $0x440, v33;
	v33 =	vmov s1;
	[tilespmem:v49+s18+$0x0] =	vst.idx.msk $0xffff, v50;
	v40 =	vld [tilespmem:s26+$0x40]  }
0x248: {  	s30 =	sadd.s32 $0x2F, s29;
	v42 =	vmov s0;
	s0 =	sadd.s32 $0x2E, s29;
	s1 =	sand.u32 $0x60, s11;
	v48 =	vmov s7;
	v36 =	vor.u32 $0x6, v41;
	[tilespmem:v45+s18+$0x0] =	vst.idx.msk $0xffff, v51;
	v45 =	vld [tilespmem:s26+$0xFFFFFFC0]  }
0x249: {  	p0 =	slt.u32 s25, $0x3E0;
	v41 =	vshrl.u32 v42, $0x3;
	s0 =	sand.u32 $0x68, s0;
	v9 =	vshll.u32 v9, v1;
	s26 =	sadd.s32 $0x400, s26;
	v38 =	vbroadcast v38, $0x0;
	v42 =	vld [tilespmem:s28+$0xFFFFFEB0];
	[tilespmem:v8+s18+$0x0] =	vst.idx.msk $0xffff, v31  }
0x24a: {  	s24 =	smov.u32 s28;
	v48 =	vshrl.u32 v48, $0x3;
	v9 =	vbroadcast v9, $0x0;
	v31 =	vmov s0;
	s28 =	smov.u32 s26;
	v8 =	vld [tilespmem:s26+$0xFFFFFE00];
	[tilespmem:v34+s18+$0x0] =	vst.idx.msk $0xffff, v4  }
0x24b: {  	s0 =	sand.u32 $0x78, s20;
	v34 =	vshll.u32 v41, v1;
	v41 =	vshrl.u32 v31, $0x3;
	v4 =	vadd.s32 v0, v38;
	v49 =	vld [tilespmem:s24+$0x130]  }
0x24c: {  	s7 =	sand.u32 $0x70, s15;
	v52 =	vmov s0;
	v51 =	vbroadcast v34, $0x0;
	v50 =	vadd.s32 v9, v4;
	[tilespmem:v16+s18+$0x0] =	vst.idx.msk $0xffff, v40  }
0x24d: {  	v31 =	vadd.s32 v2, v38;
	v38 =	vshll.u32 v41, v1;
	v16 =	vmov s7;
	[tilespmem:v39+s18+$0x0] =	vst.idx.msk $0xffff, v45;
	v39 =	vld [tilespmem:s24+$0x50]  }
0x24e: {  	s11 =	sadd.s32 $0x39, s29;
	s0 =	sadd.s32 $0x29, s29;
	v53 =	vadd.s32 v9, v31;
	s7 =	sadd.s32 $0x31, s29;
	v40 =	vshrl.u32 v52, $0x3;
	v54 =	vadd.s32 v4, v51;
	v34 =	vld [tilespmem:s26+$0x100];
	[tilespmem:v47+s18+$0x0] =	vst.idx.msk $0xffff, v42  }
0x24f: {  	s11 =	sand.u32 $0x78, s11;
	s0 =	sand.u32 $0x68, s0;
	s7 =	sand.u32 $0x70, s7;
	v41 =	vshrl.u32 v16, $0x3;
	v47 =	vadd.s32 v31, v51;
	v42 =	vshll.u32 v48, v1;
	v9 =	vld [tilespmem:s24+$0xFFFFFEC0]  }
0x250: {  	v16 =	vmov s0;
	v45 =	vmov s7;
	v48 =	vmov s11;
	[tilespmem:v5+s18+$0x0] =	vst.idx.msk $0xffff, v49  }
0x251: {  	s0 =	sadd.s32 $0x21, s29;
	v5 =	vshrl.u32 v16, $0x3;
	v16 =	vshrl.u32 v45, $0x3;
	v45 =	vshrl.u32 v48, $0x3;
	v48 =	vld [tilespmem:s24+$0x140]  }
0x252: {  	s0 =	sand.u32 $0x60, s0;
	s7 =	sadd.s32 $0x2A, s29;
	v5 =	vshll.u32 v5, v1;
	v16 =	vshll.u32 v16, v1;
	v45 =	vshll.u32 v45, v1;
	v49 =	vld [tilespmem:s26+$0xFFFFFF00]  }
0x253: {  	v5 =	vbroadcast v5, $0x0;
	v16 =	vbroadcast v16, $0x0;
	[tilespmem:v50+s18+$0x0] =	vst.idx.msk $0xffff, v8;
	v8 =	vmov s0;
	s0 =	sand.u32 $0x68, s7;
	v50 =	vld [tilespmem:s24+$0xFFFFFFD0]  }
0x254: {  	v51 =	vshrl.u32 v8, $0x3;
	v52 =	vmov s0;
	v8 =	vbroadcast v45, $0x0;
	[tilespmem:v37+s18+$0x0] =	vst.idx.msk $0xffff, v9  }
0x255: {  	v9 =	vadd.s32 v4, v5;
	v5 =	vadd.s32 v31, v5;
	v37 =	vadd.s32 v4, v16;
	v55 =	vld [tilespmem:s24+$0xFFFFFED0]  }
0x256: {  	v57 =	vor.u32 $0x1, v9;
	v37 =	vor.u32 $0x1, v37;
	v9 =	vadd.s32 v31, v16;
	v56 =	vld [tilespmem:s26+$0xFFFFFE10];
	[tilespmem:v12+s18+$0x0] =	vst.idx.msk $0xffff, v48  }
0x257: {  	s0 =	sadd.s32 $0x32, s29;
	v9 =	vor.u32 $0x1, v9;
	v12 =	vadd.s32 v4, v8;
	v16 =	vadd.s32 v31, v8;
	v48 =	vld [tilespmem:s24+$0x150]  }
0x258: {  	v45 =	vor.u32 $0x1, v5;
	s0 =	sand.u32 $0x70, s0;
	v8 =	vor.u32 $0x1, v12;
	v5 =	vor.u32 $0x1, v16;
	[tilespmem:v6+s18+$0x0] =	vst.idx.msk $0xffff, v39  }
0x259: {  	v12 =	vshrl.u32 v52, $0x3;
	v16 =	vmov s0;
	s0 =	sadd.s32 $0x3A, s29;
	v6 =	vshll.u32 v51, v1;
	[tilespmem:v46+s18+$0x0] =	vst.idx.msk $0xffff, v50  }
0x25a: {  	v12 =	vshll.u32 v12, v1;
	v16 =	vshrl.u32 v16, $0x3;
	s0 =	sand.u32 $0x78, s0;
	v6 =	vbroadcast v6, $0x0;
	[tilespmem:v54+s18+$0x0] =	vst.idx.msk $0xffff, v49;
	v46 =	vld [tilespmem:s24+$0x60]  }
0x25b: {  	v12 =	vbroadcast v12, $0x0;
	v16 =	vshll.u32 v16, v1;
	v50 =	vmov s0;
	[tilespmem:v53+s18+$0x0] =	vst.idx.msk $0xffff, v56;
	v49 =	vld [tilespmem:s26+$0xFFFFFF10]  }
0x25c: {  	v16 =	vbroadcast v16, $0x0;
	v39 =	vadd.s32 v4, v6;
	v6 =	vadd.s32 v31, v6;
	v51 =	vld [tilespmem:s26+$0xFFFFFE20];
	[tilespmem:v10+s18+$0x0] =	vst.idx.msk $0xffff, v48  }
0x25d: {  	v10 =	vor.u32 $0x1, v39;
	v48 =	vor.u32 $0x1, v6;
	v6 =	vadd.s32 v4, v12;
	[tilespmem:v44+s18+$0x0] =	vst.idx.msk $0xffff, v55;
	v52 =	vld [tilespmem:s24+$0x160]  }
0x25e: {  	s0 =	sadd.s32 $0x22, s29;
	v44 =	vor.u32 $0x2, v6;
	v6 =	vadd.s32 v31, v12;
	v12 =	vadd.s32 v31, v16;
	v53 =	vld [tilespmem:s24+$0xFFFFFEE0]  }
0x25f: {  	s0 =	sand.u32 $0x60, s0;
	v39 =	vor.u32 $0x2, v6;
	v6 =	vor.u32 $0x2, v12;
	v12 =	vshrl.u32 v50, $0x3;
	v50 =	vld [tilespmem:s24+$0xFFFFFFE0];
	[tilespmem:v18+s18+$0x0] =	vst.idx.msk $0xffff, v46  }
0x260: {  	s7 =	sadd.s32 $0x33, s29;
	v16 =	vadd.s32 v4, v16;
	v18 =	vmov s0;
	s0 =	sadd.s32 $0x2B, s29;
	v12 =	vshll.u32 v12, v1;
	[tilespmem:v47+s18+$0x0] =	vst.idx.msk $0xffff, v49;
	v46 =	vld [tilespmem:s24+$0x70]  }
0x261: {  	s7 =	sand.u32 $0x70, s7;
	v16 =	vor.u32 $0x2, v16;
	v18 =	vshrl.u32 v18, $0x3;
	s0 =	sand.u32 $0x68, s0;
	v12 =	vbroadcast v12, $0x0;
	v47 =	vld [tilespmem:s26+$0xFFFFFF20]  }
0x262: {  	v49 =	vmov s7;
	[tilespmem:v10+s18+$0x0] =	vst.idx.msk $0xffff, v51;
	v10 =	vshll.u32 v18, v1;
	v18 =	vmov s0;
	s0 =	sadd.s32 $0x3B, s29  }
0x263: {  	v55 =	vadd.s32 v31, v12;
	v51 =	vld [tilespmem:s26+$0xFFFFFE30];
	v54 =	vbroadcast v10, $0x0;
	v10 =	vadd.s32 v4, v12;
	s0 =	sand.u32 $0x78, s0;
	[tilespmem:v11+s18+$0x0] =	vst.idx.msk $0xffff, v52  }
0x264: {  	v12 =	vor.u32 $0x2, v10;
	v10 =	vor.u32 $0x2, v55;
	v11 =	vmov s0;
	[tilespmem:v43+s18+$0x0] =	vst.idx.msk $0xffff, v53;
	v43 =	vld [tilespmem:s24+$0x170]  }
0x265: {  	s0 =	sadd.s32 $0x23, s29;
	v52 =	vadd.s32 v4, v54;
	v53 =	vadd.s32 v31, v54;
	v11 =	vshrl.u32 v11, $0x3;
	v54 =	vld [tilespmem:s24+$0xFFFFFEF0];
	[tilespmem:v17+s18+$0x0] =	vst.idx.msk $0xffff, v46  }
0x266: {  	s0 =	sand.u32 $0x60, s0;
	v17 =	vor.u32 $0x2, v52;
	v46 =	vor.u32 $0x2, v53;
	[tilespmem:v57+s18+$0x0] =	vst.idx.msk $0xffff, v47;
	v11 =	vshll.u32 v11, v1;
	v47 =	vld [tilespmem:s24+$0x80]  }
0x267: {  	v18 =	vshrl.u32 v18, $0x3;
	v52 =	vmov s0;
	v53 =	vld [tilespmem:s26+$0xFFFFFF30];
	v11 =	vbroadcast v11, $0x0;
	[tilespmem:v35+s18+$0x0] =	vst.idx.msk $0xffff, v50  }
0x268: {  	v18 =	vshll.u32 v18, v1;
	v35 =	vshrl.u32 v52, $0x3;
	[tilespmem:v48+s18+$0x0] =	vst.idx.msk $0xffff, v51;
	v48 =	vshrl.u32 v49, $0x3;
	v49 =	vld [tilespmem:s24+$0xFFFFFFF0]  }
0x269: {  	s0 =	sadd.s32 $0x25, s29;
	v35 =	vshll.u32 v35, v1;
	v50 =	vld [tilespmem:s26+$0xFFFFFE40];
	v51 =	vadd.s32 v4, v11;
	v52 =	vadd.s32 v31, v11  }
0x26a: {  	s7 =	sadd.s32 $0x24, s29;
	s0 =	sand.u32 $0x60, s0;
	v48 =	vshll.u32 v48, v1;
	v11 =	vor.u32 $0x3, v51;
	[tilespmem:v7+s18+$0x0] =	vst.idx.msk $0xffff, v43;
	v7 =	vor.u32 $0x3, v52  }
0x26b: {  	s7 =	sand.u32 $0x60, s7;
	v18 =	vbroadcast v18, $0x0;
	v43 =	vmov s0;
	v48 =	vbroadcast v48, $0x0;
	[tilespmem:v19+s18+$0x0] =	vst.idx.msk $0xffff, v47  }
0x26c: {  	v47 =	vbroadcast v35, $0x0;
	v19 =	vmov s7;
	v51 =	vshrl.u32 v43, $0x3;
	[tilespmem:v45+s18+$0x0] =	vst.idx.msk $0xffff, v53;
	v35 =	vld [tilespmem:s24+$0x90]  }
0x26d: {  	v45 =	vadd.s32 v4, v18;
	v52 =	vadd.s32 v4, v48;
	v48 =	vadd.s32 v31, v48;
	v43 =	vld [tilespmem:s26+$0xFFFFFF40]  }
0x26e: {  	s11 =	sadd.s32 $0x3C, s29;
	s0 =	sadd.s32 $0x2C, s29;
	s7 =	sadd.s32 $0x34, s29;
	v45 =	vor.u32 $0x3, v45;
	[tilespmem:v17+s18+$0x0] =	vst.idx.msk $0xffff, v50;
	v17 =	vadd.s32 v31, v18;
	v18 =	vor.u32 $0x3, v52;
	v50 =	vld [tilespmem:s24+$0x180]  }
0x26f: {  	s11 =	sand.u32 $0x78, s11;
	s0 =	sand.u32 $0x68, s0;
	v19 =	vshrl.u32 v19, $0x3;
	s7 =	sand.u32 $0x70, s7;
	v52 =	vld [tilespmem:s26+$0xFFFFFE50];
	v53 =	vor.u32 $0x3, v17;
	v17 =	vor.u32 $0x3, v48;
	[tilespmem:v29+s18+$0x0] =	vst.idx.msk $0xffff, v54  }
0x270: {  	v29 =	vmov s0;
	v48 =	vmov s7;
	v54 =	vmov s11;
	[tilespmem:v32+s18+$0x0] =	vst.idx.msk $0xffff, v49  }
0x271: {  	v19 =	vshll.u32 v19, v1;
	v29 =	vshrl.u32 v29, $0x3;
	v32 =	vshrl.u32 v48, $0x3;
	[tilespmem:v13+s18+$0x0] =	vst.idx.msk $0xffff, v35  }
0x272: {  	v13 =	vshll.u32 v29, v1;
	v29 =	vshll.u32 v32, v1;
	v32 =	vshrl.u32 v54, $0x3;
	[tilespmem:v44+s18+$0x0] =	vst.idx.msk $0xffff, v43;
	v35 =	vld [tilespmem:s24+$0xA0]  }
0x273: {  	v44 =	vbroadcast v13, $0x0;
	v13 =	vbroadcast v29, $0x0;
	v29 =	vshll.u32 v32, v1;
	v43 =	vld [tilespmem:s26+$0xFFFFFF50];
	[tilespmem:v15+s18+$0x0] =	vst.idx.msk $0xffff, v50  }
0x274: {  	v32 =	vbroadcast v19, $0x0;
	v29 =	vbroadcast v29, $0x0;
	[tilespmem:v46+s18+$0x0] =	vst.idx.msk $0xffff, v52;
	v46 =	vadd.s32 v4, v47;
	v48 =	vld [tilespmem:s24+$0x190]  }
0x275: {  	v15 =	vadd.s32 v4, v44;
	v19 =	vadd.s32 v4, v13;
	v13 =	vadd.s32 v31, v13;
	v49 =	vld [tilespmem:s26+$0xFFFFFE60]  }
0x276: {  	v19 =	vor.u32 $0x4, v19;
	v13 =	vor.u32 $0x4, v13;
	v50 =	vadd.s32 v4, v29  }
0x277: {  	v52 =	vadd.s32 v4, v32;
	v54 =	vor.u32 $0x4, v15;
	v15 =	vor.u32 $0x4, v50;
	[tilespmem:v24+s18+$0x0] =	vst.idx.msk $0xffff, v35  }
0x278: {  	v35 =	vor.u32 $0x4, v52;
	v24 =	vadd.s32 v31, v32;
	v32 =	vadd.s32 v31, v44;
	[tilespmem:v39+s18+$0x0] =	vst.idx.msk $0xffff, v43;
	v39 =	vld [tilespmem:s24+$0xB0]  }
0x279: {  	s0 =	sadd.s32 $0x35, s29;
	v29 =	vadd.s32 v31, v29;
	v43 =	vor.u32 $0x4, v24;
	v32 =	vor.u32 $0x4, v32;
	v24 =	vld [tilespmem:s26+$0xFFFFFF60];
	[tilespmem:v14+s18+$0x0] =	vst.idx.msk $0xffff, v48  }
0x27a: {  	s7 =	sadd.s32 $0x3D, s29;
	s0 =	sand.u32 $0x70, s0;
	v44 =	vor.u32 $0x3, v46;
	v46 =	vadd.s32 v31, v47;
	v14 =	vor.u32 $0x4, v29;
	v29 =	vld [tilespmem:s24+$0x1A0]  }
0x27b: {  	s11 =	sadd.s32 $0x26, s29;
	v47 =	vshll.u32 v51, v1;
	v46 =	vor.u32 $0x3, v46;
	v48 =	vmov s0;
	s0 =	sand.u32 $0x78, s7  }
0x27c: {  	v50 =	vbroadcast v38, $0x0;
	s7 =	sand.u32 $0x60, s11;
	v38 =	vshrl.u32 v48, $0x3;
	v48 =	vmov s0  }
0x27d: {  	v51 =	vmov s7;
	v52 =	vshll.u32 v38, v1;
	v48 =	vshrl.u32 v48, $0x3;
	[tilespmem:v22+s18+$0x0] =	vst.idx.msk $0xffff, v39  }
0x27e: {  	v38 =	vadd.s32 v31, v50;
	v22 =	vbroadcast v52, $0x0;
	[tilespmem:v45+s18+$0x0] =	vst.idx.msk $0xffff, v24;
	v24 =	vshll.u32 v48, v1;
	v45 =	vld [tilespmem:s24+$0xC0]  }
0x27f: {  	v39 =	vadd.s32 v4, v50;
	[tilespmem:v44+s18+$0x0] =	vst.idx.msk $0xffff, v49;
	v44 =	vshrl.u32 v51, $0x3;
	v48 =	vld [tilespmem:s26+$0xFFFFFF70];
	v49 =	vbroadcast v24, $0x0  }
0x280: {  	v50 =	vld [tilespmem:s26+$0xFFFFFE70];
	v24 =	vshll.u32 v44, v1;
	v44 =	vadd.s32 v4, v22;
	v22 =	vadd.s32 v31, v22  }
0x281: {  	v51 =	vbroadcast v24, $0x0;
	v24 =	vor.u32 $0x5, v44;
	v44 =	vadd.s32 v4, v49;
	[tilespmem:v20+s18+$0x0] =	vst.idx.msk $0xffff, v29  }
0x282: {  	v29 =	vbroadcast v42, $0x0;
	v22 =	vor.u32 $0x5, v22;
	v20 =	vor.u32 $0x5, v44;
	v44 =	vld [tilespmem:s24+$0x1B0]  }
0x283: {  	s0 =	sadd.s32 $0x2D, s29;
	v49 =	vadd.s32 v31, v49;
	v55 =	vadd.s32 v4, v51;
	v42 =	vadd.s32 v31, v51  }
0x284: {  	s0 =	sand.u32 $0x68, s0;
	v51 =	vadd.s32 v4, v29;
	v52 =	vadd.s32 v31, v29;
	v29 =	vor.u32 $0x5, v49;
	[tilespmem:v53+s18+$0x0] =	vst.idx.msk $0xffff, v48;
	v48 =	vld [tilespmem:s26+$0x0]  }
0x285: {  	v40 =	vshll.u32 v40, v1;
	[tilespmem:v46+s18+$0x0] =	vst.idx.msk $0xffff, v50;
	v46 =	vmov s1;
	v49 =	vld [tilespmem:s26+$0xFFFFFF80];
	v50 =	vmov s0  }
0x286: {  	v41 =	vshll.u32 v41, v1;
	v53 =	vld [tilespmem:s26+$0xFFFFFE80];
	v46 =	vshrl.u32 v46, $0x3;
	v50 =	vshrl.u32 v50, $0x3;
	[tilespmem:v36+s18+$0x0] =	vst.idx.msk $0xffff, v45  }
0x287: {  	v40 =	vbroadcast v40, $0x0;
	s0 =	sand.u32 $0x68, s30;
	s1 =	sadd.s32 $0x3E, s29;
	v36 =	vshll.u32 v46, v1;
	v45 =	vshll.u32 v50, v1;
	v46 =	vld [tilespmem:s24+$0xD0];
	[tilespmem:v21+s18+$0x0] =	vst.idx.msk $0xffff, v44  }
0x288: {  	v21 =	vmovc v29;
	v36 =	vbroadcast v36, $0x0;
	v44 =	vbroadcast v45, $0x0;
	v45 =	vmov s0;
	s0 =	sand.u32 $0x78, s1;
	v50 =	vld [tilespmem:s24+$0x1C0]  }
0x289: {  	v56 =	vadd.s32 v31, v40;
	v29 =	vshrl.u32 v45, $0x3;
	[tilespmem:v51+s18+$0x0] =	vst.idx.msk $0xffff, v48;
	v48 =	vadd.s32 v4, v40  }
0x28a: {  	v51 =	vmov s0;
	[tilespmem:v54+s18+$0x0] =	vst.idx.msk $0xffff, v49;
	v45 =	vadd.s32 v4, v44;
	v49 =	vadd.s32 v31, v44;
	v44 =	vld [tilespmem:s26+$0x10]  }
0x28b: {  	v40 =	vadd.s32 v4, v36;
	v36 =	vadd.s32 v31, v36;
	v57 =	vshll.u32 v29, v1;
	v54 =	vld [tilespmem:s26+$0xFFFFFF90]  }
0x28c: {  	v33 =	vshrl.u32 v33, $0x3;
	s0 =	sadd.s32 $0x3F, s29;
	v29 =	vor.u32 $0x7, v36;
	v36 =	vshrl.u32 v51, $0x3;
	[tilespmem:v30+s18+$0x0] =	vst.idx.msk $0xffff, v46  }
0x28d: {  	v33 =	vshll.u32 v33, v1;
	s0 =	sand.u32 $0x78, s0;
	v30 =	vbroadcast v57, $0x0;
	v36 =	vshll.u32 v36, v1;
	v46 =	vld [tilespmem:s24+$0xE0];
	[tilespmem:v28+s18+$0x0] =	vst.idx.msk $0xffff, v50  }
0x28e: {  	v28 =	vbroadcast v33, $0x0;
	v33 =	vbroadcast v36, $0x0;
	v36 =	vmov s0;
	[tilespmem:v35+s18+$0x0] =	vst.idx.msk $0xffff, v53;
	v50 =	vld [tilespmem:s24+$0x1D0]  }
0x28f: {  	v35 =	vbroadcast v47, $0x0;
	v47 =	vor.u32 $0x5, v45;
	v45 =	vadd.s32 v4, v30;
	v51 =	vld [tilespmem:s26+$0xFFFFFE90];
	[tilespmem:v52+s18+$0x0] =	vst.idx.msk $0xffff, v44  }
0x290: {  	v44 =	vbroadcast v41, $0x0;
	v53 =	vadd.s32 v4, v33;
	v33 =	vadd.s32 v31, v33;
	[tilespmem:v32+s18+$0x0] =	vst.idx.msk $0xffff, v54;
	v52 =	vld [tilespmem:s26+$0x20]  }
0x291: {  	v32 =	vadd.s32 v4, v35;
	v54 =	vadd.s32 v31, v35;
	v35 =	vor.u32 $0x7, v45;
	v57 =	vld [tilespmem:s26+$0xFFFFFFA0]  }
0x292: {  	v30 =	vadd.s32 v31, v30;
	v58 =	vadd.s32 v31, v28;
	v45 =	vor.u32 $0x5, v32;
	[tilespmem:v48+s18+$0x0] =	vst.idx.msk $0xffff, v34  }
0x293: {  	v28 =	vadd.s32 v4, v28;
	v32 =	vor.u32 $0x7, v30;
	v41 =	vadd.s32 v4, v44;
	v59 =	vld [tilespmem:s26+$0x110];
	[tilespmem:v27+s18+$0x0] =	vst.idx.msk $0xffff, v50  }
.Ltmp5:
0x294: {  	v30 =	vadd.s32 v31, v44;
	v34 =	vor.u32 $0x7, v26;
	v27 =	vshrl.u32 v36, $0x3;
	[tilespmem:v25+s18+$0x0] =	vst.idx.msk $0xffff, v46;
	v44 =	vld [tilespmem:s24+$0x1E0];
	(pc) =	sbr.rel @p0 .LBB2_13-.Ltmp5, $4  }
0x295: {  	v49 =	vor.u32 $0x5, v49;
	v48 =	vor.u32 $0x7, v23;
	v23 =	vmovc v58;
	v25 =	vshll.u32 v27, v1;
	[tilespmem:v37+s18+$0x0] =	vst.idx.msk $0xffff, v52;
	v36 =	vld [tilespmem:s24+$0xF0]  }
0x296: {  	v46 =	vbroadcast v25, $0x0;
	[tilespmem:v47+s18+$0x0] =	vst.idx.msk $0xffff, v57;
	v52 =	vld [tilespmem:s26+$0x30]  }
0x297: {  	v27 =	vor.u32 $0x6, v33;
	v37 =	vor.u32 $0x6, v55;
	v25 =	vor.u32 $0x7, v28;
	[tilespmem:v43+s18+$0x0] =	vst.idx.msk $0xffff, v51;
	v50 =	vld [tilespmem:s26+$0xFFFFFFB0]  }
0x298: {  	v28 =	vor.u32 $0x6, v53;
	v47 =	vor.u32 $0x5, v54;
	v26 =	vadd.s32 v31, v46;
	v51 =	vld [tilespmem:s26+$0xFFFFFEA0];
	[tilespmem:v56+s18+$0x0] =	vst.idx.msk $0xffff, v59  }
0x299: {  	v31 =	vld [tilespmem:s26+$0x120];
	_ =	sdelay $0x4  }
0x29a: {  	[tilespmem:v8+s18+$0x0] =	vst.idx.msk $0xffff, v31  }
0x29b: {  	v8 =	vld [tilespmem:s28+$0x130];
	_ =	sdelay $0x3  }
0x29c: {  	[tilespmem:v9+s18+$0x0] =	vst.idx.msk $0xffff, v52  }
0x29d: {  	v9 =	vld [tilespmem:s26+$0x40];
	[tilespmem:v5+s18+$0x0] =	vst.idx.msk $0xffff, v8  }
0x29e: {  	v5 =	vld [tilespmem:s28+$0x140];
	_ =	sdelay $0x3  }
0x29f: {  	[tilespmem:v16+s18+$0x0] =	vst.idx.msk $0xffff, v9  }
0x2a0: {  	v43 =	vld [tilespmem:s28+$0x50];
	[tilespmem:v12+s18+$0x0] =	vst.idx.msk $0xffff, v5  }
0x2a1: {  	v5 =	vld [tilespmem:s28+$0x150];
	_ =	sdelay $0x3  }
0x2a2: {  	[tilespmem:v6+s18+$0x0] =	vst.idx.msk $0xffff, v43  }
0x2a3: {  	v6 =	vld [tilespmem:s28+$0x60];
	[tilespmem:v10+s18+$0x0] =	vst.idx.msk $0xffff, v5  }
0x2a4: {  	v5 =	vld [tilespmem:s28+$0x160];
	_ =	sdelay $0x3  }
0x2a5: {  	[tilespmem:v18+s18+$0x0] =	vst.idx.msk $0xffff, v6  }
0x2a6: {  	v6 =	vld [tilespmem:s28+$0x70];
	[tilespmem:v11+s18+$0x0] =	vst.idx.msk $0xffff, v5  }
0x2a7: {  	v5 =	vld [tilespmem:s28+$0x170];
	_ =	sdelay $0x3  }
0x2a8: {  	[tilespmem:v17+s18+$0x0] =	vst.idx.msk $0xffff, v6  }
0x2a9: {  	v6 =	vld [tilespmem:s28+$0x80];
	[tilespmem:v7+s18+$0x0] =	vst.idx.msk $0xffff, v5  }
0x2aa: {  	v5 =	vld [tilespmem:s28+$0x180];
	_ =	sdelay $0x3  }
0x2ab: {  	[tilespmem:v19+s18+$0x0] =	vst.idx.msk $0xffff, v6  }
0x2ac: {  	v6 =	vld [tilespmem:s28+$0x90];
	[tilespmem:v15+s18+$0x0] =	vst.idx.msk $0xffff, v5  }
0x2ad: {  	v5 =	vld [tilespmem:s28+$0x190];
	_ =	sdelay $0x3  }
0x2ae: {  	[tilespmem:v13+s18+$0x0] =	vst.idx.msk $0xffff, v6  }
0x2af: {  	v6 =	vld [tilespmem:s28+$0xA0];
	[tilespmem:v14+s18+$0x0] =	vst.idx.msk $0xffff, v5  }
0x2b0: {  	v5 =	vld [tilespmem:s28+$0x1A0];
	_ =	sdelay $0x2  }
0x2b1: {  	[tilespmem:v45+s18+$0x0] =	vst.idx.msk $0xffff, v51  }
0x2b2: {  	v45 =	vld [tilespmem:s28+$0xFFFFFEB0];
	[tilespmem:v24+s18+$0x0] =	vst.idx.msk $0xffff, v6  }
0x2b3: {  	v6 =	vld [tilespmem:s28+$0xB0];
	[tilespmem:v20+s18+$0x0] =	vst.idx.msk $0xffff, v5  }
0x2b4: {  	v5 =	vld [tilespmem:s28+$0x1B0];
	_ =	sdelay $0x1  }
0x2b5: {  	[tilespmem:v49+s18+$0x0] =	vst.idx.msk $0xffff, v50  }
0x2b6: {  	v51 =	vor.u32 $0x6, v39;
	v52 =	vld [tilespmem:s26+$0xFFFFFFC0];
	[tilespmem:v47+s18+$0x0] =	vst.idx.msk $0xffff, v45  }
0x2b7: {  	v7 =	vld [tilespmem:s28+$0xFFFFFEC0];
	[tilespmem:v22+s18+$0x0] =	vst.idx.msk $0xffff, v6  }
0x2b8: {  	v53 =	vor.u32 $0x6, v41;
	v54 =	vld [tilespmem:s28+$0xC0];
	[tilespmem:v21+s18+$0x0] =	vst.idx.msk $0xffff, v5  }
0x2b9: {  	v5 =	vld [tilespmem:s28+$0x1C0];
	_ =	sdelay $0x1  }
0x2ba: {  	[tilespmem:v51+s18+$0x0] =	vst.idx.msk $0xffff, v52  }
0x2bb: {  	v57 =	vor.u32 $0x6, v38;
	v58 =	vld [tilespmem:s28+$0xFFFFFFD0];
	[tilespmem:v37+s18+$0x0] =	vst.idx.msk $0xffff, v7  }
0x2bc: {  	v55 =	vor.u32 $0x6, v42;
	v56 =	vld [tilespmem:s28+$0xFFFFFED0];
	[tilespmem:v53+s18+$0x0] =	vst.idx.msk $0xffff, v54  }
0x2bd: {  	v59 =	vor.u32 $0x6, v30;
	v10 =	vld [tilespmem:s28+$0xD0];
	[tilespmem:v28+s18+$0x0] =	vst.idx.msk $0xffff, v5  }
0x2be: {  	v5 =	vld [tilespmem:s28+$0x1D0];
	_ =	sdelay $0x1  }
0x2bf: {  	[tilespmem:v57+s18+$0x0] =	vst.idx.msk $0xffff, v58  }
0x2c0: {  	v9 =	vld [tilespmem:s28+$0xFFFFFFE0];
	[tilespmem:v55+s18+$0x0] =	vst.idx.msk $0xffff, v56  }
0x2c1: {  	v60 =	vor.u32 $0x7, v40;
	v8 =	vld [tilespmem:s28+$0xFFFFFEE0];
	[tilespmem:v59+s18+$0x0] =	vst.idx.msk $0xffff, v10  }
0x2c2: {  	v4 =	vadd.s32 v4, v46;
	v6 =	vld [tilespmem:s28+$0xE0];
	[tilespmem:v27+s18+$0x0] =	vst.idx.msk $0xffff, v5  }
0x2c3: {  	v4 =	vor.u32 $0x7, v4;
	v5 =	vld [tilespmem:s28+$0x1E0]  }
0x2c4: {  	[tilespmem:v3+s18+$0x0] =	vst.idx.msk $0xffff, v44  }
0x2c5: {  	v3 =	vld [tilespmem:s24+$0x1F0];
	[tilespmem:v35+s18+$0x0] =	vst.idx.msk $0xffff, v9  }
0x2c6: {  	v61 =	vld [tilespmem:s28+$0xFFFFFFF0];
	[tilespmem:v60+s18+$0x0] =	vst.idx.msk $0xffff, v8  }
0x2c7: {  	v7 =	vld [tilespmem:s28+$0xFFFFFEF0];
	[tilespmem:v25+s18+$0x0] =	vst.idx.msk $0xffff, v6  }
0x2c8: {  	v62 =	vor.u32 $0x7, v23;
	v6 =	vld [tilespmem:s28+$0xF0];
	[tilespmem:v4+s18+$0x0] =	vst.idx.msk $0xffff, v5  }
0x2c9: {  	v63 =	vor.u32 $0x7, v26;
	[tilespmem:v48+s18+$0x0] =	vst.idx.msk $0xffff, v36;
	v5 =	vld [tilespmem:s28+$0x1F0]  }
0x2ca: {  	[tilespmem:v34+s18+$0x0] =	vst.idx.msk $0xffff, v3  }
0x2cb: {  	s0 =	sshll.u32 s22, $0x10;
	s1 =	sshll.u32 s23, $0xA;
	[tilespmem:v32+s18+$0x0] =	vst.idx.msk $0xffff, v61  }
0x2cc: {  	s1 =	sor.u32 s0, s1;
	[tilespmem:v29+s18+$0x0] =	vst.idx.msk $0xffff, v7  }
0x2cd: {  	s23 =	simm.s32 $0x10800;
	s22 =	sadd.s32 s2, s1;
	[tilespmem:v62+s18+$0x0] =	vst.idx.msk $0xffff, v6  }
0x2ce: {  	s25 =	simm.s32 $0x10888;
	s24 =	simm.s32 $0x10;
	s26 =	sadd.s32 $0x0, s22;
	[tilespmem:v63+s18+$0x0] =	vst.idx.msk $0xffff, v5  }
.LBB2_15:
0x2cf: {  	[hbm4b:s26+s3] =	stream.linear.scatter [tilespmem:s23], [sflag:$0x3], $0x80, $0x38;
	[tilespmem:$0x19000] =	vst v63  }
0x2d0: {  	s0 =	smov.u32 s24;
	s23 =	smov.u32 s25;
	p0 =	sne.s32 s24, $0x3F0  }
.Ltmp6:
0x2d1: {  	s24 =	sadd.s32 $0x10, s24;
	(pc) =	sbr.rel @p0 .LBB2_15-.Ltmp6, $2  }
0x2d2: {  	_ =	sdelay $0x2  }
0x2d3: {  	s25 =	sadd.s32 $0x88, s25;
	s26 =	sadd.s32 s0, s22  }
0x2d4: {  	[hbm4b:s26+s3] =	stream.linear.scatter [tilespmem:s23], [sflag:$0x3], $0x80, $0x38;
	[tilespmem:$0x19000] =	vst v63  }
0x2d5: {  	s22 =	sadd.s32 s1, s8;
	_ =	swait.ge [sflag:s13], $0x2000  }
0x2d6: {  	s23 =	simm.s32 $0x12A00;
	s24 =	simm.s32 $0x10;
	[sflag:s13] =	ssyncset.done $0x0  }
0x2d7: {  	s25 =	simm.s32 $0x12A88;
	s26 =	sadd.s32 $0x0, s22;
	[sflag:s13] =	ssyncadd.s32 $0xFFFFE000  }
.LBB2_17:
0x2d8: {  	[hbm4b:s26+s3] =	stream.linear.scatter [tilespmem:s23], [sflag:$0x3], $0x80, $0x38;
	[tilespmem:$0x19000] =	vst v63  }
0x2d9: {  	s0 =	smov.u32 s24;
	s23 =	smov.u32 s25;
	p0 =	sne.s32 s24, $0x3F0  }
.Ltmp7:
0x2da: {  	s24 =	sadd.s32 $0x10, s24;
	(pc) =	sbr.rel @p0 .LBB2_17-.Ltmp7, $2  }
0x2db: {  	_ =	sdelay $0x2  }
0x2dc: {  	s25 =	sadd.s32 $0x88, s25;
	s26 =	sadd.s32 s0, s22  }
0x2dd: {  	[hbm4b:s26+s3] =	stream.linear.scatter [tilespmem:s23], [sflag:$0x3], $0x80, $0x38;
	[tilespmem:$0x19000] =	vst v63  }
0x2de: {  	s22 =	sadd.s32 s1, s9;
	_ =	swait.ge [sflag:s13], $0x2000  }
0x2df: {  	s23 =	simm.s32 $0x14C00;
	s24 =	simm.s32 $0x10;
	[sflag:s13] =	ssyncset.done $0x0  }
0x2e0: {  	s25 =	simm.s32 $0x14C88;
	s26 =	sadd.s32 $0x0, s22;
	[sflag:s13] =	ssyncadd.s32 $0xFFFFE000  }
.LBB2_19:
0x2e1: {  	[hbm4b:s26+s3] =	stream.linear.scatter [tilespmem:s23], [sflag:$0x3], $0x80, $0x38;
	[tilespmem:$0x19000] =	vst v63  }
0x2e2: {  	s0 =	smov.u32 s24;
	s23 =	smov.u32 s25;
	p0 =	sne.s32 s24, $0x3F0  }
.Ltmp8:
0x2e3: {  	s24 =	sadd.s32 $0x10, s24;
	(pc) =	sbr.rel @p0 .LBB2_19-.Ltmp8, $2  }
0x2e4: {  	_ =	sdelay $0x2  }
0x2e5: {  	s25 =	sadd.s32 $0x88, s25;
	s26 =	sadd.s32 s0, s22  }
0x2e6: {  	[hbm4b:s26+s3] =	stream.linear.scatter [tilespmem:s23], [sflag:$0x3], $0x80, $0x38;
	[tilespmem:$0x19000] =	vst v63  }
0x2e7: {  	s1 =	sadd.s32 s1, s10;
	_ =	swait.ge [sflag:s13], $0x2000  }
0x2e8: {  	s22 =	simm.s32 $0x16E00;
	s23 =	simm.s32 $0x10;
	[sflag:s13] =	ssyncset.done $0x0  }
0x2e9: {  	s24 =	simm.s32 $0x16E88;
	s25 =	sadd.s32 $0x0, s1;
	[sflag:s13] =	ssyncadd.s32 $0xFFFFE000  }
.LBB2_21:
0x2ea: {  	[hbm4b:s25+s3] =	stream.linear.scatter [tilespmem:s22], [sflag:$0x3], $0x80, $0x38;
	[tilespmem:$0x19000] =	vst v63  }
0x2eb: {  	s0 =	smov.u32 s23;
	s22 =	smov.u32 s24;
	p0 =	sne.s32 s23, $0x3F0  }
.Ltmp9:
0x2ec: {  	s23 =	sadd.s32 $0x10, s23;
	(pc) =	sbr.rel @p0 .LBB2_21-.Ltmp9, $2  }
0x2ed: {  	_ =	sdelay $0x2  }
0x2ee: {  	s24 =	sadd.s32 $0x88, s24;
	s25 =	sadd.s32 s0, s1  }
0x2ef: {  	s21 =	sadd.s32 $0x1, s21  }
0x2f0: {  	p0 =	sne.s32 s21, $0x19  }
.Ltmp10:
0x2f1: {  	_ = 	snop;
	(pc) =	sbr.rel @p0 .LBB2_2-.Ltmp10, $4  }
0x2f2: {  	[hbm4b:s25+s3] =	stream.linear.scatter [tilespmem:s22], [sflag:$0x3], $0x80, $0x38;
	[tilespmem:$0x19000] =	vst v63  }
0x2f3: {  	_ =	swait.ge [sflag:s13], $0x2000  }
0x2f4: {  	[sflag:s13] =	ssyncset.done $0x0  }
0x2f5: {  	[sflag:s13] =	ssyncadd.s32 $0xFFFFE000  }
0x2f6: {  	s1 =	rddreg [dreg:$0x5]  }
0x2f7: {  	s0 =	rddreg [dreg:$0x4];
	s1 =	sadd.s32 $0x1, s1  }
0x2f8: {  	p0 =	sne.s32 s1, s0  }
.Ltmp11:
0x2f9: {  	_ = 	snop;
	(pc) =	sbr.rel @p0 .LBB2_1-.Ltmp11, $1  }
0x2fa: {  	_ =	sdelay $0x3  }
0x2fb: {  	_ =	sfence.sel $0x180000  }
0x2fc: {  	[bflag:$0x0] =	sbarrier.arrive $0xFFFF  }
0x2fd: {  	_ =	strace $0x90000047  }
0x2fe: {  	s0 =	stileid.u32;
	[bflag:$0x2] =	sbarrier.arrive $0xFFFF  }
0x2ff: {  	p0 =	sne.s32 s0, $0x0;
	s0 =	rddreg [dreg:$0x2]  }
0x300: {  	s0 =	sadd.s32 @!p0 $0x100000, s0  }
0x301: {  	[sflag:s0] =	ssyncadd.tile.s32 @!p0 $0x1;
	_ =	shalt  }
.Lfunc_end2:
_tile_overlayer_lowered:
.L_overlay_start_2:
0x302: {  	(tag) =	ssettag $0x2  }
0x303: {  	s0 =	rddreg [dreg:$0x0];
	s2 =	stileid.u32  }
0x304: {  	s1 =	rddreg [dreg:$0x1];
	p0 =	sne.s32 s2, $0x0  }
0x305: {  	s3 =	rddreg [dreg:$0x2];
	[bflag:$0x3] =	sbarrier.arrive $0xFFFF;
	s2 =	simm.s32 @!p0 $0x1C03  }
0x306: {  	[timem:s3], [sflag:s2] =	dma.local @!p0 [hbm:s0], s1  }
0x307: {  	s0 =	simm.s32 @!p0 $0x3  }
0x308: {  	_ =	swait.ge @!p0 [sflag:s0], s1  }
0x309: {  	s1 =	ssub.s32 @!p0 $0x0, s1;
	[sflag:s0] =	ssyncset.done @!p0 $0x0  }
0x30a: {  	[sflag:s0] =	ssyncadd.s32 @!p0 s1  }
0x30b: {  	[bflag:$0x3] =	sbarrier.arrive $0xFFFF  }
0x30c: {  	_ =	shalt  }

</sc_bundles>
